<compile_context>
chip_gen: v7x
topology: tpu7x:2x2x1
jax: 0.10.2.dev20260603
libtpu: 0.0.44.dev20260713+nightly
codegen_flags: <defaults>
</compile_context>

<pallas_src>
import functools

import jax
import jax.numpy as jnp
from jax import lax
from jax.experimental import pallas as pl
from jax.experimental.pallas import tpu as pltpu
from jax.experimental.pallas import tpu_sc as plsc



def _stage1_body(f_ref, w1_ref, out_ref):
    c = f_ref.shape[1]
    w1 = w1_ref[...]
    wb = (w1[:, c:2 * c] + w1[:, 2 * c:]).astype(jnp.bfloat16)
    r = lax.dot_general(f_ref[...].astype(jnp.bfloat16), wb,
                        (((1,), (1,)), ((), ())),
                        preferred_element_type=jnp.float32)
    hh = r.shape[1] // 2
    lo = lax.bitcast_convert_type(
        r[:, :hh].astype(jnp.bfloat16).astype(jnp.float32), jnp.uint32)
    hi = lax.bitcast_convert_type(
        r[:, hh:].astype(jnp.bfloat16).astype(jnp.float32), jnp.uint32)
    word = hi | lax.shift_right_logical(lo, jnp.uint32(16))
    out_ref[...] = lax.bitcast_convert_type(word, jnp.float32)



@functools.cache
def _make_gather(nk, hw, chunk):
    info = plsc.get_sparse_core_info()
    nw = info.num_cores * info.num_subcores
    per_w = nk // nw
    nch = per_w // chunk
    mesh = plsc.VectorSubcoreMesh(core_axis_name="c", subcore_axis_name="s")
    nbuf = 4

    def body(table_hbm, idx_hbm, out_hbm, idx_v, rows_v, *sems):
        gsems, osems = sems[:nbuf], sems[nbuf:]
        wid = lax.axis_index("s") * info.num_cores + lax.axis_index("c")
        base = wid * per_w
        pltpu.sync_copy(idx_hbm.at[pl.ds(base, per_w)], idx_v)

        def start_gather(c):
            pltpu.async_copy(
                table_hbm.at[idx_v.at[pl.ds(c * chunk, chunk)]],
                rows_v.at[c % nbuf], gsems[c % nbuf])

        for c in range(min(2, nch)):
            start_gather(c)
        for c in range(nch):
            p = c % nbuf
            pltpu.make_async_copy(
                table_hbm.at[idx_v.at[pl.ds(c * chunk, chunk)]],
                rows_v.at[p], gsems[p]).wait()
            pltpu.async_copy(
                rows_v.at[p], out_hbm.at[pl.ds(base + c * chunk, chunk)],
                osems[p])
            nxt = c + 2
            if nxt < nch:
                q = nxt % nbuf
                if nxt >= nbuf:
                    pltpu.make_async_copy(
                        rows_v.at[q],
                        out_hbm.at[pl.ds(base + (nxt - nbuf) * chunk, chunk)],
                        osems[q]).wait()
                start_gather(nxt)
        for c in range(max(nch - nbuf, 0), nch):
            p = c % nbuf
            pltpu.make_async_copy(
                rows_v.at[p], out_hbm.at[pl.ds(base + c * chunk, chunk)],
                osems[p]).wait()

    return pl.kernel(
        body,
        out_type=jax.ShapeDtypeStruct((nk, hw), jnp.float32),
        mesh=mesh,
        scratch_types=[
            pltpu.VMEM((per_w,), jnp.int32),
            pltpu.VMEM((nbuf, chunk, hw), jnp.float32),
        ] + [pltpu.SemaphoreType.DMA] * (2 * nbuf),
    )



def _stage3_body(f_ref, g_ref, w1_ref, b1_ref, w2_ref, b2_ref, w3_ref,
                 b3_ref, out_ref):
    bn, c = f_ref.shape
    k = g_ref.shape[0]
    h = w2_ref.shape[0]
    hh = h // 2
    w1 = w1_ref[...]
    wa = (w1[:, :c] - w1[:, 2 * c:]).astype(jnp.bfloat16)
    a = lax.dot_general(f_ref[...].astype(jnp.bfloat16), wa,
                        (((1,), (1,)), ((), ())),
                        preferred_element_type=jnp.float32) + b1_ref[...]
    word = lax.bitcast_convert_type(g_ref[...], jnp.uint32)
    g_lo = lax.bitcast_convert_type(
        lax.shift_left(word, jnp.uint32(16)), jnp.float32)
    g_hi = lax.bitcast_convert_type(word & jnp.uint32(0xFFFF0000), jnp.float32)
    h1_lo = jnp.maximum(g_lo + a[None, :, :hh],
                        0.0).reshape(k * bn, hh).astype(jnp.bfloat16)
    h1_hi = jnp.maximum(g_hi + a[None, :, hh:],
                        0.0).reshape(k * bn, hh).astype(jnp.bfloat16)
    w2 = w2_ref[...]
    h2 = (lax.dot_general(h1_lo, w2[:, :hh], (((1,), (1,)), ((), ())),
                          preferred_element_type=jnp.float32)
          + lax.dot_general(h1_hi, w2[:, hh:], (((1,), (1,)), ((), ())),
                            preferred_element_type=jnp.float32))
    pooled = jnp.max(h2.reshape(k, bn, h), axis=0)
    pooled = jnp.maximum(pooled + b2_ref[...], 0.0)
    out_ref[...] = lax.dot_general(
        pooled, w3_ref[...], (((1,), (1,)), ((), ())),
        preferred_element_type=jnp.float32) + b3_ref[...]


def kernel(f, knn_idx, W1, b1, W2, b2, W3, b3):
    B, N, C = f.shape
    K = knn_idx.shape[-1]
    H = W1.shape[0]
    O = W3.shape[0]
    NK = N * K
    BN = 1000
    S = 5
    NSL = N // S

    f2 = f.reshape(N, C)
    idx2 = knn_idx.reshape(N, K).astype(jnp.int32)

    table = pl.pallas_call(
        _stage1_body,
        out_shape=jax.ShapeDtypeStruct((N, H // 2), jnp.float32),
    )(f2, W1)

    gather = _make_gather(NK // S, H // 2, 200)
    w2b = W2.astype(jnp.bfloat16)
    b1r, b2r, b3r = b1.reshape(1, H), b2.reshape(1, H), b3.reshape(1, O)

    stage3 = pl.pallas_call(
        _stage3_body,
        grid=(NSL // BN,),
        in_specs=[
            pl.BlockSpec((BN, C), lambda i: (i, 0)),
            pl.BlockSpec((K, BN, H // 2), lambda i: (0, i, 0)),
            pl.BlockSpec((H, 3 * C), lambda i: (0, 0)),
            pl.BlockSpec((1, H), lambda i: (0, 0)),
            pl.BlockSpec((H, H), lambda i: (0, 0)),
            pl.BlockSpec((1, H), lambda i: (0, 0)),
            pl.BlockSpec((O, H), lambda i: (0, 0)),
            pl.BlockSpec((1, O), lambda i: (0, 0)),
        ],
        out_specs=pl.BlockSpec((BN, O), lambda i: (i, 0)),
        out_shape=jax.ShapeDtypeStruct((NSL, O), jnp.float32),
    )

    outs = []
    for s in range(S):
        idx_s = idx2[s * NSL:(s + 1) * NSL].T.reshape(NSL * K)
        g_s = gather(table, idx_s).reshape(K, NSL, H // 2)
        outs.append(stage3(
            lax.slice(f2, (s * NSL, 0), ((s + 1) * NSL, C)), g_s,
            W1, b1r, w2b, b2r, W3, b3r))
    out = jnp.concatenate(outs, axis=0)

    return out.reshape(B, N, O)

# --- scband reference (transcript-rebuilt; emitter-appended) ---
"""Pipeline reference for scband-knn-conv-unit-37056977829901 (READ-ONLY COPY).

The authoritative reference and input builder live on the scoring server;
editing this copy changes nothing except your own understanding.
"""

import jax, jax.numpy as jnp
import numpy as np

B, N, K, C, H, O = 1, 10000, 16, 128, 256, 256

def setup_inputs(seed: int = 0) -> dict:
    key = jax.random.key(seed)
    ks = jax.random.split(key, 8)
    f = jax.random.normal(ks[0], (B, N, C), dtype=jnp.float32)
    knn_idx = jax.random.randint(ks[1], (B, N, K), 0, N, dtype=jnp.int64)
    # Linear layers: PyTorch default init ~ U(-1/sqrt(fan_in), 1/sqrt(fan_in))
    lim1 = 1.0 / np.sqrt(3 * C)
    W1 = jax.random.uniform(ks[2], (H, 3 * C), minval=-lim1, maxval=lim1, dtype=jnp.float32)
    b1 = jax.random.uniform(ks[3], (H,), minval=-lim1, maxval=lim1, dtype=jnp.float32)
    lim2 = 1.0 / np.sqrt(H)
    W2 = jax.random.uniform(ks[4], (H, H), minval=-lim2, maxval=lim2, dtype=jnp.float32)
    b2 = jax.random.uniform(ks[5], (H,), minval=-lim2, maxval=lim2, dtype=jnp.float32)
    # linear3: normal(0, 0.05) weight, zero bias per module init
    W3 = jax.random.normal(ks[6], (O, H), dtype=jnp.float32) * 0.05
    b3 = jnp.zeros((O,), dtype=jnp.float32)
    return {"f": f, "knn_idx": knn_idx, "W1": W1, "b1": b1, "W2": W2, "b2": b2, "W3": W3, "b3": b3}

def reference(f, knn_idx, W1, b1, W2, b2, W3, b3):
    # knn_gather: knn_feat[b, n, j, :] = f[b, knn_idx[b, n, j], :]
    knn_feat = jax.vmap(lambda fb, ib: fb[ib])(f, knn_idx)  # [B, N, K, C]
    f_tiled = jnp.broadcast_to(f[:, :, None, :], knn_feat.shape)  # [B, N, K, C]
    x = jnp.concatenate([f_tiled, knn_feat, knn_feat - f_tiled], axis=-1)  # [B, N, K, 3C]
    x = jax.nn.relu(x @ W1.T + b1)
    x = jax.nn.relu(x @ W2.T + b2)
    x = jnp.max(x, axis=2)  # [B, N, H]
    x = x @ W3.T + b3  # [B, N, O]
    return x

if __name__ == "__main__":
    import jax
    _d = setup_inputs()
    print(jax.jit(kernel)(*tuple(_d.values())))

</pallas_src>

<mosaic_0001>
#map = affine_map<(d0, d1) -> (0, 0)>
#map1 = affine_map<(d0, d1) -> (0)>
module attributes {stable_mosaic.version = 14 : i64} {
  func.func @body(%arg0: i32, %arg1: i32, %arg2: memref<10000x128xf32, #tpu.memory_space<hbm>>, %arg3: memref<32000xi32, #tpu.memory_space<hbm>>, %arg4: memref<32000x128xf32, #tpu.memory_space<hbm>>, %arg5: memref<1000xi32, #tpu.memory_space<vmem>>, %arg6: memref<4x200x128xf32, #tpu.memory_space<vmem>>, %arg7: memref<!tpu.dma_semaphore, #tpu.memory_space<semaphore_mem>>, %arg8: memref<!tpu.dma_semaphore, #tpu.memory_space<semaphore_mem>>, %arg9: memref<!tpu.dma_semaphore, #tpu.memory_space<semaphore_mem>>, %arg10: memref<!tpu.dma_semaphore, #tpu.memory_space<semaphore_mem>>, %arg11: memref<!tpu.dma_semaphore, #tpu.memory_space<semaphore_mem>>, %arg12: memref<!tpu.dma_semaphore, #tpu.memory_space<semaphore_mem>>, %arg13: memref<!tpu.dma_semaphore, #tpu.memory_space<semaphore_mem>>, %arg14: memref<!tpu.dma_semaphore, #tpu.memory_space<semaphore_mem>>) attributes {dimension_semantics = [#tpu.dimension_semantics<core_parallel>, #tpu.dimension_semantics<subcore_parallel>], iteration_bounds = array<i64: 2, 16>, scalar_prefetch = 0 : i64, scratch_operands = 10 : i64, tpu.core_type = #tpu.core_type<sc_vector_subcore>, window_params = [{transform_indices = #map}, {transform_indices = #map1}, {transform_indices = #map}]} {
    %mul3A = arith.constant 2 : i32
    %mul3A_0 = arith.muli %arg1, %mul3A : i32
    %add3A = arith.addi %mul3A_0, %arg0 : i32
    %mul3A_1 = arith.constant 1000 : i32
    %mul3A_2 = arith.muli %add3A, %mul3A_1 : i32
    "tpu.region"() ({
      %run_scoped3A = tpu.sem_alloc : memref<!tpu.dma_semaphore, #tpu.memory_space<semaphore_mem>>
      %dma_start3A_251 = tpu.memref_slice %arg3[%mul3A_2] : memref<32000xi32, #tpu.memory_space<hbm>> -> memref<1000xi32, #tpu.memory_space<hbm>>
      %dma_start3A_252 = tpu.memref_slice %arg3[%mul3A_2] : memref<32000xi32, #tpu.memory_space<hbm>> -> memref<1000xi32, #tpu.memory_space<hbm>>
      tpu.enqueue_dma source(%dma_start3A_252 : memref<1000xi32, #tpu.memory_space<hbm>>) target(%arg5 : memref<1000xi32, #tpu.memory_space<vmem>>) target_semaphore(%run_scoped3A : memref<!tpu.dma_semaphore, #tpu.memory_space<semaphore_mem>>)
      %dma_wait3A_253 = tpu.memref_slice %arg3[%mul3A_2] : memref<32000xi32, #tpu.memory_space<hbm>> -> memref<1000xi32, #tpu.memory_space<hbm>>
      %dma_wait3A_254 = tpu.memref_slice %arg3[%mul3A_2] : memref<32000xi32, #tpu.memory_space<hbm>> -> memref<1000xi32, #tpu.memory_space<hbm>>
      tpu.wait_dma2 semaphore(%run_scoped3A : memref<!tpu.dma_semaphore, #tpu.memory_space<semaphore_mem>>) src(%dma_wait3A_254 : memref<1000xi32, #tpu.memory_space<hbm>>) dst(%arg5 : memref<1000xi32, #tpu.memory_space<vmem>>)
      tpu.yield
    }) : () -> ()
    %dma_start3A = arith.constant 0 : i32
    %dma_start3A_3 = arith.constant 0 : i32
    %dma_start3A_4 = arith.constant 0 : i32
    %dma_start3A_5 = tpu.memref_slice %arg6[%dma_start3A, %dma_start3A_3, %dma_start3A_4] : memref<4x200x128xf32, #tpu.memory_space<vmem>> -> memref<1x200x128xf32, #tpu.memory_space<vmem>>
    %dma_start3A_6 = tpu.memref_squeeze %dma_start3A_5 : memref<1x200x128xf32, #tpu.memory_space<vmem>> -> memref<200x128xf32, #tpu.memory_space<vmem>>
    %dma_start3A_7 = arith.constant 0 : i32
    %dma_start3A_8 = tpu.memref_slice %arg5[%dma_start3A_7] : memref<1000xi32, #tpu.memory_space<vmem>> -> memref<200xi32, #tpu.memory_space<vmem>>
    %dma_start3A_9 = arith.constant 0 : i32
    %dma_start3A_10 = arith.constant 0 : i32
    %dma_start3A_11 = tpu.memref_slice %arg2[%dma_start3A_9, %dma_start3A_10] : memref<10000x128xf32, #tpu.memory_space<hbm>> -> memref<10000x128xf32, #tpu.memory_space<hbm>>
    tpu.enqueue_indirect_dma source(%dma_start3A_11 : memref<10000x128xf32, #tpu.memory_space<hbm>>) target(%dma_start3A_6 : memref<200x128xf32, #tpu.memory_space<vmem>>) offsets(%dma_start3A_8 : memref<200xi32, #tpu.memory_space<vmem>>) semaphore(%arg7 : memref<!tpu.dma_semaphore, #tpu.memory_space<semaphore_mem>>)
    %dma_start3A_12 = arith.constant 1 : i32
    %dma_start3A_13 = arith.constant 0 : i32
    %dma_start3A_14 = arith.constant 0 : i32
    %dma_start3A_15 = tpu.memref_slice %arg6[%dma_start3A_12, %dma_start3A_13, %dma_start3A_14] : memref<4x200x128xf32, #tpu.memory_space<vmem>> -> memref<1x200x128xf32, #tpu.memory_space<vmem>>
    %dma_start3A_16 = tpu.memref_squeeze %dma_start3A_15 : memref<1x200x128xf32, #tpu.memory_space<vmem>> -> memref<200x128xf32, #tpu.memory_space<vmem>>
    %dma_start3A_17 = arith.constant 200 : i32
    %dma_start3A_18 = tpu.memref_slice %arg5[%dma_start3A_17] : memref<1000xi32, #tpu.memory_space<vmem>> -> memref<200xi32, #tpu.memory_space<vmem>>
    %dma_start3A_19 = arith.constant 0 : i32
    %dma_start3A_20 = arith.constant 0 : i32
    %dma_start3A_21 = tpu.memref_slice %arg2[%dma_start3A_19, %dma_start3A_20] : memref<10000x128xf32, #tpu.memory_space<hbm>> -> memref<10000x128xf32, #tpu.memory_space<hbm>>
    tpu.enqueue_indirect_dma source(%dma_start3A_21 : memref<10000x128xf32, #tpu.memory_space<hbm>>) target(%dma_start3A_16 : memref<200x128xf32, #tpu.memory_space<vmem>>) offsets(%dma_start3A_18 : memref<200xi32, #tpu.memory_space<vmem>>) semaphore(%arg8 : memref<!tpu.dma_semaphore, #tpu.memory_space<semaphore_mem>>)
    %dma_wait3A = arith.constant 0 : i32
    %dma_wait3A_22 = arith.constant 0 : i32
    %dma_wait3A_23 = arith.constant 0 : i32
    %dma_wait3A_24 = tpu.memref_slice %arg6[%dma_wait3A, %dma_wait3A_22, %dma_wait3A_23] : memref<4x200x128xf32, #tpu.memory_space<vmem>> -> memref<1x200x128xf32, #tpu.memory_space<vmem>>
    %dma_wait3A_25 = tpu.memref_squeeze %dma_wait3A_24 : memref<1x200x128xf32, #tpu.memory_space<vmem>> -> memref<200x128xf32, #tpu.memory_space<vmem>>
    %dma_wait3A_26 = arith.constant 0 : i32
    %dma_wait3A_27 = tpu.memref_slice %arg5[%dma_wait3A_26] : memref<1000xi32, #tpu.memory_space<vmem>> -> memref<200xi32, #tpu.memory_space<vmem>>
    %dma_wait3A_28 = arith.constant 0 : i32
    %dma_wait3A_29 = arith.constant 0 : i32
    %dma_wait3A_30 = tpu.memref_slice %arg2[%dma_wait3A_28, %dma_wait3A_29] : memref<10000x128xf32, #tpu.memory_space<hbm>> -> memref<10000x128xf32, #tpu.memory_space<hbm>>
    tpu.wait_indirect_dma semaphore(%arg7 : memref<!tpu.dma_semaphore, #tpu.memory_space<semaphore_mem>>) src(%dma_wait3A_30 : memref<10000x128xf32, #tpu.memory_space<hbm>>) dst(%dma_wait3A_25 : memref<200x128xf32, #tpu.memory_space<vmem>>)
    %add3A_31 = arith.constant 0 : i32
    %add3A_32 = arith.addi %mul3A_2, %add3A_31 : i32
    %dma_start3A_33 = arith.constant 0 : i32
    %dma_start3A_34 = arith.constant 0 : i32
    %dma_start3A_35 = arith.constant 0 : i32
    %dma_start3A_36 = tpu.memref_slice %arg6[%dma_start3A_33, %dma_start3A_34, %dma_start3A_35] : memref<4x200x128xf32, #tpu.memory_space<vmem>> -> memref<1x200x128xf32, #tpu.memory_space<vmem>>
    %dma_start3A_37 = tpu.memref_squeeze %dma_start3A_36 : memref<1x200x128xf32, #tpu.memory_space<vmem>> -> memref<200x128xf32, #tpu.memory_space<vmem>>
    %dma_start3A_38 = arith.constant 0 : i32
    %dma_start3A_39 = tpu.memref_slice %arg4[%add3A_32, %dma_start3A_38] : memref<32000x128xf32, #tpu.memory_space<hbm>> -> memref<200x128xf32, #tpu.memory_space<hbm>>
    %dma_start3A_40 = arith.constant 0 : i32
    %dma_start3A_41 = tpu.memref_slice %arg4[%add3A_32, %dma_start3A_40] : memref<32000x128xf32, #tpu.memory_space<hbm>> -> memref<200x128xf32, #tpu.memory_space<hbm>>
    %dma_start3A_42 = arith.constant 0 : i32
    %dma_start3A_43 = arith.constant 0 : i32
    %dma_start3A_44 = tpu.memref_slice %arg6[%dma_start3A_33, %dma_start3A_42, %dma_start3A_43] : memref<4x200x128xf32, #tpu.memory_space<vmem>> -> memref<1x200x128xf32, #tpu.memory_space<vmem>>
    %dma_start3A_45 = tpu.memref_squeeze %dma_start3A_44 : memref<1x200x128xf32, #tpu.memory_space<vmem>> -> memref<200x128xf32, #tpu.memory_space<vmem>>
    tpu.enqueue_dma source(%dma_start3A_45 : memref<200x128xf32, #tpu.memory_space<vmem>>) target(%dma_start3A_41 : memref<200x128xf32, #tpu.memory_space<hbm>>) target_semaphore(%arg11 : memref<!tpu.dma_semaphore, #tpu.memory_space<semaphore_mem>>)
    %dma_start3A_46 = arith.constant 2 : i32
    %dma_start3A_47 = arith.constant 0 : i32
    %dma_start3A_48 = arith.constant 0 : i32
    %dma_start3A_49 = tpu.memref_slice %arg6[%dma_start3A_46, %dma_start3A_47, %dma_start3A_48] : memref<4x200x128xf32, #tpu.memory_space<vmem>> -> memref<1x200x128xf32, #tpu.memory_space<vmem>>
    %dma_start3A_50 = tpu.memref_squeeze %dma_start3A_49 : memref<1x200x128xf32, #tpu.memory_space<vmem>> -> memref<200x128xf32, #tpu.memory_space<vmem>>
    %dma_start3A_51 = arith.constant 400 : i32
    %dma_start3A_52 = tpu.memref_slice %arg5[%dma_start3A_51] : memref<1000xi32, #tpu.memory_space<vmem>> -> memref<200xi32, #tpu.memory_space<vmem>>
    %dma_start3A_53 = arith.constant 0 : i32
    %dma_start3A_54 = arith.constant 0 : i32
    %dma_start3A_55 = tpu.memref_slice %arg2[%dma_start3A_53, %dma_start3A_54] : memref<10000x128xf32, #tpu.memory_space<hbm>> -> memref<10000x128xf32, #tpu.memory_space<hbm>>
    tpu.enqueue_indirect_dma source(%dma_start3A_55 : memref<10000x128xf32, #tpu.memory_space<hbm>>) target(%dma_start3A_50 : memref<200x128xf32, #tpu.memory_space<vmem>>) offsets(%dma_start3A_52 : memref<200xi32, #tpu.memory_space<vmem>>) semaphore(%arg9 : memref<!tpu.dma_semaphore, #tpu.memory_space<semaphore_mem>>)
    %dma_wait3A_56 = arith.constant 1 : i32
    %dma_wait3A_57 = arith.constant 0 : i32
    %dma_wait3A_58 = arith.constant 0 : i32
    %dma_wait3A_59 = tpu.memref_slice %arg6[%dma_wait3A_56, %dma_wait3A_57, %dma_wait3A_58] : memref<4x200x128xf32, #tpu.memory_space<vmem>> -> memref<1x200x128xf32, #tpu.memory_space<vmem>>
    %dma_wait3A_60 = tpu.memref_squeeze %dma_wait3A_59 : memref<1x200x128xf32, #tpu.memory_space<vmem>> -> memref<200x128xf32, #tpu.memory_space<vmem>>
    %dma_wait3A_61 = arith.constant 200 : i32
    %dma_wait3A_62 = tpu.memref_slice %arg5[%dma_wait3A_61] : memref<1000xi32, #tpu.memory_space<vmem>> -> memref<200xi32, #tpu.memory_space<vmem>>
    %dma_wait3A_63 = arith.constant 0 : i32
    %dma_wait3A_64 = arith.constant 0 : i32
    %dma_wait3A_65 = tpu.memref_slice %arg2[%dma_wait3A_63, %dma_wait3A_64] : memref<10000x128xf32, #tpu.memory_space<hbm>> -> memref<10000x128xf32, #tpu.memory_space<hbm>>
    tpu.wait_indirect_dma semaphore(%arg8 : memref<!tpu.dma_semaphore, #tpu.memory_space<semaphore_mem>>) src(%dma_wait3A_65 : memref<10000x128xf32, #tpu.memory_space<hbm>>) dst(%dma_wait3A_60 : memref<200x128xf32, #tpu.memory_space<vmem>>)
    %add3A_66 = arith.constant 200 : i32
    %add3A_67 = arith.addi %mul3A_2, %add3A_66 : i32
    %dma_start3A_68 = arith.constant 1 : i32
    %dma_start3A_69 = arith.constant 0 : i32
    %dma_start3A_70 = arith.constant 0 : i32
    %dma_start3A_71 = tpu.memref_slice %arg6[%dma_start3A_68, %dma_start3A_69, %dma_start3A_70] : memref<4x200x128xf32, #tpu.memory_space<vmem>> -> memref<1x200x128xf32, #tpu.memory_space<vmem>>
    %dma_start3A_72 = tpu.memref_squeeze %dma_start3A_71 : memref<1x200x128xf32, #tpu.memory_space<vmem>> -> memref<200x128xf32, #tpu.memory_space<vmem>>
    %dma_start3A_73 = arith.constant 0 : i32
    %dma_start3A_74 = tpu.memref_slice %arg4[%add3A_67, %dma_start3A_73] : memref<32000x128xf32, #tpu.memory_space<hbm>> -> memref<200x128xf32, #tpu.memory_space<hbm>>
    %dma_start3A_75 = arith.constant 0 : i32
    %dma_start3A_76 = tpu.memref_slice %arg4[%add3A_67, %dma_start3A_75] : memref<32000x128xf32, #tpu.memory_space<hbm>> -> memref<200x128xf32, #tpu.memory_space<hbm>>
    %dma_start3A_77 = arith.constant 0 : i32
    %dma_start3A_78 = arith.constant 0 : i32
    %dma_start3A_79 = tpu.memref_slice %arg6[%dma_start3A_68, %dma_start3A_77, %dma_start3A_78] : memref<4x200x128xf32, #tpu.memory_space<vmem>> -> memref<1x200x128xf32, #tpu.memory_space<vmem>>
    %dma_start3A_80 = tpu.memref_squeeze %dma_start3A_79 : memref<1x200x128xf32, #tpu.memory_space<vmem>> -> memref<200x128xf32, #tpu.memory_space<vmem>>
    tpu.enqueue_dma source(%dma_start3A_80 : memref<200x128xf32, #tpu.memory_space<vmem>>) target(%dma_start3A_76 : memref<200x128xf32, #tpu.memory_space<hbm>>) target_semaphore(%arg12 : memref<!tpu.dma_semaphore, #tpu.memory_space<semaphore_mem>>)
    %dma_start3A_81 = arith.constant 3 : i32
    %dma_start3A_82 = arith.constant 0 : i32
    %dma_start3A_83 = arith.constant 0 : i32
    %dma_start3A_84 = tpu.memref_slice %arg6[%dma_start3A_81, %dma_start3A_82, %dma_start3A_83] : memref<4x200x128xf32, #tpu.memory_space<vmem>> -> memref<1x200x128xf32, #tpu.memory_space<vmem>>
    %dma_start3A_85 = tpu.memref_squeeze %dma_start3A_84 : memref<1x200x128xf32, #tpu.memory_space<vmem>> -> memref<200x128xf32, #tpu.memory_space<vmem>>
    %dma_start3A_86 = arith.constant 600 : i32
    %dma_start3A_87 = tpu.memref_slice %arg5[%dma_start3A_86] : memref<1000xi32, #tpu.memory_space<vmem>> -> memref<200xi32, #tpu.memory_space<vmem>>
    %dma_start3A_88 = arith.constant 0 : i32
    %dma_start3A_89 = arith.constant 0 : i32
    %dma_start3A_90 = tpu.memref_slice %arg2[%dma_start3A_88, %dma_start3A_89] : memref<10000x128xf32, #tpu.memory_space<hbm>> -> memref<10000x128xf32, #tpu.memory_space<hbm>>
    tpu.enqueue_indirect_dma source(%dma_start3A_90 : memref<10000x128xf32, #tpu.memory_space<hbm>>) target(%dma_start3A_85 : memref<200x128xf32, #tpu.memory_space<vmem>>) offsets(%dma_start3A_87 : memref<200xi32, #tpu.memory_space<vmem>>) semaphore(%arg10 : memref<!tpu.dma_semaphore, #tpu.memory_space<semaphore_mem>>)
    %dma_wait3A_91 = arith.constant 2 : i32
    %dma_wait3A_92 = arith.constant 0 : i32
    %dma_wait3A_93 = arith.constant 0 : i32
    %dma_wait3A_94 = tpu.memref_slice %arg6[%dma_wait3A_91, %dma_wait3A_92, %dma_wait3A_93] : memref<4x200x128xf32, #tpu.memory_space<vmem>> -> memref<1x200x128xf32, #tpu.memory_space<vmem>>
    %dma_wait3A_95 = tpu.memref_squeeze %dma_wait3A_94 : memref<1x200x128xf32, #tpu.memory_space<vmem>> -> memref<200x128xf32, #tpu.memory_space<vmem>>
    %dma_wait3A_96 = arith.constant 400 : i32
    %dma_wait3A_97 = tpu.memref_slice %arg5[%dma_wait3A_96] : memref<1000xi32, #tpu.memory_space<vmem>> -> memref<200xi32, #tpu.memory_space<vmem>>
    %dma_wait3A_98 = arith.constant 0 : i32
    %dma_wait3A_99 = arith.constant 0 : i32
    %dma_wait3A_100 = tpu.memref_slice %arg2[%dma_wait3A_98, %dma_wait3A_99] : memref<10000x128xf32, #tpu.memory_space<hbm>> -> memref<10000x128xf32, #tpu.memory_space<hbm>>
    tpu.wait_indirect_dma semaphore(%arg9 : memref<!tpu.dma_semaphore, #tpu.memory_space<semaphore_mem>>) src(%dma_wait3A_100 : memref<10000x128xf32, #tpu.memory_space<hbm>>) dst(%dma_wait3A_95 : memref<200x128xf32, #tpu.memory_space<vmem>>)
    %add3A_101 = arith.constant 400 : i32
    %add3A_102 = arith.addi %mul3A_2, %add3A_101 : i32
    %dma_start3A_103 = arith.constant 2 : i32
    %dma_start3A_104 = arith.constant 0 : i32
    %dma_start3A_105 = arith.constant 0 : i32
    %dma_start3A_106 = tpu.memref_slice %arg6[%dma_start3A_103, %dma_start3A_104, %dma_start3A_105] : memref<4x200x128xf32, #tpu.memory_space<vmem>> -> memref<1x200x128xf32, #tpu.memory_space<vmem>>
    %dma_start3A_107 = tpu.memref_squeeze %dma_start3A_106 : memref<1x200x128xf32, #tpu.memory_space<vmem>> -> memref<200x128xf32, #tpu.memory_space<vmem>>
    %dma_start3A_108 = arith.constant 0 : i32
    %dma_start3A_109 = tpu.memref_slice %arg4[%add3A_102, %dma_start3A_108] : memref<32000x128xf32, #tpu.memory_space<hbm>> -> memref<200x128xf32, #tpu.memory_space<hbm>>
    %dma_start3A_110 = arith.constant 0 : i32
    %dma_start3A_111 = tpu.memref_slice %arg4[%add3A_102, %dma_start3A_110] : memref<32000x128xf32, #tpu.memory_space<hbm>> -> memref<200x128xf32, #tpu.memory_space<hbm>>
    %dma_start3A_112 = arith.constant 0 : i32
    %dma_start3A_113 = arith.constant 0 : i32
    %dma_start3A_114 = tpu.memref_slice %arg6[%dma_start3A_103, %dma_start3A_112, %dma_start3A_113] : memref<4x200x128xf32, #tpu.memory_space<vmem>> -> memref<1x200x128xf32, #tpu.memory_space<vmem>>
    %dma_start3A_115 = tpu.memref_squeeze %dma_start3A_114 : memref<1x200x128xf32, #tpu.memory_space<vmem>> -> memref<200x128xf32, #tpu.memory_space<vmem>>
    tpu.enqueue_dma source(%dma_start3A_115 : memref<200x128xf32, #tpu.memory_space<vmem>>) target(%dma_start3A_111 : memref<200x128xf32, #tpu.memory_space<hbm>>) target_semaphore(%arg13 : memref<!tpu.dma_semaphore, #tpu.memory_space<semaphore_mem>>)
    %add3A_116 = arith.constant 0 : i32
    %add3A_117 = arith.addi %mul3A_2, %add3A_116 : i32
    %dma_wait3A_118 = arith.constant 0 : i32
    %dma_wait3A_119 = arith.constant 0 : i32
    %dma_wait3A_120 = arith.constant 0 : i32
    %dma_wait3A_121 = tpu.memref_slice %arg6[%dma_wait3A_118, %dma_wait3A_119, %dma_wait3A_120] : memref<4x200x128xf32, #tpu.memory_space<vmem>> -> memref<1x200x128xf32, #tpu.memory_space<vmem>>
    %dma_wait3A_122 = tpu.memref_squeeze %dma_wait3A_121 : memref<1x200x128xf32, #tpu.memory_space<vmem>> -> memref<200x128xf32, #tpu.memory_space<vmem>>
    %dma_wait3A_123 = arith.constant 0 : i32
    %dma_wait3A_124 = tpu.memref_slice %arg4[%add3A_117, %dma_wait3A_123] : memref<32000x128xf32, #tpu.memory_space<hbm>> -> memref<200x128xf32, #tpu.memory_space<hbm>>
    %dma_wait3A_125 = arith.constant 0 : i32
    %dma_wait3A_126 = tpu.memref_slice %arg4[%add3A_117, %dma_wait3A_125] : memref<32000x128xf32, #tpu.memory_space<hbm>> -> memref<200x128xf32, #tpu.memory_space<hbm>>
    %dma_wait3A_127 = arith.constant 0 : i32
    %dma_wait3A_128 = arith.constant 0 : i32
    %dma_wait3A_129 = tpu.memref_slice %arg6[%dma_wait3A_118, %dma_wait3A_127, %dma_wait3A_128] : memref<4x200x128xf32, #tpu.memory_space<vmem>> -> memref<1x200x128xf32, #tpu.memory_space<vmem>>
    %dma_wait3A_130 = tpu.memref_squeeze %dma_wait3A_129 : memref<1x200x128xf32, #tpu.memory_space<vmem>> -> memref<200x128xf32, #tpu.memory_space<vmem>>
    tpu.wait_dma2 semaphore(%arg11 : memref<!tpu.dma_semaphore, #tpu.memory_space<semaphore_mem>>) src(%dma_wait3A_130 : memref<200x128xf32, #tpu.memory_space<vmem>>) dst(%dma_wait3A_126 : memref<200x128xf32, #tpu.memory_space<hbm>>)
    %dma_start3A_131 = arith.constant 0 : i32
    %dma_start3A_132 = arith.constant 0 : i32
    %dma_start3A_133 = arith.constant 0 : i32
    %dma_start3A_134 = tpu.memref_slice %arg6[%dma_start3A_131, %dma_start3A_132, %dma_start3A_133] : memref<4x200x128xf32, #tpu.memory_space<vmem>> -> memref<1x200x128xf32, #tpu.memory_space<vmem>>
    %dma_start3A_135 = tpu.memref_squeeze %dma_start3A_134 : memref<1x200x128xf32, #tpu.memory_space<vmem>> -> memref<200x128xf32, #tpu.memory_space<vmem>>
    %dma_start3A_136 = arith.constant 800 : i32
    %dma_start3A_137 = tpu.memref_slice %arg5[%dma_start3A_136] : memref<1000xi32, #tpu.memory_space<vmem>> -> memref<200xi32, #tpu.memory_space<vmem>>
    %dma_start3A_138 = arith.constant 0 : i32
    %dma_start3A_139 = arith.constant 0 : i32
    %dma_start3A_140 = tpu.memref_slice %arg2[%dma_start3A_138, %dma_start3A_139] : memref<10000x128xf32, #tpu.memory_space<hbm>> -> memref<10000x128xf32, #tpu.memory_space<hbm>>
    tpu.enqueue_indirect_dma source(%dma_start3A_140 : memref<10000x128xf32, #tpu.memory_space<hbm>>) target(%dma_start3A_135 : memref<200x128xf32, #tpu.memory_space<vmem>>) offsets(%dma_start3A_137 : memref<200xi32, #tpu.memory_space<vmem>>) semaphore(%arg7 : memref<!tpu.dma_semaphore, #tpu.memory_space<semaphore_mem>>)
    %dma_wait3A_141 = arith.constant 3 : i32
    %dma_wait3A_142 = arith.constant 0 : i32
    %dma_wait3A_143 = arith.constant 0 : i32
    %dma_wait3A_144 = tpu.memref_slice %arg6[%dma_wait3A_141, %dma_wait3A_142, %dma_wait3A_143] : memref<4x200x128xf32, #tpu.memory_space<vmem>> -> memref<1x200x128xf32, #tpu.memory_space<vmem>>
    %dma_wait3A_145 = tpu.memref_squeeze %dma_wait3A_144 : memref<1x200x128xf32, #tpu.memory_space<vmem>> -> memref<200x128xf32, #tpu.memory_space<vmem>>
    %dma_wait3A_146 = arith.constant 600 : i32
    %dma_wait3A_147 = tpu.memref_slice %arg5[%dma_wait3A_146] : memref<1000xi32, #tpu.memory_space<vmem>> -> memref<200xi32, #tpu.memory_space<vmem>>
    %dma_wait3A_148 = arith.constant 0 : i32
    %dma_wait3A_149 = arith.constant 0 : i32
    %dma_wait3A_150 = tpu.memref_slice %arg2[%dma_wait3A_148, %dma_wait3A_149] : memref<10000x128xf32, #tpu.memory_space<hbm>> -> memref<10000x128xf32, #tpu.memory_space<hbm>>
    tpu.wait_indirect_dma semaphore(%arg10 : memref<!tpu.dma_semaphore, #tpu.memory_space<semaphore_mem>>) src(%dma_wait3A_150 : memref<10000x128xf32, #tpu.memory_space<hbm>>) dst(%dma_wait3A_145 : memref<200x128xf32, #tpu.memory_space<vmem>>)
    %add3A_151 = arith.constant 600 : i32
    %add3A_152 = arith.addi %mul3A_2, %add3A_151 : i32
    %dma_start3A_153 = arith.constant 3 : i32
    %dma_start3A_154 = arith.constant 0 : i32
    %dma_start3A_155 = arith.constant 0 : i32
    %dma_start3A_156 = tpu.memref_slice %arg6[%dma_start3A_153, %dma_start3A_154, %dma_start3A_155] : memref<4x200x128xf32, #tpu.memory_space<vmem>> -> memref<1x200x128xf32, #tpu.memory_space<vmem>>
    %dma_start3A_157 = tpu.memref_squeeze %dma_start3A_156 : memref<1x200x128xf32, #tpu.memory_space<vmem>> -> memref<200x128xf32, #tpu.memory_space<vmem>>
    %dma_start3A_158 = arith.constant 0 : i32
    %dma_start3A_159 = tpu.memref_slice %arg4[%add3A_152, %dma_start3A_158] : memref<32000x128xf32, #tpu.memory_space<hbm>> -> memref<200x128xf32, #tpu.memory_space<hbm>>
    %dma_start3A_160 = arith.constant 0 : i32
    %dma_start3A_161 = tpu.memref_slice %arg4[%add3A_152, %dma_start3A_160] : memref<32000x128xf32, #tpu.memory_space<hbm>> -> memref<200x128xf32, #tpu.memory_space<hbm>>
    %dma_start3A_162 = arith.constant 0 : i32
    %dma_start3A_163 = arith.constant 0 : i32
    %dma_start3A_164 = tpu.memref_slice %arg6[%dma_start3A_153, %dma_start3A_162, %dma_start3A_163] : memref<4x200x128xf32, #tpu.memory_space<vmem>> -> memref<1x200x128xf32, #tpu.memory_space<vmem>>
    %dma_start3A_165 = tpu.memref_squeeze %dma_start3A_164 : memref<1x200x128xf32, #tpu.memory_space<vmem>> -> memref<200x128xf32, #tpu.memory_space<vmem>>
    tpu.enqueue_dma source(%dma_start3A_165 : memref<200x128xf32, #tpu.memory_space<vmem>>) target(%dma_start3A_161 : memref<200x128xf32, #tpu.memory_space<hbm>>) target_semaphore(%arg14 : memref<!tpu.dma_semaphore, #tpu.memory_space<semaphore_mem>>)
    %dma_wait3A_166 = arith.constant 0 : i32
    %dma_wait3A_167 = arith.constant 0 : i32
    %dma_wait3A_168 = arith.constant 0 : i32
    %dma_wait3A_169 = tpu.memref_slice %arg6[%dma_wait3A_166, %dma_wait3A_167, %dma_wait3A_168] : memref<4x200x128xf32, #tpu.memory_space<vmem>> -> memref<1x200x128xf32, #tpu.memory_space<vmem>>
    %dma_wait3A_170 = tpu.memref_squeeze %dma_wait3A_169 : memref<1x200x128xf32, #tpu.memory_space<vmem>> -> memref<200x128xf32, #tpu.memory_space<vmem>>
    %dma_wait3A_171 = arith.constant 800 : i32
    %dma_wait3A_172 = tpu.memref_slice %arg5[%dma_wait3A_171] : memref<1000xi32, #tpu.memory_space<vmem>> -> memref<200xi32, #tpu.memory_space<vmem>>
    %dma_wait3A_173 = arith.constant 0 : i32
    %dma_wait3A_174 = arith.constant 0 : i32
    %dma_wait3A_175 = tpu.memref_slice %arg2[%dma_wait3A_173, %dma_wait3A_174] : memref<10000x128xf32, #tpu.memory_space<hbm>> -> memref<10000x128xf32, #tpu.memory_space<hbm>>
    tpu.wait_indirect_dma semaphore(%arg7 : memref<!tpu.dma_semaphore, #tpu.memory_space<semaphore_mem>>) src(%dma_wait3A_175 : memref<10000x128xf32, #tpu.memory_space<hbm>>) dst(%dma_wait3A_170 : memref<200x128xf32, #tpu.memory_space<vmem>>)
    %add3A_176 = arith.constant 800 : i32
    %add3A_177 = arith.addi %mul3A_2, %add3A_176 : i32
    %dma_start3A_178 = arith.constant 0 : i32
    %dma_start3A_179 = arith.constant 0 : i32
    %dma_start3A_180 = arith.constant 0 : i32
    %dma_start3A_181 = tpu.memref_slice %arg6[%dma_start3A_178, %dma_start3A_179, %dma_start3A_180] : memref<4x200x128xf32, #tpu.memory_space<vmem>> -> memref<1x200x128xf32, #tpu.memory_space<vmem>>
    %dma_start3A_182 = tpu.memref_squeeze %dma_start3A_181 : memref<1x200x128xf32, #tpu.memory_space<vmem>> -> memref<200x128xf32, #tpu.memory_space<vmem>>
    %dma_start3A_183 = arith.constant 0 : i32
    %dma_start3A_184 = tpu.memref_slice %arg4[%add3A_177, %dma_start3A_183] : memref<32000x128xf32, #tpu.memory_space<hbm>> -> memref<200x128xf32, #tpu.memory_space<hbm>>
    %dma_start3A_185 = arith.constant 0 : i32
    %dma_start3A_186 = tpu.memref_slice %arg4[%add3A_177, %dma_start3A_185] : memref<32000x128xf32, #tpu.memory_space<hbm>> -> memref<200x128xf32, #tpu.memory_space<hbm>>
    %dma_start3A_187 = arith.constant 0 : i32
    %dma_start3A_188 = arith.constant 0 : i32
    %dma_start3A_189 = tpu.memref_slice %arg6[%dma_start3A_178, %dma_start3A_187, %dma_start3A_188] : memref<4x200x128xf32, #tpu.memory_space<vmem>> -> memref<1x200x128xf32, #tpu.memory_space<vmem>>
    %dma_start3A_190 = tpu.memref_squeeze %dma_start3A_189 : memref<1x200x128xf32, #tpu.memory_space<vmem>> -> memref<200x128xf32, #tpu.memory_space<vmem>>
    tpu.enqueue_dma source(%dma_start3A_190 : memref<200x128xf32, #tpu.memory_space<vmem>>) target(%dma_start3A_186 : memref<200x128xf32, #tpu.memory_space<hbm>>) target_semaphore(%arg11 : memref<!tpu.dma_semaphore, #tpu.memory_space<semaphore_mem>>)
    %add3A_191 = arith.constant 200 : i32
    %add3A_192 = arith.addi %mul3A_2, %add3A_191 : i32
    %dma_wait3A_193 = arith.constant 1 : i32
    %dma_wait3A_194 = arith.constant 0 : i32
    %dma_wait3A_195 = arith.constant 0 : i32
    %dma_wait3A_196 = tpu.memref_slice %arg6[%dma_wait3A_193, %dma_wait3A_194, %dma_wait3A_195] : memref<4x200x128xf32, #tpu.memory_space<vmem>> -> memref<1x200x128xf32, #tpu.memory_space<vmem>>
    %dma_wait3A_197 = tpu.memref_squeeze %dma_wait3A_196 : memref<1x200x128xf32, #tpu.memory_space<vmem>> -> memref<200x128xf32, #tpu.memory_space<vmem>>
    %dma_wait3A_198 = arith.constant 0 : i32
    %dma_wait3A_199 = tpu.memref_slice %arg4[%add3A_192, %dma_wait3A_198] : memref<32000x128xf32, #tpu.memory_space<hbm>> -> memref<200x128xf32, #tpu.memory_space<hbm>>
    %dma_wait3A_200 = arith.constant 0 : i32
    %dma_wait3A_201 = tpu.memref_slice %arg4[%add3A_192, %dma_wait3A_200] : memref<32000x128xf32, #tpu.memory_space<hbm>> -> memref<200x128xf32, #tpu.memory_space<hbm>>
    %dma_wait3A_202 = arith.constant 0 : i32
    %dma_wait3A_203 = arith.constant 0 : i32
    %dma_wait3A_204 = tpu.memref_slice %arg6[%dma_wait3A_193, %dma_wait3A_202, %dma_wait3A_203] : memref<4x200x128xf32, #tpu.memory_space<vmem>> -> memref<1x200x128xf32, #tpu.memory_space<vmem>>
    %dma_wait3A_205 = tpu.memref_squeeze %dma_wait3A_204 : memref<1x200x128xf32, #tpu.memory_space<vmem>> -> memref<200x128xf32, #tpu.memory_space<vmem>>
    tpu.wait_dma2 semaphore(%arg12 : memref<!tpu.dma_semaphore, #tpu.memory_space<semaphore_mem>>) src(%dma_wait3A_205 : memref<200x128xf32, #tpu.memory_space<vmem>>) dst(%dma_wait3A_201 : memref<200x128xf32, #tpu.memory_space<hbm>>)
    %add3A_206 = arith.constant 400 : i32
    %add3A_207 = arith.addi %mul3A_2, %add3A_206 : i32
    %dma_wait3A_208 = arith.constant 2 : i32
    %dma_wait3A_209 = arith.constant 0 : i32
    %dma_wait3A_210 = arith.constant 0 : i32
    %dma_wait3A_211 = tpu.memref_slice %arg6[%dma_wait3A_208, %dma_wait3A_209, %dma_wait3A_210] : memref<4x200x128xf32, #tpu.memory_space<vmem>> -> memref<1x200x128xf32, #tpu.memory_space<vmem>>
    %dma_wait3A_212 = tpu.memref_squeeze %dma_wait3A_211 : memref<1x200x128xf32, #tpu.memory_space<vmem>> -> memref<200x128xf32, #tpu.memory_space<vmem>>
    %dma_wait3A_213 = arith.constant 0 : i32
    %dma_wait3A_214 = tpu.memref_slice %arg4[%add3A_207, %dma_wait3A_213] : memref<32000x128xf32, #tpu.memory_space<hbm>> -> memref<200x128xf32, #tpu.memory_space<hbm>>
    %dma_wait3A_215 = arith.constant 0 : i32
    %dma_wait3A_216 = tpu.memref_slice %arg4[%add3A_207, %dma_wait3A_215] : memref<32000x128xf32, #tpu.memory_space<hbm>> -> memref<200x128xf32, #tpu.memory_space<hbm>>
    %dma_wait3A_217 = arith.constant 0 : i32
    %dma_wait3A_218 = arith.constant 0 : i32
    %dma_wait3A_219 = tpu.memref_slice %arg6[%dma_wait3A_208, %dma_wait3A_217, %dma_wait3A_218] : memref<4x200x128xf32, #tpu.memory_space<vmem>> -> memref<1x200x128xf32, #tpu.memory_space<vmem>>
    %dma_wait3A_220 = tpu.memref_squeeze %dma_wait3A_219 : memref<1x200x128xf32, #tpu.memory_space<vmem>> -> memref<200x128xf32, #tpu.memory_space<vmem>>
    tpu.wait_dma2 semaphore(%arg13 : memref<!tpu.dma_semaphore, #tpu.memory_space<semaphore_mem>>) src(%dma_wait3A_220 : memref<200x128xf32, #tpu.memory_space<vmem>>) dst(%dma_wait3A_216 : memref<200x128xf32, #tpu.memory_space<hbm>>)
    %add3A_221 = arith.constant 600 : i32
    %add3A_222 = arith.addi %mul3A_2, %add3A_221 : i32
    %dma_wait3A_223 = arith.constant 3 : i32
    %dma_wait3A_224 = arith.constant 0 : i32
    %dma_wait3A_225 = arith.constant 0 : i32
    %dma_wait3A_226 = tpu.memref_slice %arg6[%dma_wait3A_223, %dma_wait3A_224, %dma_wait3A_225] : memref<4x200x128xf32, #tpu.memory_space<vmem>> -> memref<1x200x128xf32, #tpu.memory_space<vmem>>
    %dma_wait3A_227 = tpu.memref_squeeze %dma_wait3A_226 : memref<1x200x128xf32, #tpu.memory_space<vmem>> -> memref<200x128xf32, #tpu.memory_space<vmem>>
    %dma_wait3A_228 = arith.constant 0 : i32
    %dma_wait3A_229 = tpu.memref_slice %arg4[%add3A_222, %dma_wait3A_228] : memref<32000x128xf32, #tpu.memory_space<hbm>> -> memref<200x128xf32, #tpu.memory_space<hbm>>
    %dma_wait3A_230 = arith.constant 0 : i32
    %dma_wait3A_231 = tpu.memref_slice %arg4[%add3A_222, %dma_wait3A_230] : memref<32000x128xf32, #tpu.memory_space<hbm>> -> memref<200x128xf32, #tpu.memory_space<hbm>>
    %dma_wait3A_232 = arith.constant 0 : i32
    %dma_wait3A_233 = arith.constant 0 : i32
    %dma_wait3A_234 = tpu.memref_slice %arg6[%dma_wait3A_223, %dma_wait3A_232, %dma_wait3A_233] : memref<4x200x128xf32, #tpu.memory_space<vmem>> -> memref<1x200x128xf32, #tpu.memory_space<vmem>>
    %dma_wait3A_235 = tpu.memref_squeeze %dma_wait3A_234 : memref<1x200x128xf32, #tpu.memory_space<vmem>> -> memref<200x128xf32, #tpu.memory_space<vmem>>
    tpu.wait_dma2 semaphore(%arg14 : memref<!tpu.dma_semaphore, #tpu.memory_space<semaphore_mem>>) src(%dma_wait3A_235 : memref<200x128xf32, #tpu.memory_space<vmem>>) dst(%dma_wait3A_231 : memref<200x128xf32, #tpu.memory_space<hbm>>)
    %add3A_236 = arith.constant 800 : i32
    %add3A_237 = arith.addi %mul3A_2, %add3A_236 : i32
    %dma_wait3A_238 = arith.constant 0 : i32
    %dma_wait3A_239 = arith.constant 0 : i32
    %dma_wait3A_240 = arith.constant 0 : i32
    %dma_wait3A_241 = tpu.memref_slice %arg6[%dma_wait3A_238, %dma_wait3A_239, %dma_wait3A_240] : memref<4x200x128xf32, #tpu.memory_space<vmem>> -> memref<1x200x128xf32, #tpu.memory_space<vmem>>
    %dma_wait3A_242 = tpu.memref_squeeze %dma_wait3A_241 : memref<1x200x128xf32, #tpu.memory_space<vmem>> -> memref<200x128xf32, #tpu.memory_space<vmem>>
    %dma_wait3A_243 = arith.constant 0 : i32
    %dma_wait3A_244 = tpu.memref_slice %arg4[%add3A_237, %dma_wait3A_243] : memref<32000x128xf32, #tpu.memory_space<hbm>> -> memref<200x128xf32, #tpu.memory_space<hbm>>
    %dma_wait3A_245 = arith.constant 0 : i32
    %dma_wait3A_246 = tpu.memref_slice %arg4[%add3A_237, %dma_wait3A_245] : memref<32000x128xf32, #tpu.memory_space<hbm>> -> memref<200x128xf32, #tpu.memory_space<hbm>>
    %dma_wait3A_247 = arith.constant 0 : i32
    %dma_wait3A_248 = arith.constant 0 : i32
    %dma_wait3A_249 = tpu.memref_slice %arg6[%dma_wait3A_238, %dma_wait3A_247, %dma_wait3A_248] : memref<4x200x128xf32, #tpu.memory_space<vmem>> -> memref<1x200x128xf32, #tpu.memory_space<vmem>>
    %dma_wait3A_250 = tpu.memref_squeeze %dma_wait3A_249 : memref<1x200x128xf32, #tpu.memory_space<vmem>> -> memref<200x128xf32, #tpu.memory_space<vmem>>
    tpu.wait_dma2 semaphore(%arg11 : memref<!tpu.dma_semaphore, #tpu.memory_space<semaphore_mem>>) src(%dma_wait3A_250 : memref<200x128xf32, #tpu.memory_space<vmem>>) dst(%dma_wait3A_246 : memref<200x128xf32, #tpu.memory_space<hbm>>)
    return
  }
}

#map = affine_map<(d0, d1) -> (0, 0)>
#map1 = affine_map<(d0, d1) -> (0)>
module attributes {stable_mosaic.version = 14 : i64} {
  func.func @body(%arg0: i32, %arg1: i32, %arg2: memref<10000x128xf32, #tpu.memory_space<hbm>>, %arg3: memref<32000xi32, #tpu.memory_space<hbm>>, %arg4: memref<32000x128xf32, #tpu.memory_space<hbm>>, %arg5: memref<1000xi32, #tpu.memory_space<vmem>>, %arg6: memref<4x200x128xf32, #tpu.memory_space<vmem>>, %arg7: memref<!tpu.dma_semaphore, #tpu.memory_space<semaphore_mem>>, %arg8: memref<!tpu.dma_semaphore, #tpu.memory_space<semaphore_mem>>, %arg9: memref<!tpu.dma_semaphore, #tpu.memory_space<semaphore_mem>>, %arg10: memref<!tpu.dma_semaphore, #tpu.memory_space<semaphore_mem>>, %arg11: memref<!tpu.dma_semaphore, #tpu.memory_space<semaphore_mem>>, %arg12: memref<!tpu.dma_semaphore, #tpu.memory_space<semaphore_mem>>, %arg13: memref<!tpu.dma_semaphore, #tpu.memory_space<semaphore_mem>>, %arg14: memref<!tpu.dma_semaphore, #tpu.memory_space<semaphore_mem>>) attributes {dimension_semantics = [#tpu.dimension_semantics<core_parallel>, #tpu.dimension_semantics<subcore_parallel>], iteration_bounds = array<i64: 2, 16>, scalar_prefetch = 0 : i64, scratch_operands = 10 : i64, tpu.core_type = #tpu.core_type<sc_vector_subcore>, window_params = [{transform_indices = #map}, {transform_indices = #map1}, {transform_indices = #map}]} {
    %mul3A = arith.constant 2 : i32
    %mul3A_0 = arith.muli %arg1, %mul3A : i32
    %add3A = arith.addi %mul3A_0, %arg0 : i32
    %mul3A_1 = arith.constant 1000 : i32
    %mul3A_2 = arith.muli %add3A, %mul3A_1 : i32
    "tpu.region"() ({
      %run_scoped3A = tpu.sem_alloc : memref<!tpu.dma_semaphore, #tpu.memory_space<semaphore_mem>>
      %dma_start3A_251 = tpu.memref_slice %arg3[%mul3A_2] : memref<32000xi32, #tpu.memory_space<hbm>> -> memref<1000xi32, #tpu.memory_space<hbm>>
      %dma_start3A_252 = tpu.memref_slice %arg3[%mul3A_2] : memref<32000xi32, #tpu.memory_space<hbm>> -> memref<1000xi32, #tpu.memory_space<hbm>>
      tpu.enqueue_dma source(%dma_start3A_252 : memref<1000xi32, #tpu.memory_space<hbm>>) target(%arg5 : memref<1000xi32, #tpu.memory_space<vmem>>) target_semaphore(%run_scoped3A : memref<!tpu.dma_semaphore, #tpu.memory_space<semaphore_mem>>)
      %dma_wait3A_253 = tpu.memref_slice %arg3[%mul3A_2] : memref<32000xi32, #tpu.memory_space<hbm>> -> memref<1000xi32, #tpu.memory_space<hbm>>
      %dma_wait3A_254 = tpu.memref_slice %arg3[%mul3A_2] : memref<32000xi32, #tpu.memory_space<hbm>> -> memref<1000xi32, #tpu.memory_space<hbm>>
      tpu.wait_dma2 semaphore(%run_scoped3A : memref<!tpu.dma_semaphore, #tpu.memory_space<semaphore_mem>>) src(%dma_wait3A_254 : memref<1000xi32, #tpu.memory_space<hbm>>) dst(%arg5 : memref<1000xi32, #tpu.memory_space<vmem>>)
      tpu.yield
    }) : () -> ()
    %dma_start3A = arith.constant 0 : i32
    %dma_start3A_3 = arith.constant 0 : i32
    %dma_start3A_4 = arith.constant 0 : i32
    %dma_start3A_5 = tpu.memref_slice %arg6[%dma_start3A, %dma_start3A_3, %dma_start3A_4] : memref<4x200x128xf32, #tpu.memory_space<vmem>> -> memref<1x200x128xf32, #tpu.memory_space<vmem>>
    %dma_start3A_6 = tpu.memref_squeeze %dma_start3A_5 : memref<1x200x128xf32, #tpu.memory_space<vmem>> -> memref<200x128xf32, #tpu.memory_space<vmem>>
    %dma_start3A_7 = arith.constant 0 : i32
    %dma_start3A_8 = tpu.memref_slice %arg5[%dma_start3A_7] : memref<1000xi32, #tpu.memory_space<vmem>> -> memref<200xi32, #tpu.memory_space<vmem>>
    %dma_start3A_9 = arith.constant 0 : i32
    %dma_start3A_10 = arith.constant 0 : i32
    %dma_start3A_11 = tpu.memref_slice %arg2[%dma_start3A_9, %dma_start3A_10] : memref<10000x128xf32, #tpu.memory_space<hbm>> -> memref<10000x128xf32, #tpu.memory_space<hbm>>
    tpu.enqueue_indirect_dma source(%dma_start3A_11 : memref<10000x128xf32, #tpu.memory_space<hbm>>) target(%dma_start3A_6 : memref<200x128xf32, #tpu.memory_space<vmem>>) offsets(%dma_start3A_8 : memref<200xi32, #tpu.memory_space<vmem>>) semaphore(%arg7 : memref<!tpu.dma_semaphore, #tpu.memory_space<semaphore_mem>>)
    %dma_start3A_12 = arith.constant 1 : i32
    %dma_start3A_13 = arith.constant 0 : i32
    %dma_start3A_14 = arith.constant 0 : i32
    %dma_start3A_15 = tpu.memref_slice %arg6[%dma_start3A_12, %dma_start3A_13, %dma_start3A_14] : memref<4x200x128xf32, #tpu.memory_space<vmem>> -> memref<1x200x128xf32, #tpu.memory_space<vmem>>
    %dma_start3A_16 = tpu.memref_squeeze %dma_start3A_15 : memref<1x200x128xf32, #tpu.memory_space<vmem>> -> memref<200x128xf32, #tpu.memory_space<vmem>>
    %dma_start3A_17 = arith.constant 200 : i32
    %dma_start3A_18 = tpu.memref_slice %arg5[%dma_start3A_17] : memref<1000xi32, #tpu.memory_space<vmem>> -> memref<200xi32, #tpu.memory_space<vmem>>
    %dma_start3A_19 = arith.constant 0 : i32
    %dma_start3A_20 = arith.constant 0 : i32
    %dma_start3A_21 = tpu.memref_slice %arg2[%dma_start3A_19, %dma_start3A_20] : memref<10000x128xf32, #tpu.memory_space<hbm>> -> memref<10000x128xf32, #tpu.memory_space<hbm>>
    tpu.enqueue_indirect_dma source(%dma_start3A_21 : memref<10000x128xf32, #tpu.memory_space<hbm>>) target(%dma_start3A_16 : memref<200x128xf32, #tpu.memory_space<vmem>>) offsets(%dma_start3A_18 : memref<200xi32, #tpu.memory_space<vmem>>) semaphore(%arg8 : memref<!tpu.dma_semaphore, #tpu.memory_space<semaphore_mem>>)
    %dma_wait3A = arith.constant 0 : i32
    %dma_wait3A_22 = arith.constant 0 : i32
    %dma_wait3A_23 = arith.constant 0 : i32
    %dma_wait3A_24 = tpu.memref_slice %arg6[%dma_wait3A, %dma_wait3A_22, %dma_wait3A_23] : memref<4x200x128xf32, #tpu.memory_space<vmem>> -> memref<1x200x128xf32, #tpu.memory_space<vmem>>
    %dma_wait3A_25 = tpu.memref_squeeze %dma_wait3A_24 : memref<1x200x128xf32, #tpu.memory_space<vmem>> -> memref<200x128xf32, #tpu.memory_space<vmem>>
    %dma_wait3A_26 = arith.constant 0 : i32
    %dma_wait3A_27 = tpu.memref_slice %arg5[%dma_wait3A_26] : memref<1000xi32, #tpu.memory_space<vmem>> -> memref<200xi32, #tpu.memory_space<vmem>>
    %dma_wait3A_28 = arith.constant 0 : i32
    %dma_wait3A_29 = arith.constant 0 : i32
    %dma_wait3A_30 = tpu.memref_slice %arg2[%dma_wait3A_28, %dma_wait3A_29] : memref<10000x128xf32, #tpu.memory_space<hbm>> -> memref<10000x128xf32, #tpu.memory_space<hbm>>
    tpu.wait_indirect_dma semaphore(%arg7 : memref<!tpu.dma_semaphore, #tpu.memory_space<semaphore_mem>>) src(%dma_wait3A_30 : memref<10000x128xf32, #tpu.memory_space<hbm>>) dst(%dma_wait3A_25 : memref<200x128xf32, #tpu.memory_space<vmem>>)
    %add3A_31 = arith.constant 0 : i32
    %add3A_32 = arith.addi %mul3A_2, %add3A_31 : i32
    %dma_start3A_33 = arith.constant 0 : i32
    %dma_start3A_34 = arith.constant 0 : i32
    %dma_start3A_35 = arith.constant 0 : i32
    %dma_start3A_36 = tpu.memref_slice %arg6[%dma_start3A_33, %dma_start3A_34, %dma_start3A_35] : memref<4x200x128xf32, #tpu.memory_space<vmem>> -> memref<1x200x128xf32, #tpu.memory_space<vmem>>
    %dma_start3A_37 = tpu.memref_squeeze %dma_start3A_36 : memref<1x200x128xf32, #tpu.memory_space<vmem>> -> memref<200x128xf32, #tpu.memory_space<vmem>>
    %dma_start3A_38 = arith.constant 0 : i32
    %dma_start3A_39 = tpu.memref_slice %arg4[%add3A_32, %dma_start3A_38] : memref<32000x128xf32, #tpu.memory_space<hbm>> -> memref<200x128xf32, #tpu.memory_space<hbm>>
    %dma_start3A_40 = arith.constant 0 : i32
    %dma_start3A_41 = tpu.memref_slice %arg4[%add3A_32, %dma_start3A_40] : memref<32000x128xf32, #tpu.memory_space<hbm>> -> memref<200x128xf32, #tpu.memory_space<hbm>>
    %dma_start3A_42 = arith.constant 0 : i32
    %dma_start3A_43 = arith.constant 0 : i32
    %dma_start3A_44 = tpu.memref_slice %arg6[%dma_start3A_33, %dma_start3A_42, %dma_start3A_43] : memref<4x200x128xf32, #tpu.memory_space<vmem>> -> memref<1x200x128xf32, #tpu.memory_space<vmem>>
    %dma_start3A_45 = tpu.memref_squeeze %dma_start3A_44 : memref<1x200x128xf32, #tpu.memory_space<vmem>> -> memref<200x128xf32, #tpu.memory_space<vmem>>
    tpu.enqueue_dma source(%dma_start3A_45 : memref<200x128xf32, #tpu.memory_space<vmem>>) target(%dma_start3A_41 : memref<200x128xf32, #tpu.memory_space<hbm>>) target_semaphore(%arg11 : memref<!tpu.dma_semaphore, #tpu.memory_space<semaphore_mem>>)
    %dma_start3A_46 = arith.constant 2 : i32
    %dma_start3A_47 = arith.constant 0 : i32
    %dma_start3A_48 = arith.constant 0 : i32
    %dma_start3A_49 = tpu.memref_slice %arg6[%dma_start3A_46, %dma_start3A_47, %dma_start3A_48] : memref<4x200x128xf32, #tpu.memory_space<vmem>> -> memref<1x200x128xf32, #tpu.memory_space<vmem>>
    %dma_start3A_50 = tpu.memref_squeeze %dma_start3A_49 : memref<1x200x128xf32, #tpu.memory_space<vmem>> -> memref<200x128xf32, #tpu.memory_space<vmem>>
    %dma_start3A_51 = arith.constant 400 : i32
    %dma_start3A_52 = tpu.memref_slice %arg5[%dma_start3A_51] : memref<1000xi32, #tpu.memory_space<vmem>> -> memref<200xi32, #tpu.memory_space<vmem>>
    %dma_start3A_53 = arith.constant 0 : i32
    %dma_start3A_54 = arith.constant 0 : i32
    %dma_start3A_55 = tpu.memref_slice %arg2[%dma_start3A_53, %dma_start3A_54] : memref<10000x128xf32, #tpu.memory_space<hbm>> -> memref<10000x128xf32, #tpu.memory_space<hbm>>
    tpu.enqueue_indirect_dma source(%dma_start3A_55 : memref<10000x128xf32, #tpu.memory_space<hbm>>) target(%dma_start3A_50 : memref<200x128xf32, #tpu.memory_space<vmem>>) offsets(%dma_start3A_52 : memref<200xi32, #tpu.memory_space<vmem>>) semaphore(%arg9 : memref<!tpu.dma_semaphore, #tpu.memory_space<semaphore_mem>>)
    %dma_wait3A_56 = arith.constant 1 : i32
    %dma_wait3A_57 = arith.constant 0 : i32
    %dma_wait3A_58 = arith.constant 0 : i32
    %dma_wait3A_59 = tpu.memref_slice %arg6[%dma_wait3A_56, %dma_wait3A_57, %dma_wait3A_58] : memref<4x200x128xf32, #tpu.memory_space<vmem>> -> memref<1x200x128xf32, #tpu.memory_space<vmem>>
    %dma_wait3A_60 = tpu.memref_squeeze %dma_wait3A_59 : memref<1x200x128xf32, #tpu.memory_space<vmem>> -> memref<200x128xf32, #tpu.memory_space<vmem>>
    %dma_wait3A_61 = arith.constant 200 : i32
    %dma_wait3A_62 = tpu.memref_slice %arg5[%dma_wait3A_61] : memref<1000xi32, #tpu.memory_space<vmem>> -> memref<200xi32, #tpu.memory_space<vmem>>
    %dma_wait3A_63 = arith.constant 0 : i32
    %dma_wait3A_64 = arith.constant 0 : i32
    %dma_wait3A_65 = tpu.memref_slice %arg2[%dma_wait3A_63, %dma_wait3A_64] : memref<10000x128xf32, #tpu.memory_space<hbm>> -> memref<10000x128xf32, #tpu.memory_space<hbm>>
    tpu.wait_indirect_dma semaphore(%arg8 : memref<!tpu.dma_semaphore, #tpu.memory_space<semaphore_mem>>) src(%dma_wait3A_65 : memref<10000x128xf32, #tpu.memory_space<hbm>>) dst(%dma_wait3A_60 : memref<200x128xf32, #tpu.memory_space<vmem>>)
    %add3A_66 = arith.constant 200 : i32
    %add3A_67 = arith.addi %mul3A_2, %add3A_66 : i32
    %dma_start3A_68 = arith.constant 1 : i32
    %dma_start3A_69 = arith.constant 0 : i32
    %dma_start3A_70 = arith.constant 0 : i32
    %dma_start3A_71 = tpu.memref_slice %arg6[%dma_start3A_68, %dma_start3A_69, %dma_start3A_70] : memref<4x200x128xf32, #tpu.memory_space<vmem>> -> memref<1x200x128xf32, #tpu.memory_space<vmem>>
    %dma_start3A_72 = tpu.memref_squeeze %dma_start3A_71 : memref<1x200x128xf32, #tpu.memory_space<vmem>> -> memref<200x128xf32, #tpu.memory_space<vmem>>
    %dma_start3A_73 = arith.constant 0 : i32
    %dma_start3A_74 = tpu.memref_slice %arg4[%add3A_67, %dma_start3A_73] : memref<32000x128xf32, #tpu.memory_space<hbm>> -> memref<200x128xf32, #tpu.memory_space<hbm>>
    %dma_start3A_75 = arith.constant 0 : i32
    %dma_start3A_76 = tpu.memref_slice %arg4[%add3A_67, %dma_start3A_75] : memref<32000x128xf32, #tpu.memory_space<hbm>> -> memref<200x128xf32, #tpu.memory_space<hbm>>
    %dma_start3A_77 = arith.constant 0 : i32
    %dma_start3A_78 = arith.constant 0 : i32
    %dma_start3A_79 = tpu.memref_slice %arg6[%dma_start3A_68, %dma_start3A_77, %dma_start3A_78] : memref<4x200x128xf32, #tpu.memory_space<vmem>> -> memref<1x200x128xf32, #tpu.memory_space<vmem>>
    %dma_start3A_80 = tpu.memref_squeeze %dma_start3A_79 : memref<1x200x128xf32, #tpu.memory_space<vmem>> -> memref<200x128xf32, #tpu.memory_space<vmem>>
    tpu.enqueue_dma source(%dma_start3A_80 : memref<200x128xf32, #tpu.memory_space<vmem>>) target(%dma_start3A_76 : memref<200x128xf32, #tpu.memory_space<hbm>>) target_semaphore(%arg12 : memref<!tpu.dma_semaphore, #tpu.memory_space<semaphore_mem>>)
    %dma_start3A_81 = arith.constant 3 : i32
    %dma_start3A_82 = arith.constant 0 : i32
    %dma_start3A_83 = arith.constant 0 : i32
    %dma_start3A_84 = tpu.memref_slice %arg6[%dma_start3A_81, %dma_start3A_82, %dma_start3A_83] : memref<4x200x128xf32, #tpu.memory_space<vmem>> -> memref<1x200x128xf32, #tpu.memory_space<vmem>>
    %dma_start3A_85 = tpu.memref_squeeze %dma_start3A_84 : memref<1x200x128xf32, #tpu.memory_space<vmem>> -> memref<200x128xf32, #tpu.memory_space<vmem>>
    %dma_start3A_86 = arith.constant 600 : i32
    %dma_start3A_87 = tpu.memref_slice %arg5[%dma_start3A_86] : memref<1000xi32, #tpu.memory_space<vmem>> -> memref<200xi32, #tpu.memory_space<vmem>>
    %dma_start3A_88 = arith.constant 0 : i32
    %dma_start3A_89 = arith.constant 0 : i32
    %dma_start3A_90 = tpu.memref_slice %arg2[%dma_start3A_88, %dma_start3A_89] : memref<10000x128xf32, #tpu.memory_space<hbm>> -> memref<10000x128xf32, #tpu.memory_space<hbm>>
    tpu.enqueue_indirect_dma source(%dma_start3A_90 : memref<10000x128xf32, #tpu.memory_space<hbm>>) target(%dma_start3A_85 : memref<200x128xf32, #tpu.memory_space<vmem>>) offsets(%dma_start3A_87 : memref<200xi32, #tpu.memory_space<vmem>>) semaphore(%arg10 : memref<!tpu.dma_semaphore, #tpu.memory_space<semaphore_mem>>)
    %dma_wait3A_91 = arith.constant 2 : i32
    %dma_wait3A_92 = arith.constant 0 : i32
    %dma_wait3A_93 = arith.constant 0 : i32
    %dma_wait3A_94 = tpu.memref_slice %arg6[%dma_wait3A_91, %dma_wait3A_92, %dma_wait3A_93] : memref<4x200x128xf32, #tpu.memory_space<vmem>> -> memref<1x200x128xf32, #tpu.memory_space<vmem>>
    %dma_wait3A_95 = tpu.memref_squeeze %dma_wait3A_94 : memref<1x200x128xf32, #tpu.memory_space<vmem>> -> memref<200x128xf32, #tpu.memory_space<vmem>>
    %dma_wait3A_96 = arith.constant 400 : i32
    %dma_wait3A_97 = tpu.memref_slice %arg5[%dma_wait3A_96] : memref<1000xi32, #tpu.memory_space<vmem>> -> memref<200xi32, #tpu.memory_space<vmem>>
    %dma_wait3A_98 = arith.constant 0 : i32
    %dma_wait3A_99 = arith.constant 0 : i32
    %dma_wait3A_100 = tpu.memref_slice %arg2[%dma_wait3A_98, %dma_wait3A_99] : memref<10000x128xf32, #tpu.memory_space<hbm>> -> memref<10000x128xf32, #tpu.memory_space<hbm>>
    tpu.wait_indirect_dma semaphore(%arg9 : memref<!tpu.dma_semaphore, #tpu.memory_space<semaphore_mem>>) src(%dma_wait3A_100 : memref<10000x128xf32, #tpu.memory_space<hbm>>) dst(%dma_wait3A_95 : memref<200x128xf32, #tpu.memory_space<vmem>>)
    %add3A_101 = arith.constant 400 : i32
    %add3A_102 = arith.addi %mul3A_2, %add3A_101 : i32
    %dma_start3A_103 = arith.constant 2 : i32
    %dma_start3A_104 = arith.constant 0 : i32
    %dma_start3A_105 = arith.constant 0 : i32
    %dma_start3A_106 = tpu.memref_slice %arg6[%dma_start3A_103, %dma_start3A_104, %dma_start3A_105] : memref<4x200x128xf32, #tpu.memory_space<vmem>> -> memref<1x200x128xf32, #tpu.memory_space<vmem>>
    %dma_start3A_107 = tpu.memref_squeeze %dma_start3A_106 : memref<1x200x128xf32, #tpu.memory_space<vmem>> -> memref<200x128xf32, #tpu.memory_space<vmem>>
    %dma_start3A_108 = arith.constant 0 : i32
    %dma_start3A_109 = tpu.memref_slice %arg4[%add3A_102, %dma_start3A_108] : memref<32000x128xf32, #tpu.memory_space<hbm>> -> memref<200x128xf32, #tpu.memory_space<hbm>>
    %dma_start3A_110 = arith.constant 0 : i32
    %dma_start3A_111 = tpu.memref_slice %arg4[%add3A_102, %dma_start3A_110] : memref<32000x128xf32, #tpu.memory_space<hbm>> -> memref<200x128xf32, #tpu.memory_space<hbm>>
    %dma_start3A_112 = arith.constant 0 : i32
    %dma_start3A_113 = arith.constant 0 : i32
    %dma_start3A_114 = tpu.memref_slice %arg6[%dma_start3A_103, %dma_start3A_112, %dma_start3A_113] : memref<4x200x128xf32, #tpu.memory_space<vmem>> -> memref<1x200x128xf32, #tpu.memory_space<vmem>>
    %dma_start3A_115 = tpu.memref_squeeze %dma_start3A_114 : memref<1x200x128xf32, #tpu.memory_space<vmem>> -> memref<200x128xf32, #tpu.memory_space<vmem>>
    tpu.enqueue_dma source(%dma_start3A_115 : memref<200x128xf32, #tpu.memory_space<vmem>>) target(%dma_start3A_111 : memref<200x128xf32, #tpu.memory_space<hbm>>) target_semaphore(%arg13 : memref<!tpu.dma_semaphore, #tpu.memory_space<semaphore_mem>>)
    %add3A_116 = arith.constant 0 : i32
    %add3A_117 = arith.addi %mul3A_2, %add3A_116 : i32
    %dma_wait3A_118 = arith.constant 0 : i32
    %dma_wait3A_119 = arith.constant 0 : i32
    %dma_wait3A_120 = arith.constant 0 : i32
    %dma_wait3A_121 = tpu.memref_slice %arg6[%dma_wait3A_118, %dma_wait3A_119, %dma_wait3A_120] : memref<4x200x128xf32, #tpu.memory_space<vmem>> -> memref<1x200x128xf32, #tpu.memory_space<vmem>>
    %dma_wait3A_122 = tpu.memref_squeeze %dma_wait3A_121 : memref<1x200x128xf32, #tpu.memory_space<vmem>> -> memref<200x128xf32, #tpu.memory_space<vmem>>
    %dma_wait3A_123 = arith.constant 0 : i32
    %dma_wait3A_124 = tpu.memref_slice %arg4[%add3A_117, %dma_wait3A_123] : memref<32000x128xf32, #tpu.memory_space<hbm>> -> memref<200x128xf32, #tpu.memory_space<hbm>>
    %dma_wait3A_125 = arith.constant 0 : i32
    %dma_wait3A_126 = tpu.memref_slice %arg4[%add3A_117, %dma_wait3A_125] : memref<32000x128xf32, #tpu.memory_space<hbm>> -> memref<200x128xf32, #tpu.memory_space<hbm>>
    %dma_wait3A_127 = arith.constant 0 : i32
    %dma_wait3A_128 = arith.constant 0 : i32
    %dma_wait3A_129 = tpu.memref_slice %arg6[%dma_wait3A_118, %dma_wait3A_127, %dma_wait3A_128] : memref<4x200x128xf32, #tpu.memory_space<vmem>> -> memref<1x200x128xf32, #tpu.memory_space<vmem>>
    %dma_wait3A_130 = tpu.memref_squeeze %dma_wait3A_129 : memref<1x200x128xf32, #tpu.memory_space<vmem>> -> memref<200x128xf32, #tpu.memory_space<vmem>>
    tpu.wait_dma2 semaphore(%arg11 : memref<!tpu.dma_semaphore, #tpu.memory_space<semaphore_mem>>) src(%dma_wait3A_130 : memref<200x128xf32, #tpu.memory_space<vmem>>) dst(%dma_wait3A_126 : memref<200x128xf32, #tpu.memory_space<hbm>>)
    %dma_start3A_131 = arith.constant 0 : i32
    %dma_start3A_132 = arith.constant 0 : i32
    %dma_start3A_133 = arith.constant 0 : i32
    %dma_start3A_134 = tpu.memref_slice %arg6[%dma_start3A_131, %dma_start3A_132, %dma_start3A_133] : memref<4x200x128xf32, #tpu.memory_space<vmem>> -> memref<1x200x128xf32, #tpu.memory_space<vmem>>
    %dma_start3A_135 = tpu.memref_squeeze %dma_start3A_134 : memref<1x200x128xf32, #tpu.memory_space<vmem>> -> memref<200x128xf32, #tpu.memory_space<vmem>>
    %dma_start3A_136 = arith.constant 800 : i32
    %dma_start3A_137 = tpu.memref_slice %arg5[%dma_start3A_136] : memref<1000xi32, #tpu.memory_space<vmem>> -> memref<200xi32, #tpu.memory_space<vmem>>
    %dma_start3A_138 = arith.constant 0 : i32
    %dma_start3A_139 = arith.constant 0 : i32
    %dma_start3A_140 = tpu.memref_slice %arg2[%dma_start3A_138, %dma_start3A_139] : memref<10000x128xf32, #tpu.memory_space<hbm>> -> memref<10000x128xf32, #tpu.memory_space<hbm>>
    tpu.enqueue_indirect_dma source(%dma_start3A_140 : memref<10000x128xf32, #tpu.memory_space<hbm>>) target(%dma_start3A_135 : memref<200x128xf32, #tpu.memory_space<vmem>>) offsets(%dma_start3A_137 : memref<200xi32, #tpu.memory_space<vmem>>) semaphore(%arg7 : memref<!tpu.dma_semaphore, #tpu.memory_space<semaphore_mem>>)
    %dma_wait3A_141 = arith.constant 3 : i32
    %dma_wait3A_142 = arith.constant 0 : i32
    %dma_wait3A_143 = arith.constant 0 : i32
    %dma_wait3A_144 = tpu.memref_slice %arg6[%dma_wait3A_141, %dma_wait3A_142, %dma_wait3A_143] : memref<4x200x128xf32, #tpu.memory_space<vmem>> -> memref<1x200x128xf32, #tpu.memory_space<vmem>>
    %dma_wait3A_145 = tpu.memref_squeeze %dma_wait3A_144 : memref<1x200x128xf32, #tpu.memory_space<vmem>> -> memref<200x128xf32, #tpu.memory_space<vmem>>
    %dma_wait3A_146 = arith.constant 600 : i32
    %dma_wait3A_147 = tpu.memref_slice %arg5[%dma_wait3A_146] : memref<1000xi32, #tpu.memory_space<vmem>> -> memref<200xi32, #tpu.memory_space<vmem>>
    %dma_wait3A_148 = arith.constant 0 : i32
    %dma_wait3A_149 = arith.constant 0 : i32
    %dma_wait3A_150 = tpu.memref_slice %arg2[%dma_wait3A_148, %dma_wait3A_149] : memref<10000x128xf32, #tpu.memory_space<hbm>> -> memref<10000x128xf32, #tpu.memory_space<hbm>>
    tpu.wait_indirect_dma semaphore(%arg10 : memref<!tpu.dma_semaphore, #tpu.memory_space<semaphore_mem>>) src(%dma_wait3A_150 : memref<10000x128xf32, #tpu.memory_space<hbm>>) dst(%dma_wait3A_145 : memref<200x128xf32, #tpu.memory_space<vmem>>)
    %add3A_151 = arith.constant 600 : i32
    %add3A_152 = arith.addi %mul3A_2, %add3A_151 : i32
    %dma_start3A_153 = arith.constant 3 : i32
    %dma_start3A_154 = arith.constant 0 : i32
    %dma_start3A_155 = arith.constant 0 : i32
    %dma_start3A_156 = tpu.memref_slice %arg6[%dma_start3A_153, %dma_start3A_154, %dma_start3A_155] : memref<4x200x128xf32, #tpu.memory_space<vmem>> -> memref<1x200x128xf32, #tpu.memory_space<vmem>>
    %dma_start3A_157 = tpu.memref_squeeze %dma_start3A_156 : memref<1x200x128xf32, #tpu.memory_space<vmem>> -> memref<200x128xf32, #tpu.memory_space<vmem>>
    %dma_start3A_158 = arith.constant 0 : i32
    %dma_start3A_159 = tpu.memref_slice %arg4[%add3A_152, %dma_start3A_158] : memref<32000x128xf32, #tpu.memory_space<hbm>> -> memref<200x128xf32, #tpu.memory_space<hbm>>
    %dma_start3A_160 = arith.constant 0 : i32
    %dma_start3A_161 = tpu.memref_slice %arg4[%add3A_152, %dma_start3A_160] : memref<32000x128xf32, #tpu.memory_space<hbm>> -> memref<200x128xf32, #tpu.memory_space<hbm>>
    %dma_start3A_162 = arith.constant 0 : i32
    %dma_start3A_163 = arith.constant 0 : i32
    %dma_start3A_164 = tpu.memref_slice %arg6[%dma_start3A_153, %dma_start3A_162, %dma_start3A_163] : memref<4x200x128xf32, #tpu.memory_space<vmem>> -> memref<1x200x128xf32, #tpu.memory_space<vmem>>
    %dma_start3A_165 = tpu.memref_squeeze %dma_start3A_164 : memref<1x200x128xf32, #tpu.memory_space<vmem>> -> memref<200x128xf32, #tpu.memory_space<vmem>>
    tpu.enqueue_dma source(%dma_start3A_165 : memref<200x128xf32, #tpu.memory_space<vmem>>) target(%dma_start3A_161 : memref<200x128xf32, #tpu.memory_space<hbm>>) target_semaphore(%arg14 : memref<!tpu.dma_semaphore, #tpu.memory_space<semaphore_mem>>)
    %dma_wait3A_166 = arith.constant 0 : i32
    %dma_wait3A_167 = arith.constant 0 : i32
    %dma_wait3A_168 = arith.constant 0 : i32
    %dma_wait3A_169 = tpu.memref_slice %arg6[%dma_wait3A_166, %dma_wait3A_167, %dma_wait3A_168] : memref<4x200x128xf32, #tpu.memory_space<vmem>> -> memref<1x200x128xf32, #tpu.memory_space<vmem>>
    %dma_wait3A_170 = tpu.memref_squeeze %dma_wait3A_169 : memref<1x200x128xf32, #tpu.memory_space<vmem>> -> memref<200x128xf32, #tpu.memory_space<vmem>>
    %dma_wait3A_171 = arith.constant 800 : i32
    %dma_wait3A_172 = tpu.memref_slice %arg5[%dma_wait3A_171] : memref<1000xi32, #tpu.memory_space<vmem>> -> memref<200xi32, #tpu.memory_space<vmem>>
    %dma_wait3A_173 = arith.constant 0 : i32
    %dma_wait3A_174 = arith.constant 0 : i32
    %dma_wait3A_175 = tpu.memref_slice %arg2[%dma_wait3A_173, %dma_wait3A_174] : memref<10000x128xf32, #tpu.memory_space<hbm>> -> memref<10000x128xf32, #tpu.memory_space<hbm>>
    tpu.wait_indirect_dma semaphore(%arg7 : memref<!tpu.dma_semaphore, #tpu.memory_space<semaphore_mem>>) src(%dma_wait3A_175 : memref<10000x128xf32, #tpu.memory_space<hbm>>) dst(%dma_wait3A_170 : memref<200x128xf32, #tpu.memory_space<vmem>>)
    %add3A_176 = arith.constant 800 : i32
    %add3A_177 = arith.addi %mul3A_2, %add3A_176 : i32
    %dma_start3A_178 = arith.constant 0 : i32
    %dma_start3A_179 = arith.constant 0 : i32
    %dma_start3A_180 = arith.constant 0 : i32
    %dma_start3A_181 = tpu.memref_slice %arg6[%dma_start3A_178, %dma_start3A_179, %dma_start3A_180] : memref<4x200x128xf32, #tpu.memory_space<vmem>> -> memref<1x200x128xf32, #tpu.memory_space<vmem>>
    %dma_start3A_182 = tpu.memref_squeeze %dma_start3A_181 : memref<1x200x128xf32, #tpu.memory_space<vmem>> -> memref<200x128xf32, #tpu.memory_space<vmem>>
    %dma_start3A_183 = arith.constant 0 : i32
    %dma_start3A_184 = tpu.memref_slice %arg4[%add3A_177, %dma_start3A_183] : memref<32000x128xf32, #tpu.memory_space<hbm>> -> memref<200x128xf32, #tpu.memory_space<hbm>>
    %dma_start3A_185 = arith.constant 0 : i32
    %dma_start3A_186 = tpu.memref_slice %arg4[%add3A_177, %dma_start3A_185] : memref<32000x128xf32, #tpu.memory_space<hbm>> -> memref<200x128xf32, #tpu.memory_space<hbm>>
    %dma_start3A_187 = arith.constant 0 : i32
    %dma_start3A_188 = arith.constant 0 : i32
    %dma_start3A_189 = tpu.memref_slice %arg6[%dma_start3A_178, %dma_start3A_187, %dma_start3A_188] : memref<4x200x128xf32, #tpu.memory_space<vmem>> -> memref<1x200x128xf32, #tpu.memory_space<vmem>>
    %dma_start3A_190 = tpu.memref_squeeze %dma_start3A_189 : memref<1x200x128xf32, #tpu.memory_space<vmem>> -> memref<200x128xf32, #tpu.memory_space<vmem>>
    tpu.enqueue_dma source(%dma_start3A_190 : memref<200x128xf32, #tpu.memory_space<vmem>>) target(%dma_start3A_186 : memref<200x128xf32, #tpu.memory_space<hbm>>) target_semaphore(%arg11 : memref<!tpu.dma_semaphore, #tpu.memory_space<semaphore_mem>>)
    %add3A_191 = arith.constant 200 : i32
    %add3A_192 = arith.addi %mul3A_2, %add3A_191 : i32
    %dma_wait3A_193 = arith.constant 1 : i32
    %dma_wait3A_194 = arith.constant 0 : i32
    %dma_wait3A_195 = arith.constant 0 : i32
    %dma_wait3A_196 = tpu.memref_slice %arg6[%dma_wait3A_193, %dma_wait3A_194, %dma_wait3A_195] : memref<4x200x128xf32, #tpu.memory_space<vmem>> -> memref<1x200x128xf32, #tpu.memory_space<vmem>>
    %dma_wait3A_197 = tpu.memref_squeeze %dma_wait3A_196 : memref<1x200x128xf32, #tpu.memory_space<vmem>> -> memref<200x128xf32, #tpu.memory_space<vmem>>
    %dma_wait3A_198 = arith.constant 0 : i32
    %dma_wait3A_199 = tpu.memref_slice %arg4[%add3A_192, %dma_wait3A_198] : memref<32000x128xf32, #tpu.memory_space<hbm>> -> memref<200x128xf32, #tpu.memory_space<hbm>>
    %dma_wait3A_200 = arith.constant 0 : i32
    %dma_wait3A_201 = tpu.memref_slice %arg4[%add3A_192, %dma_wait3A_200] : memref<32000x128xf32, #tpu.memory_space<hbm>> -> memref<200x128xf32, #tpu.memory_space<hbm>>
    %dma_wait3A_202 = arith.constant 0 : i32
    %dma_wait3A_203 = arith.constant 0 : i32
    %dma_wait3A_204 = tpu.memref_slice %arg6[%dma_wait3A_193, %dma_wait3A_202, %dma_wait3A_203] : memref<4x200x128xf32, #tpu.memory_space<vmem>> -> memref<1x200x128xf32, #tpu.memory_space<vmem>>
    %dma_wait3A_205 = tpu.memref_squeeze %dma_wait3A_204 : memref<1x200x128xf32, #tpu.memory_space<vmem>> -> memref<200x128xf32, #tpu.memory_space<vmem>>
    tpu.wait_dma2 semaphore(%arg12 : memref<!tpu.dma_semaphore, #tpu.memory_space<semaphore_mem>>) src(%dma_wait3A_205 : memref<200x128xf32, #tpu.memory_space<vmem>>) dst(%dma_wait3A_201 : memref<200x128xf32, #tpu.memory_space<hbm>>)
    %add3A_206 = arith.constant 400 : i32
    %add3A_207 = arith.addi %mul3A_2, %add3A_206 : i32
    %dma_wait3A_208 = arith.constant 2 : i32
    %dma_wait3A_209 = arith.constant 0 : i32
    %dma_wait3A_210 = arith.constant 0 : i32
    %dma_wait3A_211 = tpu.memref_slice %arg6[%dma_wait3A_208, %dma_wait3A_209, %dma_wait3A_210] : memref<4x200x128xf32, #tpu.memory_space<vmem>> -> memref<1x200x128xf32, #tpu.memory_space<vmem>>
    %dma_wait3A_212 = tpu.memref_squeeze %dma_wait3A_211 : memref<1x200x128xf32, #tpu.memory_space<vmem>> -> memref<200x128xf32, #tpu.memory_space<vmem>>
    %dma_wait3A_213 = arith.constant 0 : i32
    %dma_wait3A_214 = tpu.memref_slice %arg4[%add3A_207, %dma_wait3A_213] : memref<32000x128xf32, #tpu.memory_space<hbm>> -> memref<200x128xf32, #tpu.memory_space<hbm>>
    %dma_wait3A_215 = arith.constant 0 : i32
    %dma_wait3A_216 = tpu.memref_slice %arg4[%add3A_207, %dma_wait3A_215] : memref<32000x128xf32, #tpu.memory_space<hbm>> -> memref<200x128xf32, #tpu.memory_space<hbm>>
    %dma_wait3A_217 = arith.constant 0 : i32
    %dma_wait3A_218 = arith.constant 0 : i32
    %dma_wait3A_219 = tpu.memref_slice %arg6[%dma_wait3A_208, %dma_wait3A_217, %dma_wait3A_218] : memref<4x200x128xf32, #tpu.memory_space<vmem>> -> memref<1x200x128xf32, #tpu.memory_space<vmem>>
    %dma_wait3A_220 = tpu.memref_squeeze %dma_wait3A_219 : memref<1x200x128xf32, #tpu.memory_space<vmem>> -> memref<200x128xf32, #tpu.memory_space<vmem>>
    tpu.wait_dma2 semaphore(%arg13 : memref<!tpu.dma_semaphore, #tpu.memory_space<semaphore_mem>>) src(%dma_wait3A_220 : memref<200x128xf32, #tpu.memory_space<vmem>>) dst(%dma_wait3A_216 : memref<200x128xf32, #tpu.memory_space<hbm>>)
    %add3A_221 = arith.constant 600 : i32
    %add3A_222 = arith.addi %mul3A_2, %add3A_221 : i32
    %dma_wait3A_223 = arith.constant 3 : i32
    %dma_wait3A_224 = arith.constant 0 : i32
    %dma_wait3A_225 = arith.constant 0 : i32
    %dma_wait3A_226 = tpu.memref_slice %arg6[%dma_wait3A_223, %dma_wait3A_224, %dma_wait3A_225] : memref<4x200x128xf32, #tpu.memory_space<vmem>> -> memref<1x200x128xf32, #tpu.memory_space<vmem>>
    %dma_wait3A_227 = tpu.memref_squeeze %dma_wait3A_226 : memref<1x200x128xf32, #tpu.memory_space<vmem>> -> memref<200x128xf32, #tpu.memory_space<vmem>>
    %dma_wait3A_228 = arith.constant 0 : i32
    %dma_wait3A_229 = tpu.memref_slice %arg4[%add3A_222, %dma_wait3A_228] : memref<32000x128xf32, #tpu.memory_space<hbm>> -> memref<200x128xf32, #tpu.memory_space<hbm>>
    %dma_wait3A_230 = arith.constant 0 : i32
    %dma_wait3A_231 = tpu.memref_slice %arg4[%add3A_222, %dma_wait3A_230] : memref<32000x128xf32, #tpu.memory_space<hbm>> -> memref<200x128xf32, #tpu.memory_space<hbm>>
    %dma_wait3A_232 = arith.constant 0 : i32
    %dma_wait3A_233 = arith.constant 0 : i32
    %dma_wait3A_234 = tpu.memref_slice %arg6[%dma_wait3A_223, %dma_wait3A_232, %dma_wait3A_233] : memref<4x200x128xf32, #tpu.memory_space<vmem>> -> memref<1x200x128xf32, #tpu.memory_space<vmem>>
    %dma_wait3A_235 = tpu.memref_squeeze %dma_wait3A_234 : memref<1x200x128xf32, #tpu.memory_space<vmem>> -> memref<200x128xf32, #tpu.memory_space<vmem>>
    tpu.wait_dma2 semaphore(%arg14 : memref<!tpu.dma_semaphore, #tpu.memory_space<semaphore_mem>>) src(%dma_wait3A_235 : memref<200x128xf32, #tpu.memory_space<vmem>>) dst(%dma_wait3A_231 : memref<200x128xf32, #tpu.memory_space<hbm>>)
    %add3A_236 = arith.constant 800 : i32
    %add3A_237 = arith.addi %mul3A_2, %add3A_236 : i32
    %dma_wait3A_238 = arith.constant 0 : i32
    %dma_wait3A_239 = arith.constant 0 : i32
    %dma_wait3A_240 = arith.constant 0 : i32
    %dma_wait3A_241 = tpu.memref_slice %arg6[%dma_wait3A_238, %dma_wait3A_239, %dma_wait3A_240] : memref<4x200x128xf32, #tpu.memory_space<vmem>> -> memref<1x200x128xf32, #tpu.memory_space<vmem>>
    %dma_wait3A_242 = tpu.memref_squeeze %dma_wait3A_241 : memref<1x200x128xf32, #tpu.memory_space<vmem>> -> memref<200x128xf32, #tpu.memory_space<vmem>>
    %dma_wait3A_243 = arith.constant 0 : i32
    %dma_wait3A_244 = tpu.memref_slice %arg4[%add3A_237, %dma_wait3A_243] : memref<32000x128xf32, #tpu.memory_space<hbm>> -> memref<200x128xf32, #tpu.memory_space<hbm>>
    %dma_wait3A_245 = arith.constant 0 : i32
    %dma_wait3A_246 = tpu.memref_slice %arg4[%add3A_237, %dma_wait3A_245] : memref<32000x128xf32, #tpu.memory_space<hbm>> -> memref<200x128xf32, #tpu.memory_space<hbm>>
    %dma_wait3A_247 = arith.constant 0 : i32
    %dma_wait3A_248 = arith.constant 0 : i32
    %dma_wait3A_249 = tpu.memref_slice %arg6[%dma_wait3A_238, %dma_wait3A_247, %dma_wait3A_248] : memref<4x200x128xf32, #tpu.memory_space<vmem>> -> memref<1x200x128xf32, #tpu.memory_space<vmem>>
    %dma_wait3A_250 = tpu.memref_squeeze %dma_wait3A_249 : memref<1x200x128xf32, #tpu.memory_space<vmem>> -> memref<200x128xf32, #tpu.memory_space<vmem>>
    tpu.wait_dma2 semaphore(%arg11 : memref<!tpu.dma_semaphore, #tpu.memory_space<semaphore_mem>>) src(%dma_wait3A_250 : memref<200x128xf32, #tpu.memory_space<vmem>>) dst(%dma_wait3A_246 : memref<200x128xf32, #tpu.memory_space<hbm>>)
    return
  }
}

#map = affine_map<(d0, d1) -> (0, 0)>
#map1 = affine_map<(d0, d1) -> (0)>
module attributes {stable_mosaic.version = 14 : i64} {
  func.func @body(%arg0: i32, %arg1: i32, %arg2: memref<10000x128xf32, #tpu.memory_space<hbm>>, %arg3: memref<32000xi32, #tpu.memory_space<hbm>>, %arg4: memref<32000x128xf32, #tpu.memory_space<hbm>>, %arg5: memref<1000xi32, #tpu.memory_space<vmem>>, %arg6: memref<4x200x128xf32, #tpu.memory_space<vmem>>, %arg7: memref<!tpu.dma_semaphore, #tpu.memory_space<semaphore_mem>>, %arg8: memref<!tpu.dma_semaphore, #tpu.memory_space<semaphore_mem>>, %arg9: memref<!tpu.dma_semaphore, #tpu.memory_space<semaphore_mem>>, %arg10: memref<!tpu.dma_semaphore, #tpu.memory_space<semaphore_mem>>, %arg11: memref<!tpu.dma_semaphore, #tpu.memory_space<semaphore_mem>>, %arg12: memref<!tpu.dma_semaphore, #tpu.memory_space<semaphore_mem>>, %arg13: memref<!tpu.dma_semaphore, #tpu.memory_space<semaphore_mem>>, %arg14: memref<!tpu.dma_semaphore, #tpu.memory_space<semaphore_mem>>) attributes {dimension_semantics = [#tpu.dimension_semantics<core_parallel>, #tpu.dimension_semantics<subcore_parallel>], iteration_bounds = array<i64: 2, 16>, scalar_prefetch = 0 : i64, scratch_operands = 10 : i64, tpu.core_type = #tpu.core_type<sc_vector_subcore>, window_params = [{transform_indices = #map}, {transform_indices = #map1}, {transform_indices = #map}]} {
    %mul3A = arith.constant 2 : i32
    %mul3A_0 = arith.muli %arg1, %mul3A : i32
    %add3A = arith.addi %mul3A_0, %arg0 : i32
    %mul3A_1 = arith.constant 1000 : i32
    %mul3A_2 = arith.muli %add3A, %mul3A_1 : i32
    "tpu.region"() ({
      %run_scoped3A = tpu.sem_alloc : memref<!tpu.dma_semaphore, #tpu.memory_space<semaphore_mem>>
      %dma_start3A_251 = tpu.memref_slice %arg3[%mul3A_2] : memref<32000xi32, #tpu.memory_space<hbm>> -> memref<1000xi32, #tpu.memory_space<hbm>>
      %dma_start3A_252 = tpu.memref_slice %arg3[%mul3A_2] : memref<32000xi32, #tpu.memory_space<hbm>> -> memref<1000xi32, #tpu.memory_space<hbm>>
      tpu.enqueue_dma source(%dma_start3A_252 : memref<1000xi32, #tpu.memory_space<hbm>>) target(%arg5 : memref<1000xi32, #tpu.memory_space<vmem>>) target_semaphore(%run_scoped3A : memref<!tpu.dma_semaphore, #tpu.memory_space<semaphore_mem>>)
      %dma_wait3A_253 = tpu.memref_slice %arg3[%mul3A_2] : memref<32000xi32, #tpu.memory_space<hbm>> -> memref<1000xi32, #tpu.memory_space<hbm>>
      %dma_wait3A_254 = tpu.memref_slice %arg3[%mul3A_2] : memref<32000xi32, #tpu.memory_space<hbm>> -> memref<1000xi32, #tpu.memory_space<hbm>>
      tpu.wait_dma2 semaphore(%run_scoped3A : memref<!tpu.dma_semaphore, #tpu.memory_space<semaphore_mem>>) src(%dma_wait3A_254 : memref<1000xi32, #tpu.memory_space<hbm>>) dst(%arg5 : memref<1000xi32, #tpu.memory_space<vmem>>)
      tpu.yield
    }) : () -> ()
    %dma_start3A = arith.constant 0 : i32
    %dma_start3A_3 = arith.constant 0 : i32
    %dma_start3A_4 = arith.constant 0 : i32
    %dma_start3A_5 = tpu.memref_slice %arg6[%dma_start3A, %dma_start3A_3, %dma_start3A_4] : memref<4x200x128xf32, #tpu.memory_space<vmem>> -> memref<1x200x128xf32, #tpu.memory_space<vmem>>
    %dma_start3A_6 = tpu.memref_squeeze %dma_start3A_5 : memref<1x200x128xf32, #tpu.memory_space<vmem>> -> memref<200x128xf32, #tpu.memory_space<vmem>>
    %dma_start3A_7 = arith.constant 0 : i32
    %dma_start3A_8 = tpu.memref_slice %arg5[%dma_start3A_7] : memref<1000xi32, #tpu.memory_space<vmem>> -> memref<200xi32, #tpu.memory_space<vmem>>
    %dma_start3A_9 = arith.constant 0 : i32
    %dma_start3A_10 = arith.constant 0 : i32
    %dma_start3A_11 = tpu.memref_slice %arg2[%dma_start3A_9, %dma_start3A_10] : memref<10000x128xf32, #tpu.memory_space<hbm>> -> memref<10000x128xf32, #tpu.memory_space<hbm>>
    tpu.enqueue_indirect_dma source(%dma_start3A_11 : memref<10000x128xf32, #tpu.memory_space<hbm>>) target(%dma_start3A_6 : memref<200x128xf32, #tpu.memory_space<vmem>>) offsets(%dma_start3A_8 : memref<200xi32, #tpu.memory_space<vmem>>) semaphore(%arg7 : memref<!tpu.dma_semaphore, #tpu.memory_space<semaphore_mem>>)
    %dma_start3A_12 = arith.constant 1 : i32
    %dma_start3A_13 = arith.constant 0 : i32
    %dma_start3A_14 = arith.constant 0 : i32
    %dma_start3A_15 = tpu.memref_slice %arg6[%dma_start3A_12, %dma_start3A_13, %dma_start3A_14] : memref<4x200x128xf32, #tpu.memory_space<vmem>> -> memref<1x200x128xf32, #tpu.memory_space<vmem>>
    %dma_start3A_16 = tpu.memref_squeeze %dma_start3A_15 : memref<1x200x128xf32, #tpu.memory_space<vmem>> -> memref<200x128xf32, #tpu.memory_space<vmem>>
    %dma_start3A_17 = arith.constant 200 : i32
    %dma_start3A_18 = tpu.memref_slice %arg5[%dma_start3A_17] : memref<1000xi32, #tpu.memory_space<vmem>> -> memref<200xi32, #tpu.memory_space<vmem>>
    %dma_start3A_19 = arith.constant 0 : i32
    %dma_start3A_20 = arith.constant 0 : i32
    %dma_start3A_21 = tpu.memref_slice %arg2[%dma_start3A_19, %dma_start3A_20] : memref<10000x128xf32, #tpu.memory_space<hbm>> -> memref<10000x128xf32, #tpu.memory_space<hbm>>
    tpu.enqueue_indirect_dma source(%dma_start3A_21 : memref<10000x128xf32, #tpu.memory_space<hbm>>) target(%dma_start3A_16 : memref<200x128xf32, #tpu.memory_space<vmem>>) offsets(%dma_start3A_18 : memref<200xi32, #tpu.memory_space<vmem>>) semaphore(%arg8 : memref<!tpu.dma_semaphore, #tpu.memory_space<semaphore_mem>>)
    %dma_wait3A = arith.constant 0 : i32
    %dma_wait3A_22 = arith.constant 0 : i32
    %dma_wait3A_23 = arith.constant 0 : i32
    %dma_wait3A_24 = tpu.memref_slice %arg6[%dma_wait3A, %dma_wait3A_22, %dma_wait3A_23] : memref<4x200x128xf32, #tpu.memory_space<vmem>> -> memref<1x200x128xf32, #tpu.memory_space<vmem>>
    %dma_wait3A_25 = tpu.memref_squeeze %dma_wait3A_24 : memref<1x200x128xf32, #tpu.memory_space<vmem>> -> memref<200x128xf32, #tpu.memory_space<vmem>>
    %dma_wait3A_26 = arith.constant 0 : i32
    %dma_wait3A_27 = tpu.memref_slice %arg5[%dma_wait3A_26] : memref<1000xi32, #tpu.memory_space<vmem>> -> memref<200xi32, #tpu.memory_space<vmem>>
    %dma_wait3A_28 = arith.constant 0 : i32
    %dma_wait3A_29 = arith.constant 0 : i32
    %dma_wait3A_30 = tpu.memref_slice %arg2[%dma_wait3A_28, %dma_wait3A_29] : memref<10000x128xf32, #tpu.memory_space<hbm>> -> memref<10000x128xf32, #tpu.memory_space<hbm>>
    tpu.wait_indirect_dma semaphore(%arg7 : memref<!tpu.dma_semaphore, #tpu.memory_space<semaphore_mem>>) src(%dma_wait3A_30 : memref<10000x128xf32, #tpu.memory_space<hbm>>) dst(%dma_wait3A_25 : memref<200x128xf32, #tpu.memory_space<vmem>>)
    %add3A_31 = arith.constant 0 : i32
    %add3A_32 = arith.addi %mul3A_2, %add3A_31 : i32
    %dma_start3A_33 = arith.constant 0 : i32
    %dma_start3A_34 = arith.constant 0 : i32
    %dma_start3A_35 = arith.constant 0 : i32
    %dma_start3A_36 = tpu.memref_slice %arg6[%dma_start3A_33, %dma_start3A_34, %dma_start3A_35] : memref<4x200x128xf32, #tpu.memory_space<vmem>> -> memref<1x200x128xf32, #tpu.memory_space<vmem>>
    %dma_start3A_37 = tpu.memref_squeeze %dma_start3A_36 : memref<1x200x128xf32, #tpu.memory_space<vmem>> -> memref<200x128xf32, #tpu.memory_space<vmem>>
    %dma_start3A_38 = arith.constant 0 : i32
    %dma_start3A_39 = tpu.memref_slice %arg4[%add3A_32, %dma_start3A_38] : memref<32000x128xf32, #tpu.memory_space<hbm>> -> memref<200x128xf32, #tpu.memory_space<hbm>>
    %dma_start3A_40 = arith.constant 0 : i32
    %dma_start3A_41 = tpu.memref_slice %arg4[%add3A_32, %dma_start3A_40] : memref<32000x128xf32, #tpu.memory_space<hbm>> -> memref<200x128xf32, #tpu.memory_space<hbm>>
    %dma_start3A_42 = arith.constant 0 : i32
    %dma_start3A_43 = arith.constant 0 : i32
    %dma_start3A_44 = tpu.memref_slice %arg6[%dma_start3A_33, %dma_start3A_42, %dma_start3A_43] : memref<4x200x128xf32, #tpu.memory_space<vmem>> -> memref<1x200x128xf32, #tpu.memory_space<vmem>>
    %dma_start3A_45 = tpu.memref_squeeze %dma_start3A_44 : memref<1x200x128xf32, #tpu.memory_space<vmem>> -> memref<200x128xf32, #tpu.memory_space<vmem>>
    tpu.enqueue_dma source(%dma_start3A_45 : memref<200x128xf32, #tpu.memory_space<vmem>>) target(%dma_start3A_41 : memref<200x128xf32, #tpu.memory_space<hbm>>) target_semaphore(%arg11 : memref<!tpu.dma_semaphore, #tpu.memory_space<semaphore_mem>>)
    %dma_start3A_46 = arith.constant 2 : i32
    %dma_start3A_47 = arith.constant 0 : i32
    %dma_start3A_48 = arith.constant 0 : i32
    %dma_start3A_49 = tpu.memref_slice %arg6[%dma_start3A_46, %dma_start3A_47, %dma_start3A_48] : memref<4x200x128xf32, #tpu.memory_space<vmem>> -> memref<1x200x128xf32, #tpu.memory_space<vmem>>
    %dma_start3A_50 = tpu.memref_squeeze %dma_start3A_49 : memref<1x200x128xf32, #tpu.memory_space<vmem>> -> memref<200x128xf32, #tpu.memory_space<vmem>>
    %dma_start3A_51 = arith.constant 400 : i32
    %dma_start3A_52 = tpu.memref_slice %arg5[%dma_start3A_51] : memref<1000xi32, #tpu.memory_space<vmem>> -> memref<200xi32, #tpu.memory_space<vmem>>
    %dma_start3A_53 = arith.constant 0 : i32
    %dma_start3A_54 = arith.constant 0 : i32
    %dma_start3A_55 = tpu.memref_slice %arg2[%dma_start3A_53, %dma_start3A_54] : memref<10000x128xf32, #tpu.memory_space<hbm>> -> memref<10000x128xf32, #tpu.memory_space<hbm>>
    tpu.enqueue_indirect_dma source(%dma_start3A_55 : memref<10000x128xf32, #tpu.memory_space<hbm>>) target(%dma_start3A_50 : memref<200x128xf32, #tpu.memory_space<vmem>>) offsets(%dma_start3A_52 : memref<200xi32, #tpu.memory_space<vmem>>) semaphore(%arg9 : memref<!tpu.dma_semaphore, #tpu.memory_space<semaphore_mem>>)
    %dma_wait3A_56 = arith.constant 1 : i32
    %dma_wait3A_57 = arith.constant 0 : i32
    %dma_wait3A_58 = arith.constant 0 : i32
    %dma_wait3A_59 = tpu.memref_slice %arg6[%dma_wait3A_56, %dma_wait3A_57, %dma_wait3A_58] : memref<4x200x128xf32, #tpu.memory_space<vmem>> -> memref<1x200x128xf32, #tpu.memory_space<vmem>>
    %dma_wait3A_60 = tpu.memref_squeeze %dma_wait3A_59 : memref<1x200x128xf32, #tpu.memory_space<vmem>> -> memref<200x128xf32, #tpu.memory_space<vmem>>
    %dma_wait3A_61 = arith.constant 200 : i32
    %dma_wait3A_62 = tpu.memref_slice %arg5[%dma_wait3A_61] : memref<1000xi32, #tpu.memory_space<vmem>> -> memref<200xi32, #tpu.memory_space<vmem>>
    %dma_wait3A_63 = arith.constant 0 : i32
    %dma_wait3A_64 = arith.constant 0 : i32
    %dma_wait3A_65 = tpu.memref_slice %arg2[%dma_wait3A_63, %dma_wait3A_64] : memref<10000x128xf32, #tpu.memory_space<hbm>> -> memref<10000x128xf32, #tpu.memory_space<hbm>>
    tpu.wait_indirect_dma semaphore(%arg8 : memref<!tpu.dma_semaphore, #tpu.memory_space<semaphore_mem>>) src(%dma_wait3A_65 : memref<10000x128xf32, #tpu.memory_space<hbm>>) dst(%dma_wait3A_60 : memref<200x128xf32, #tpu.memory_space<vmem>>)
    %add3A_66 = arith.constant 200 : i32
    %add3A_67 = arith.addi %mul3A_2, %add3A_66 : i32
    %dma_start3A_68 = arith.constant 1 : i32
    %dma_start3A_69 = arith.constant 0 : i32
    %dma_start3A_70 = arith.constant 0 : i32
    %dma_start3A_71 = tpu.memref_slice %arg6[%dma_start3A_68, %dma_start3A_69, %dma_start3A_70] : memref<4x200x128xf32, #tpu.memory_space<vmem>> -> memref<1x200x128xf32, #tpu.memory_space<vmem>>
    %dma_start3A_72 = tpu.memref_squeeze %dma_start3A_71 : memref<1x200x128xf32, #tpu.memory_space<vmem>> -> memref<200x128xf32, #tpu.memory_space<vmem>>
    %dma_start3A_73 = arith.constant 0 : i32
    %dma_start3A_74 = tpu.memref_slice %arg4[%add3A_67, %dma_start3A_73] : memref<32000x128xf32, #tpu.memory_space<hbm>> -> memref<200x128xf32, #tpu.memory_space<hbm>>
    %dma_start3A_75 = arith.constant 0 : i32
    %dma_start3A_76 = tpu.memref_slice %arg4[%add3A_67, %dma_start3A_75] : memref<32000x128xf32, #tpu.memory_space<hbm>> -> memref<200x128xf32, #tpu.memory_space<hbm>>
    %dma_start3A_77 = arith.constant 0 : i32
    %dma_start3A_78 = arith.constant 0 : i32
    %dma_start3A_79 = tpu.memref_slice %arg6[%dma_start3A_68, %dma_start3A_77, %dma_start3A_78] : memref<4x200x128xf32, #tpu.memory_space<vmem>> -> memref<1x200x128xf32, #tpu.memory_space<vmem>>
    %dma_start3A_80 = tpu.memref_squeeze %dma_start3A_79 : memref<1x200x128xf32, #tpu.memory_space<vmem>> -> memref<200x128xf32, #tpu.memory_space<vmem>>
    tpu.enqueue_dma source(%dma_start3A_80 : memref<200x128xf32, #tpu.memory_space<vmem>>) target(%dma_start3A_76 : memref<200x128xf32, #tpu.memory_space<hbm>>) target_semaphore(%arg12 : memref<!tpu.dma_semaphore, #tpu.memory_space<semaphore_mem>>)
    %dma_start3A_81 = arith.constant 3 : i32
    %dma_start3A_82 = arith.constant 0 : i32
    %dma_start3A_83 = arith.constant 0 : i32
    %dma_start3A_84 = tpu.memref_slice %arg6[%dma_start3A_81, %dma_start3A_82, %dma_start3A_83] : memref<4x200x128xf32, #tpu.memory_space<vmem>> -> memref<1x200x128xf32, #tpu.memory_space<vmem>>
    %dma_start3A_85 = tpu.memref_squeeze %dma_start3A_84 : memref<1x200x128xf32, #tpu.memory_space<vmem>> -> memref<200x128xf32, #tpu.memory_space<vmem>>
    %dma_start3A_86 = arith.constant 600 : i32
    %dma_start3A_87 = tpu.memref_slice %arg5[%dma_start3A_86] : memref<1000xi32, #tpu.memory_space<vmem>> -> memref<200xi32, #tpu.memory_space<vmem>>
    %dma_start3A_88 = arith.constant 0 : i32
    %dma_start3A_89 = arith.constant 0 : i32
    %dma_start3A_90 = tpu.memref_slice %arg2[%dma_start3A_88, %dma_start3A_89] : memref<10000x128xf32, #tpu.memory_space<hbm>> -> memref<10000x128xf32, #tpu.memory_space<hbm>>
    tpu.enqueue_indirect_dma source(%dma_start3A_90 : memref<10000x128xf32, #tpu.memory_space<hbm>>) target(%dma_start3A_85 : memref<200x128xf32, #tpu.memory_space<vmem>>) offsets(%dma_start3A_87 : memref<200xi32, #tpu.memory_space<vmem>>) semaphore(%arg10 : memref<!tpu.dma_semaphore, #tpu.memory_space<semaphore_mem>>)
    %dma_wait3A_91 = arith.constant 2 : i32
    %dma_wait3A_92 = arith.constant 0 : i32
    %dma_wait3A_93 = arith.constant 0 : i32
    %dma_wait3A_94 = tpu.memref_slice %arg6[%dma_wait3A_91, %dma_wait3A_92, %dma_wait3A_93] : memref<4x200x128xf32, #tpu.memory_space<vmem>> -> memref<1x200x128xf32, #tpu.memory_space<vmem>>
    %dma_wait3A_95 = tpu.memref_squeeze %dma_wait3A_94 : memref<1x200x128xf32, #tpu.memory_space<vmem>> -> memref<200x128xf32, #tpu.memory_space<vmem>>
    %dma_wait3A_96 = arith.constant 400 : i32
    %dma_wait3A_97 = tpu.memref_slice %arg5[%dma_wait3A_96] : memref<1000xi32, #tpu.memory_space<vmem>> -> memref<200xi32, #tpu.memory_space<vmem>>
    %dma_wait3A_98 = arith.constant 0 : i32
    %dma_wait3A_99 = arith.constant 0 : i32
    %dma_wait3A_100 = tpu.memref_slice %arg2[%dma_wait3A_98, %dma_wait3A_99] : memref<10000x128xf32, #tpu.memory_space<hbm>> -> memref<10000x128xf32, #tpu.memory_space<hbm>>
    tpu.wait_indirect_dma semaphore(%arg9 : memref<!tpu.dma_semaphore, #tpu.memory_space<semaphore_mem>>) src(%dma_wait3A_100 : memref<10000x128xf32, #tpu.memory_space<hbm>>) dst(%dma_wait3A_95 : memref<200x128xf32, #tpu.memory_space<vmem>>)
    %add3A_101 = arith.constant 400 : i32
    %add3A_102 = arith.addi %mul3A_2, %add3A_101 : i32
    %dma_start3A_103 = arith.constant 2 : i32
    %dma_start3A_104 = arith.constant 0 : i32
    %dma_start3A_105 = arith.constant 0 : i32
    %dma_start3A_106 = tpu.memref_slice %arg6[%dma_start3A_103, %dma_start3A_104, %dma_start3A_105] : memref<4x200x128xf32, #tpu.memory_space<vmem>> -> memref<1x200x128xf32, #tpu.memory_space<vmem>>
    %dma_start3A_107 = tpu.memref_squeeze %dma_start3A_106 : memref<1x200x128xf32, #tpu.memory_space<vmem>> -> memref<200x128xf32, #tpu.memory_space<vmem>>
    %dma_start3A_108 = arith.constant 0 : i32
    %dma_start3A_109 = tpu.memref_slice %arg4[%add3A_102, %dma_start3A_108] : memref<32000x128xf32, #tpu.memory_space<hbm>> -> memref<200x128xf32, #tpu.memory_space<hbm>>
    %dma_start3A_110 = arith.constant 0 : i32
    %dma_start3A_111 = tpu.memref_slice %arg4[%add3A_102, %dma_start3A_110] : memref<32000x128xf32, #tpu.memory_space<hbm>> -> memref<200x128xf32, #tpu.memory_space<hbm>>
    %dma_start3A_112 = arith.constant 0 : i32
    %dma_start3A_113 = arith.constant 0 : i32
    %dma_start3A_114 = tpu.memref_slice %arg6[%dma_start3A_103, %dma_start3A_112, %dma_start3A_113] : memref<4x200x128xf32, #tpu.memory_space<vmem>> -> memref<1x200x128xf32, #tpu.memory_space<vmem>>
    %dma_start3A_115 = tpu.memref_squeeze %dma_start3A_114 : memref<1x200x128xf32, #tpu.memory_space<vmem>> -> memref<200x128xf32, #tpu.memory_space<vmem>>
    tpu.enqueue_dma source(%dma_start3A_115 : memref<200x128xf32, #tpu.memory_space<vmem>>) target(%dma_start3A_111 : memref<200x128xf32, #tpu.memory_space<hbm>>) target_semaphore(%arg13 : memref<!tpu.dma_semaphore, #tpu.memory_space<semaphore_mem>>)
    %add3A_116 = arith.constant 0 : i32
    %add3A_117 = arith.addi %mul3A_2, %add3A_116 : i32
    %dma_wait3A_118 = arith.constant 0 : i32
    %dma_wait3A_119 = arith.constant 0 : i32
    %dma_wait3A_120 = arith.constant 0 : i32
    %dma_wait3A_121 = tpu.memref_slice %arg6[%dma_wait3A_118, %dma_wait3A_119, %dma_wait3A_120] : memref<4x200x128xf32, #tpu.memory_space<vmem>> -> memref<1x200x128xf32, #tpu.memory_space<vmem>>
    %dma_wait3A_122 = tpu.memref_squeeze %dma_wait3A_121 : memref<1x200x128xf32, #tpu.memory_space<vmem>> -> memref<200x128xf32, #tpu.memory_space<vmem>>
    %dma_wait3A_123 = arith.constant 0 : i32
    %dma_wait3A_124 = tpu.memref_slice %arg4[%add3A_117, %dma_wait3A_123] : memref<32000x128xf32, #tpu.memory_space<hbm>> -> memref<200x128xf32, #tpu.memory_space<hbm>>
    %dma_wait3A_125 = arith.constant 0 : i32
    %dma_wait3A_126 = tpu.memref_slice %arg4[%add3A_117, %dma_wait3A_125] : memref<32000x128xf32, #tpu.memory_space<hbm>> -> memref<200x128xf32, #tpu.memory_space<hbm>>
    %dma_wait3A_127 = arith.constant 0 : i32
    %dma_wait3A_128 = arith.constant 0 : i32
    %dma_wait3A_129 = tpu.memref_slice %arg6[%dma_wait3A_118, %dma_wait3A_127, %dma_wait3A_128] : memref<4x200x128xf32, #tpu.memory_space<vmem>> -> memref<1x200x128xf32, #tpu.memory_space<vmem>>
    %dma_wait3A_130 = tpu.memref_squeeze %dma_wait3A_129 : memref<1x200x128xf32, #tpu.memory_space<vmem>> -> memref<200x128xf32, #tpu.memory_space<vmem>>
    tpu.wait_dma2 semaphore(%arg11 : memref<!tpu.dma_semaphore, #tpu.memory_space<semaphore_mem>>) src(%dma_wait3A_130 : memref<200x128xf32, #tpu.memory_space<vmem>>) dst(%dma_wait3A_126 : memref<200x128xf32, #tpu.memory_space<hbm>>)
    %dma_start3A_131 = arith.constant 0 : i32
    %dma_start3A_132 = arith.constant 0 : i32
    %dma_start3A_133 = arith.constant 0 : i32
    %dma_start3A_134 = tpu.memref_slice %arg6[%dma_start3A_131, %dma_start3A_132, %dma_start3A_133] : memref<4x200x128xf32, #tpu.memory_space<vmem>> -> memref<1x200x128xf32, #tpu.memory_space<vmem>>
    %dma_start3A_135 = tpu.memref_squeeze %dma_start3A_134 : memref<1x200x128xf32, #tpu.memory_space<vmem>> -> memref<200x128xf32, #tpu.memory_space<vmem>>
    %dma_start3A_136 = arith.constant 800 : i32
    %dma_start3A_137 = tpu.memref_slice %arg5[%dma_start3A_136] : memref<1000xi32, #tpu.memory_space<vmem>> -> memref<200xi32, #tpu.memory_space<vmem>>
    %dma_start3A_138 = arith.constant 0 : i32
    %dma_start3A_139 = arith.constant 0 : i32
    %dma_start3A_140 = tpu.memref_slice %arg2[%dma_start3A_138, %dma_start3A_139] : memref<10000x128xf32, #tpu.memory_space<hbm>> -> memref<10000x128xf32, #tpu.memory_space<hbm>>
    tpu.enqueue_indirect_dma source(%dma_start3A_140 : memref<10000x128xf32, #tpu.memory_space<hbm>>) target(%dma_start3A_135 : memref<200x128xf32, #tpu.memory_space<vmem>>) offsets(%dma_start3A_137 : memref<200xi32, #tpu.memory_space<vmem>>) semaphore(%arg7 : memref<!tpu.dma_semaphore, #tpu.memory_space<semaphore_mem>>)
    %dma_wait3A_141 = arith.constant 3 : i32
    %dma_wait3A_142 = arith.constant 0 : i32
    %dma_wait3A_143 = arith.constant 0 : i32
    %dma_wait3A_144 = tpu.memref_slice %arg6[%dma_wait3A_141, %dma_wait3A_142, %dma_wait3A_143] : memref<4x200x128xf32, #tpu.memory_space<vmem>> -> memref<1x200x128xf32, #tpu.memory_space<vmem>>
    %dma_wait3A_145 = tpu.memref_squeeze %dma_wait3A_144 : memref<1x200x128xf32, #tpu.memory_space<vmem>> -> memref<200x128xf32, #tpu.memory_space<vmem>>
    %dma_wait3A_146 = arith.constant 600 : i32
    %dma_wait3A_147 = tpu.memref_slice %arg5[%dma_wait3A_146] : memref<1000xi32, #tpu.memory_space<vmem>> -> memref<200xi32, #tpu.memory_space<vmem>>
    %dma_wait3A_148 = arith.constant 0 : i32
    %dma_wait3A_149 = arith.constant 0 : i32
    %dma_wait3A_150 = tpu.memref_slice %arg2[%dma_wait3A_148, %dma_wait3A_149] : memref<10000x128xf32, #tpu.memory_space<hbm>> -> memref<10000x128xf32, #tpu.memory_space<hbm>>
    tpu.wait_indirect_dma semaphore(%arg10 : memref<!tpu.dma_semaphore, #tpu.memory_space<semaphore_mem>>) src(%dma_wait3A_150 : memref<10000x128xf32, #tpu.memory_space<hbm>>) dst(%dma_wait3A_145 : memref<200x128xf32, #tpu.memory_space<vmem>>)
    %add3A_151 = arith.constant 600 : i32
    %add3A_152 = arith.addi %mul3A_2, %add3A_151 : i32
    %dma_start3A_153 = arith.constant 3 : i32
    %dma_start3A_154 = arith.constant 0 : i32
    %dma_start3A_155 = arith.constant 0 : i32
    %dma_start3A_156 = tpu.memref_slice %arg6[%dma_start3A_153, %dma_start3A_154, %dma_start3A_155] : memref<4x200x128xf32, #tpu.memory_space<vmem>> -> memref<1x200x128xf32, #tpu.memory_space<vmem>>
    %dma_start3A_157 = tpu.memref_squeeze %dma_start3A_156 : memref<1x200x128xf32, #tpu.memory_space<vmem>> -> memref<200x128xf32, #tpu.memory_space<vmem>>
    %dma_start3A_158 = arith.constant 0 : i32
    %dma_start3A_159 = tpu.memref_slice %arg4[%add3A_152, %dma_start3A_158] : memref<32000x128xf32, #tpu.memory_space<hbm>> -> memref<200x128xf32, #tpu.memory_space<hbm>>
    %dma_start3A_160 = arith.constant 0 : i32
    %dma_start3A_161 = tpu.memref_slice %arg4[%add3A_152, %dma_start3A_160] : memref<32000x128xf32, #tpu.memory_space<hbm>> -> memref<200x128xf32, #tpu.memory_space<hbm>>
    %dma_start3A_162 = arith.constant 0 : i32
    %dma_start3A_163 = arith.constant 0 : i32
    %dma_start3A_164 = tpu.memref_slice %arg6[%dma_start3A_153, %dma_start3A_162, %dma_start3A_163] : memref<4x200x128xf32, #tpu.memory_space<vmem>> -> memref<1x200x128xf32, #tpu.memory_space<vmem>>
    %dma_start3A_165 = tpu.memref_squeeze %dma_start3A_164 : memref<1x200x128xf32, #tpu.memory_space<vmem>> -> memref<200x128xf32, #tpu.memory_space<vmem>>
    tpu.enqueue_dma source(%dma_start3A_165 : memref<200x128xf32, #tpu.memory_space<vmem>>) target(%dma_start3A_161 : memref<200x128xf32, #tpu.memory_space<hbm>>) target_semaphore(%arg14 : memref<!tpu.dma_semaphore, #tpu.memory_space<semaphore_mem>>)
    %dma_wait3A_166 = arith.constant 0 : i32
    %dma_wait3A_167 = arith.constant 0 : i32
    %dma_wait3A_168 = arith.constant 0 : i32
    %dma_wait3A_169 = tpu.memref_slice %arg6[%dma_wait3A_166, %dma_wait3A_167, %dma_wait3A_168] : memref<4x200x128xf32, #tpu.memory_space<vmem>> -> memref<1x200x128xf32, #tpu.memory_space<vmem>>
    %dma_wait3A_170 = tpu.memref_squeeze %dma_wait3A_169 : memref<1x200x128xf32, #tpu.memory_space<vmem>> -> memref<200x128xf32, #tpu.memory_space<vmem>>
    %dma_wait3A_171 = arith.constant 800 : i32
    %dma_wait3A_172 = tpu.memref_slice %arg5[%dma_wait3A_171] : memref<1000xi32, #tpu.memory_space<vmem>> -> memref<200xi32, #tpu.memory_space<vmem>>
    %dma_wait3A_173 = arith.constant 0 : i32
    %dma_wait3A_174 = arith.constant 0 : i32
    %dma_wait3A_175 = tpu.memref_slice %arg2[%dma_wait3A_173, %dma_wait3A_174] : memref<10000x128xf32, #tpu.memory_space<hbm>> -> memref<10000x128xf32, #tpu.memory_space<hbm>>
    tpu.wait_indirect_dma semaphore(%arg7 : memref<!tpu.dma_semaphore, #tpu.memory_space<semaphore_mem>>) src(%dma_wait3A_175 : memref<10000x128xf32, #tpu.memory_space<hbm>>) dst(%dma_wait3A_170 : memref<200x128xf32, #tpu.memory_space<vmem>>)
    %add3A_176 = arith.constant 800 : i32
    %add3A_177 = arith.addi %mul3A_2, %add3A_176 : i32
    %dma_start3A_178 = arith.constant 0 : i32
    %dma_start3A_179 = arith.constant 0 : i32
    %dma_start3A_180 = arith.constant 0 : i32
    %dma_start3A_181 = tpu.memref_slice %arg6[%dma_start3A_178, %dma_start3A_179, %dma_start3A_180] : memref<4x200x128xf32, #tpu.memory_space<vmem>> -> memref<1x200x128xf32, #tpu.memory_space<vmem>>
    %dma_start3A_182 = tpu.memref_squeeze %dma_start3A_181 : memref<1x200x128xf32, #tpu.memory_space<vmem>> -> memref<200x128xf32, #tpu.memory_space<vmem>>
    %dma_start3A_183 = arith.constant 0 : i32
    %dma_start3A_184 = tpu.memref_slice %arg4[%add3A_177, %dma_start3A_183] : memref<32000x128xf32, #tpu.memory_space<hbm>> -> memref<200x128xf32, #tpu.memory_space<hbm>>
    %dma_start3A_185 = arith.constant 0 : i32
    %dma_start3A_186 = tpu.memref_slice %arg4[%add3A_177, %dma_start3A_185] : memref<32000x128xf32, #tpu.memory_space<hbm>> -> memref<200x128xf32, #tpu.memory_space<hbm>>
    %dma_start3A_187 = arith.constant 0 : i32
    %dma_start3A_188 = arith.constant 0 : i32
    %dma_start3A_189 = tpu.memref_slice %arg6[%dma_start3A_178, %dma_start3A_187, %dma_start3A_188] : memref<4x200x128xf32, #tpu.memory_space<vmem>> -> memref<1x200x128xf32, #tpu.memory_space<vmem>>
    %dma_start3A_190 = tpu.memref_squeeze %dma_start3A_189 : memref<1x200x128xf32, #tpu.memory_space<vmem>> -> memref<200x128xf32, #tpu.memory_space<vmem>>
    tpu.enqueue_dma source(%dma_start3A_190 : memref<200x128xf32, #tpu.memory_space<vmem>>) target(%dma_start3A_186 : memref<200x128xf32, #tpu.memory_space<hbm>>) target_semaphore(%arg11 : memref<!tpu.dma_semaphore, #tpu.memory_space<semaphore_mem>>)
    %add3A_191 = arith.constant 200 : i32
    %add3A_192 = arith.addi %mul3A_2, %add3A_191 : i32
    %dma_wait3A_193 = arith.constant 1 : i32
    %dma_wait3A_194 = arith.constant 0 : i32
    %dma_wait3A_195 = arith.constant 0 : i32
    %dma_wait3A_196 = tpu.memref_slice %arg6[%dma_wait3A_193, %dma_wait3A_194, %dma_wait3A_195] : memref<4x200x128xf32, #tpu.memory_space<vmem>> -> memref<1x200x128xf32, #tpu.memory_space<vmem>>
    %dma_wait3A_197 = tpu.memref_squeeze %dma_wait3A_196 : memref<1x200x128xf32, #tpu.memory_space<vmem>> -> memref<200x128xf32, #tpu.memory_space<vmem>>
    %dma_wait3A_198 = arith.constant 0 : i32
    %dma_wait3A_199 = tpu.memref_slice %arg4[%add3A_192, %dma_wait3A_198] : memref<32000x128xf32, #tpu.memory_space<hbm>> -> memref<200x128xf32, #tpu.memory_space<hbm>>
    %dma_wait3A_200 = arith.constant 0 : i32
    %dma_wait3A_201 = tpu.memref_slice %arg4[%add3A_192, %dma_wait3A_200] : memref<32000x128xf32, #tpu.memory_space<hbm>> -> memref<200x128xf32, #tpu.memory_space<hbm>>
    %dma_wait3A_202 = arith.constant 0 : i32
    %dma_wait3A_203 = arith.constant 0 : i32
    %dma_wait3A_204 = tpu.memref_slice %arg6[%dma_wait3A_193, %dma_wait3A_202, %dma_wait3A_203] : memref<4x200x128xf32, #tpu.memory_space<vmem>> -> memref<1x200x128xf32, #tpu.memory_space<vmem>>
    %dma_wait3A_205 = tpu.memref_squeeze %dma_wait3A_204 : memref<1x200x128xf32, #tpu.memory_space<vmem>> -> memref<200x128xf32, #tpu.memory_space<vmem>>
    tpu.wait_dma2 semaphore(%arg12 : memref<!tpu.dma_semaphore, #tpu.memory_space<semaphore_mem>>) src(%dma_wait3A_205 : memref<200x128xf32, #tpu.memory_space<vmem>>) dst(%dma_wait3A_201 : memref<200x128xf32, #tpu.memory_space<hbm>>)
    %add3A_206 = arith.constant 400 : i32
    %add3A_207 = arith.addi %mul3A_2, %add3A_206 : i32
    %dma_wait3A_208 = arith.constant 2 : i32
    %dma_wait3A_209 = arith.constant 0 : i32
    %dma_wait3A_210 = arith.constant 0 : i32
    %dma_wait3A_211 = tpu.memref_slice %arg6[%dma_wait3A_208, %dma_wait3A_209, %dma_wait3A_210] : memref<4x200x128xf32, #tpu.memory_space<vmem>> -> memref<1x200x128xf32, #tpu.memory_space<vmem>>
    %dma_wait3A_212 = tpu.memref_squeeze %dma_wait3A_211 : memref<1x200x128xf32, #tpu.memory_space<vmem>> -> memref<200x128xf32, #tpu.memory_space<vmem>>
    %dma_wait3A_213 = arith.constant 0 : i32
    %dma_wait3A_214 = tpu.memref_slice %arg4[%add3A_207, %dma_wait3A_213] : memref<32000x128xf32, #tpu.memory_space<hbm>> -> memref<200x128xf32, #tpu.memory_space<hbm>>
    %dma_wait3A_215 = arith.constant 0 : i32
    %dma_wait3A_216 = tpu.memref_slice %arg4[%add3A_207, %dma_wait3A_215] : memref<32000x128xf32, #tpu.memory_space<hbm>> -> memref<200x128xf32, #tpu.memory_space<hbm>>
    %dma_wait3A_217 = arith.constant 0 : i32
    %dma_wait3A_218 = arith.constant 0 : i32
    %dma_wait3A_219 = tpu.memref_slice %arg6[%dma_wait3A_208, %dma_wait3A_217, %dma_wait3A_218] : memref<4x200x128xf32, #tpu.memory_space<vmem>> -> memref<1x200x128xf32, #tpu.memory_space<vmem>>
    %dma_wait3A_220 = tpu.memref_squeeze %dma_wait3A_219 : memref<1x200x128xf32, #tpu.memory_space<vmem>> -> memref<200x128xf32, #tpu.memory_space<vmem>>
    tpu.wait_dma2 semaphore(%arg13 : memref<!tpu.dma_semaphore, #tpu.memory_space<semaphore_mem>>) src(%dma_wait3A_220 : memref<200x128xf32, #tpu.memory_space<vmem>>) dst(%dma_wait3A_216 : memref<200x128xf32, #tpu.memory_space<hbm>>)
    %add3A_221 = arith.constant 600 : i32
    %add3A_222 = arith.addi %mul3A_2, %add3A_221 : i32
    %dma_wait3A_223 = arith.constant 3 : i32
    %dma_wait3A_224 = arith.constant 0 : i32
    %dma_wait3A_225 = arith.constant 0 : i32
    %dma_wait3A_226 = tpu.memref_slice %arg6[%dma_wait3A_223, %dma_wait3A_224, %dma_wait3A_225] : memref<4x200x128xf32, #tpu.memory_space<vmem>> -> memref<1x200x128xf32, #tpu.memory_space<vmem>>
    %dma_wait3A_227 = tpu.memref_squeeze %dma_wait3A_226 : memref<1x200x128xf32, #tpu.memory_space<vmem>> -> memref<200x128xf32, #tpu.memory_space<vmem>>
    %dma_wait3A_228 = arith.constant 0 : i32
    %dma_wait3A_229 = tpu.memref_slice %arg4[%add3A_222, %dma_wait3A_228] : memref<32000x128xf32, #tpu.memory_space<hbm>> -> memref<200x128xf32, #tpu.memory_space<hbm>>
    %dma_wait3A_230 = arith.constant 0 : i32
    %dma_wait3A_231 = tpu.memref_slice %arg4[%add3A_222, %dma_wait3A_230] : memref<32000x128xf32, #tpu.memory_space<hbm>> -> memref<200x128xf32, #tpu.memory_space<hbm>>
    %dma_wait3A_232 = arith.constant 0 : i32
    %dma_wait3A_233 = arith.constant 0 : i32
    %dma_wait3A_234 = tpu.memref_slice %arg6[%dma_wait3A_223, %dma_wait3A_232, %dma_wait3A_233] : memref<4x200x128xf32, #tpu.memory_space<vmem>> -> memref<1x200x128xf32, #tpu.memory_space<vmem>>
    %dma_wait3A_235 = tpu.memref_squeeze %dma_wait3A_234 : memref<1x200x128xf32, #tpu.memory_space<vmem>> -> memref<200x128xf32, #tpu.memory_space<vmem>>
    tpu.wait_dma2 semaphore(%arg14 : memref<!tpu.dma_semaphore, #tpu.memory_space<semaphore_mem>>) src(%dma_wait3A_235 : memref<200x128xf32, #tpu.memory_space<vmem>>) dst(%dma_wait3A_231 : memref<200x128xf32, #tpu.memory_space<hbm>>)
    %add3A_236 = arith.constant 800 : i32
    %add3A_237 = arith.addi %mul3A_2, %add3A_236 : i32
    %dma_wait3A_238 = arith.constant 0 : i32
    %dma_wait3A_239 = arith.constant 0 : i32
    %dma_wait3A_240 = arith.constant 0 : i32
    %dma_wait3A_241 = tpu.memref_slice %arg6[%dma_wait3A_238, %dma_wait3A_239, %dma_wait3A_240] : memref<4x200x128xf32, #tpu.memory_space<vmem>> -> memref<1x200x128xf32, #tpu.memory_space<vmem>>
    %dma_wait3A_242 = tpu.memref_squeeze %dma_wait3A_241 : memref<1x200x128xf32, #tpu.memory_space<vmem>> -> memref<200x128xf32, #tpu.memory_space<vmem>>
    %dma_wait3A_243 = arith.constant 0 : i32
    %dma_wait3A_244 = tpu.memref_slice %arg4[%add3A_237, %dma_wait3A_243] : memref<32000x128xf32, #tpu.memory_space<hbm>> -> memref<200x128xf32, #tpu.memory_space<hbm>>
    %dma_wait3A_245 = arith.constant 0 : i32
    %dma_wait3A_246 = tpu.memref_slice %arg4[%add3A_237, %dma_wait3A_245] : memref<32000x128xf32, #tpu.memory_space<hbm>> -> memref<200x128xf32, #tpu.memory_space<hbm>>
    %dma_wait3A_247 = arith.constant 0 : i32
    %dma_wait3A_248 = arith.constant 0 : i32
    %dma_wait3A_249 = tpu.memref_slice %arg6[%dma_wait3A_238, %dma_wait3A_247, %dma_wait3A_248] : memref<4x200x128xf32, #tpu.memory_space<vmem>> -> memref<1x200x128xf32, #tpu.memory_space<vmem>>
    %dma_wait3A_250 = tpu.memref_squeeze %dma_wait3A_249 : memref<1x200x128xf32, #tpu.memory_space<vmem>> -> memref<200x128xf32, #tpu.memory_space<vmem>>
    tpu.wait_dma2 semaphore(%arg11 : memref<!tpu.dma_semaphore, #tpu.memory_space<semaphore_mem>>) src(%dma_wait3A_250 : memref<200x128xf32, #tpu.memory_space<vmem>>) dst(%dma_wait3A_246 : memref<200x128xf32, #tpu.memory_space<hbm>>)
    return
  }
}

#map = affine_map<(d0, d1) -> (0, 0)>
#map1 = affine_map<(d0, d1) -> (0)>
module attributes {stable_mosaic.version = 14 : i64} {
  func.func @body(%arg0: i32, %arg1: i32, %arg2: memref<10000x128xf32, #tpu.memory_space<hbm>>, %arg3: memref<32000xi32, #tpu.memory_space<hbm>>, %arg4: memref<32000x128xf32, #tpu.memory_space<hbm>>, %arg5: memref<1000xi32, #tpu.memory_space<vmem>>, %arg6: memref<4x200x128xf32, #tpu.memory_space<vmem>>, %arg7: memref<!tpu.dma_semaphore, #tpu.memory_space<semaphore_mem>>, %arg8: memref<!tpu.dma_semaphore, #tpu.memory_space<semaphore_mem>>, %arg9: memref<!tpu.dma_semaphore, #tpu.memory_space<semaphore_mem>>, %arg10: memref<!tpu.dma_semaphore, #tpu.memory_space<semaphore_mem>>, %arg11: memref<!tpu.dma_semaphore, #tpu.memory_space<semaphore_mem>>, %arg12: memref<!tpu.dma_semaphore, #tpu.memory_space<semaphore_mem>>, %arg13: memref<!tpu.dma_semaphore, #tpu.memory_space<semaphore_mem>>, %arg14: memref<!tpu.dma_semaphore, #tpu.memory_space<semaphore_mem>>) attributes {dimension_semantics = [#tpu.dimension_semantics<core_parallel>, #tpu.dimension_semantics<subcore_parallel>], iteration_bounds = array<i64: 2, 16>, scalar_prefetch = 0 : i64, scratch_operands = 10 : i64, tpu.core_type = #tpu.core_type<sc_vector_subcore>, window_params = [{transform_indices = #map}, {transform_indices = #map1}, {transform_indices = #map}]} {
    %mul3A = arith.constant 2 : i32
    %mul3A_0 = arith.muli %arg1, %mul3A : i32
    %add3A = arith.addi %mul3A_0, %arg0 : i32
    %mul3A_1 = arith.constant 1000 : i32
    %mul3A_2 = arith.muli %add3A, %mul3A_1 : i32
    "tpu.region"() ({
      %run_scoped3A = tpu.sem_alloc : memref<!tpu.dma_semaphore, #tpu.memory_space<semaphore_mem>>
      %dma_start3A_251 = tpu.memref_slice %arg3[%mul3A_2] : memref<32000xi32, #tpu.memory_space<hbm>> -> memref<1000xi32, #tpu.memory_space<hbm>>
      %dma_start3A_252 = tpu.memref_slice %arg3[%mul3A_2] : memref<32000xi32, #tpu.memory_space<hbm>> -> memref<1000xi32, #tpu.memory_space<hbm>>
      tpu.enqueue_dma source(%dma_start3A_252 : memref<1000xi32, #tpu.memory_space<hbm>>) target(%arg5 : memref<1000xi32, #tpu.memory_space<vmem>>) target_semaphore(%run_scoped3A : memref<!tpu.dma_semaphore, #tpu.memory_space<semaphore_mem>>)
      %dma_wait3A_253 = tpu.memref_slice %arg3[%mul3A_2] : memref<32000xi32, #tpu.memory_space<hbm>> -> memref<1000xi32, #tpu.memory_space<hbm>>
      %dma_wait3A_254 = tpu.memref_slice %arg3[%mul3A_2] : memref<32000xi32, #tpu.memory_space<hbm>> -> memref<1000xi32, #tpu.memory_space<hbm>>
      tpu.wait_dma2 semaphore(%run_scoped3A : memref<!tpu.dma_semaphore, #tpu.memory_space<semaphore_mem>>) src(%dma_wait3A_254 : memref<1000xi32, #tpu.memory_space<hbm>>) dst(%arg5 : memref<1000xi32, #tpu.memory_space<vmem>>)
      tpu.yield
    }) : () -> ()
    %dma_start3A = arith.constant 0 : i32
    %dma_start3A_3 = arith.constant 0 : i32
    %dma_start3A_4 = arith.constant 0 : i32
    %dma_start3A_5 = tpu.memref_slice %arg6[%dma_start3A, %dma_start3A_3, %dma_start3A_4] : memref<4x200x128xf32, #tpu.memory_space<vmem>> -> memref<1x200x128xf32, #tpu.memory_space<vmem>>
    %dma_start3A_6 = tpu.memref_squeeze %dma_start3A_5 : memref<1x200x128xf32, #tpu.memory_space<vmem>> -> memref<200x128xf32, #tpu.memory_space<vmem>>
    %dma_start3A_7 = arith.constant 0 : i32
    %dma_start3A_8 = tpu.memref_slice %arg5[%dma_start3A_7] : memref<1000xi32, #tpu.memory_space<vmem>> -> memref<200xi32, #tpu.memory_space<vmem>>
    %dma_start3A_9 = arith.constant 0 : i32
    %dma_start3A_10 = arith.constant 0 : i32
    %dma_start3A_11 = tpu.memref_slice %arg2[%dma_start3A_9, %dma_start3A_10] : memref<10000x128xf32, #tpu.memory_space<hbm>> -> memref<10000x128xf32, #tpu.memory_space<hbm>>
    tpu.enqueue_indirect_dma source(%dma_start3A_11 : memref<10000x128xf32, #tpu.memory_space<hbm>>) target(%dma_start3A_6 : memref<200x128xf32, #tpu.memory_space<vmem>>) offsets(%dma_start3A_8 : memref<200xi32, #tpu.memory_space<vmem>>) semaphore(%arg7 : memref<!tpu.dma_semaphore, #tpu.memory_space<semaphore_mem>>)
    %dma_start3A_12 = arith.constant 1 : i32
    %dma_start3A_13 = arith.constant 0 : i32
    %dma_start3A_14 = arith.constant 0 : i32
    %dma_start3A_15 = tpu.memref_slice %arg6[%dma_start3A_12, %dma_start3A_13, %dma_start3A_14] : memref<4x200x128xf32, #tpu.memory_space<vmem>> -> memref<1x200x128xf32, #tpu.memory_space<vmem>>
    %dma_start3A_16 = tpu.memref_squeeze %dma_start3A_15 : memref<1x200x128xf32, #tpu.memory_space<vmem>> -> memref<200x128xf32, #tpu.memory_space<vmem>>
    %dma_start3A_17 = arith.constant 200 : i32
    %dma_start3A_18 = tpu.memref_slice %arg5[%dma_start3A_17] : memref<1000xi32, #tpu.memory_space<vmem>> -> memref<200xi32, #tpu.memory_space<vmem>>
    %dma_start3A_19 = arith.constant 0 : i32
    %dma_start3A_20 = arith.constant 0 : i32
    %dma_start3A_21 = tpu.memref_slice %arg2[%dma_start3A_19, %dma_start3A_20] : memref<10000x128xf32, #tpu.memory_space<hbm>> -> memref<10000x128xf32, #tpu.memory_space<hbm>>
    tpu.enqueue_indirect_dma source(%dma_start3A_21 : memref<10000x128xf32, #tpu.memory_space<hbm>>) target(%dma_start3A_16 : memref<200x128xf32, #tpu.memory_space<vmem>>) offsets(%dma_start3A_18 : memref<200xi32, #tpu.memory_space<vmem>>) semaphore(%arg8 : memref<!tpu.dma_semaphore, #tpu.memory_space<semaphore_mem>>)
    %dma_wait3A = arith.constant 0 : i32
    %dma_wait3A_22 = arith.constant 0 : i32
    %dma_wait3A_23 = arith.constant 0 : i32
    %dma_wait3A_24 = tpu.memref_slice %arg6[%dma_wait3A, %dma_wait3A_22, %dma_wait3A_23] : memref<4x200x128xf32, #tpu.memory_space<vmem>> -> memref<1x200x128xf32, #tpu.memory_space<vmem>>
    %dma_wait3A_25 = tpu.memref_squeeze %dma_wait3A_24 : memref<1x200x128xf32, #tpu.memory_space<vmem>> -> memref<200x128xf32, #tpu.memory_space<vmem>>
    %dma_wait3A_26 = arith.constant 0 : i32
    %dma_wait3A_27 = tpu.memref_slice %arg5[%dma_wait3A_26] : memref<1000xi32, #tpu.memory_space<vmem>> -> memref<200xi32, #tpu.memory_space<vmem>>
    %dma_wait3A_28 = arith.constant 0 : i32
    %dma_wait3A_29 = arith.constant 0 : i32
    %dma_wait3A_30 = tpu.memref_slice %arg2[%dma_wait3A_28, %dma_wait3A_29] : memref<10000x128xf32, #tpu.memory_space<hbm>> -> memref<10000x128xf32, #tpu.memory_space<hbm>>
    tpu.wait_indirect_dma semaphore(%arg7 : memref<!tpu.dma_semaphore, #tpu.memory_space<semaphore_mem>>) src(%dma_wait3A_30 : memref<10000x128xf32, #tpu.memory_space<hbm>>) dst(%dma_wait3A_25 : memref<200x128xf32, #tpu.memory_space<vmem>>)
    %add3A_31 = arith.constant 0 : i32
    %add3A_32 = arith.addi %mul3A_2, %add3A_31 : i32
    %dma_start3A_33 = arith.constant 0 : i32
    %dma_start3A_34 = arith.constant 0 : i32
    %dma_start3A_35 = arith.constant 0 : i32
    %dma_start3A_36 = tpu.memref_slice %arg6[%dma_start3A_33, %dma_start3A_34, %dma_start3A_35] : memref<4x200x128xf32, #tpu.memory_space<vmem>> -> memref<1x200x128xf32, #tpu.memory_space<vmem>>
    %dma_start3A_37 = tpu.memref_squeeze %dma_start3A_36 : memref<1x200x128xf32, #tpu.memory_space<vmem>> -> memref<200x128xf32, #tpu.memory_space<vmem>>
    %dma_start3A_38 = arith.constant 0 : i32
    %dma_start3A_39 = tpu.memref_slice %arg4[%add3A_32, %dma_start3A_38] : memref<32000x128xf32, #tpu.memory_space<hbm>> -> memref<200x128xf32, #tpu.memory_space<hbm>>
    %dma_start3A_40 = arith.constant 0 : i32
    %dma_start3A_41 = tpu.memref_slice %arg4[%add3A_32, %dma_start3A_40] : memref<32000x128xf32, #tpu.memory_space<hbm>> -> memref<200x128xf32, #tpu.memory_space<hbm>>
    %dma_start3A_42 = arith.constant 0 : i32
    %dma_start3A_43 = arith.constant 0 : i32
    %dma_start3A_44 = tpu.memref_slice %arg6[%dma_start3A_33, %dma_start3A_42, %dma_start3A_43] : memref<4x200x128xf32, #tpu.memory_space<vmem>> -> memref<1x200x128xf32, #tpu.memory_space<vmem>>
    %dma_start3A_45 = tpu.memref_squeeze %dma_start3A_44 : memref<1x200x128xf32, #tpu.memory_space<vmem>> -> memref<200x128xf32, #tpu.memory_space<vmem>>
    tpu.enqueue_dma source(%dma_start3A_45 : memref<200x128xf32, #tpu.memory_space<vmem>>) target(%dma_start3A_41 : memref<200x128xf32, #tpu.memory_space<hbm>>) target_semaphore(%arg11 : memref<!tpu.dma_semaphore, #tpu.memory_space<semaphore_mem>>)
    %dma_start3A_46 = arith.constant 2 : i32
    %dma_start3A_47 = arith.constant 0 : i32
    %dma_start3A_48 = arith.constant 0 : i32
    %dma_start3A_49 = tpu.memref_slice %arg6[%dma_start3A_46, %dma_start3A_47, %dma_start3A_48] : memref<4x200x128xf32, #tpu.memory_space<vmem>> -> memref<1x200x128xf32, #tpu.memory_space<vmem>>
    %dma_start3A_50 = tpu.memref_squeeze %dma_start3A_49 : memref<1x200x128xf32, #tpu.memory_space<vmem>> -> memref<200x128xf32, #tpu.memory_space<vmem>>
    %dma_start3A_51 = arith.constant 400 : i32
    %dma_start3A_52 = tpu.memref_slice %arg5[%dma_start3A_51] : memref<1000xi32, #tpu.memory_space<vmem>> -> memref<200xi32, #tpu.memory_space<vmem>>
    %dma_start3A_53 = arith.constant 0 : i32
    %dma_start3A_54 = arith.constant 0 : i32
    %dma_start3A_55 = tpu.memref_slice %arg2[%dma_start3A_53, %dma_start3A_54] : memref<10000x128xf32, #tpu.memory_space<hbm>> -> memref<10000x128xf32, #tpu.memory_space<hbm>>
    tpu.enqueue_indirect_dma source(%dma_start3A_55 : memref<10000x128xf32, #tpu.memory_space<hbm>>) target(%dma_start3A_50 : memref<200x128xf32, #tpu.memory_space<vmem>>) offsets(%dma_start3A_52 : memref<200xi32, #tpu.memory_space<vmem>>) semaphore(%arg9 : memref<!tpu.dma_semaphore, #tpu.memory_space<semaphore_mem>>)
    %dma_wait3A_56 = arith.constant 1 : i32
    %dma_wait3A_57 = arith.constant 0 : i32
    %dma_wait3A_58 = arith.constant 0 : i32
    %dma_wait3A_59 = tpu.memref_slice %arg6[%dma_wait3A_56, %dma_wait3A_57, %dma_wait3A_58] : memref<4x200x128xf32, #tpu.memory_space<vmem>> -> memref<1x200x128xf32, #tpu.memory_space<vmem>>
    %dma_wait3A_60 = tpu.memref_squeeze %dma_wait3A_59 : memref<1x200x128xf32, #tpu.memory_space<vmem>> -> memref<200x128xf32, #tpu.memory_space<vmem>>
    %dma_wait3A_61 = arith.constant 200 : i32
    %dma_wait3A_62 = tpu.memref_slice %arg5[%dma_wait3A_61] : memref<1000xi32, #tpu.memory_space<vmem>> -> memref<200xi32, #tpu.memory_space<vmem>>
    %dma_wait3A_63 = arith.constant 0 : i32
    %dma_wait3A_64 = arith.constant 0 : i32
    %dma_wait3A_65 = tpu.memref_slice %arg2[%dma_wait3A_63, %dma_wait3A_64] : memref<10000x128xf32, #tpu.memory_space<hbm>> -> memref<10000x128xf32, #tpu.memory_space<hbm>>
    tpu.wait_indirect_dma semaphore(%arg8 : memref<!tpu.dma_semaphore, #tpu.memory_space<semaphore_mem>>) src(%dma_wait3A_65 : memref<10000x128xf32, #tpu.memory_space<hbm>>) dst(%dma_wait3A_60 : memref<200x128xf32, #tpu.memory_space<vmem>>)
    %add3A_66 = arith.constant 200 : i32
    %add3A_67 = arith.addi %mul3A_2, %add3A_66 : i32
    %dma_start3A_68 = arith.constant 1 : i32
    %dma_start3A_69 = arith.constant 0 : i32
    %dma_start3A_70 = arith.constant 0 : i32
    %dma_start3A_71 = tpu.memref_slice %arg6[%dma_start3A_68, %dma_start3A_69, %dma_start3A_70] : memref<4x200x128xf32, #tpu.memory_space<vmem>> -> memref<1x200x128xf32, #tpu.memory_space<vmem>>
    %dma_start3A_72 = tpu.memref_squeeze %dma_start3A_71 : memref<1x200x128xf32, #tpu.memory_space<vmem>> -> memref<200x128xf32, #tpu.memory_space<vmem>>
    %dma_start3A_73 = arith.constant 0 : i32
    %dma_start3A_74 = tpu.memref_slice %arg4[%add3A_67, %dma_start3A_73] : memref<32000x128xf32, #tpu.memory_space<hbm>> -> memref<200x128xf32, #tpu.memory_space<hbm>>
    %dma_start3A_75 = arith.constant 0 : i32
    %dma_start3A_76 = tpu.memref_slice %arg4[%add3A_67, %dma_start3A_75] : memref<32000x128xf32, #tpu.memory_space<hbm>> -> memref<200x128xf32, #tpu.memory_space<hbm>>
    %dma_start3A_77 = arith.constant 0 : i32
    %dma_start3A_78 = arith.constant 0 : i32
    %dma_start3A_79 = tpu.memref_slice %arg6[%dma_start3A_68, %dma_start3A_77, %dma_start3A_78] : memref<4x200x128xf32, #tpu.memory_space<vmem>> -> memref<1x200x128xf32, #tpu.memory_space<vmem>>
    %dma_start3A_80 = tpu.memref_squeeze %dma_start3A_79 : memref<1x200x128xf32, #tpu.memory_space<vmem>> -> memref<200x128xf32, #tpu.memory_space<vmem>>
    tpu.enqueue_dma source(%dma_start3A_80 : memref<200x128xf32, #tpu.memory_space<vmem>>) target(%dma_start3A_76 : memref<200x128xf32, #tpu.memory_space<hbm>>) target_semaphore(%arg12 : memref<!tpu.dma_semaphore, #tpu.memory_space<semaphore_mem>>)
    %dma_start3A_81 = arith.constant 3 : i32
    %dma_start3A_82 = arith.constant 0 : i32
    %dma_start3A_83 = arith.constant 0 : i32
    %dma_start3A_84 = tpu.memref_slice %arg6[%dma_start3A_81, %dma_start3A_82, %dma_start3A_83] : memref<4x200x128xf32, #tpu.memory_space<vmem>> -> memref<1x200x128xf32, #tpu.memory_space<vmem>>
    %dma_start3A_85 = tpu.memref_squeeze %dma_start3A_84 : memref<1x200x128xf32, #tpu.memory_space<vmem>> -> memref<200x128xf32, #tpu.memory_space<vmem>>
    %dma_start3A_86 = arith.constant 600 : i32
    %dma_start3A_87 = tpu.memref_slice %arg5[%dma_start3A_86] : memref<1000xi32, #tpu.memory_space<vmem>> -> memref<200xi32, #tpu.memory_space<vmem>>
    %dma_start3A_88 = arith.constant 0 : i32
    %dma_start3A_89 = arith.constant 0 : i32
    %dma_start3A_90 = tpu.memref_slice %arg2[%dma_start3A_88, %dma_start3A_89] : memref<10000x128xf32, #tpu.memory_space<hbm>> -> memref<10000x128xf32, #tpu.memory_space<hbm>>
    tpu.enqueue_indirect_dma source(%dma_start3A_90 : memref<10000x128xf32, #tpu.memory_space<hbm>>) target(%dma_start3A_85 : memref<200x128xf32, #tpu.memory_space<vmem>>) offsets(%dma_start3A_87 : memref<200xi32, #tpu.memory_space<vmem>>) semaphore(%arg10 : memref<!tpu.dma_semaphore, #tpu.memory_space<semaphore_mem>>)
    %dma_wait3A_91 = arith.constant 2 : i32
    %dma_wait3A_92 = arith.constant 0 : i32
    %dma_wait3A_93 = arith.constant 0 : i32
    %dma_wait3A_94 = tpu.memref_slice %arg6[%dma_wait3A_91, %dma_wait3A_92, %dma_wait3A_93] : memref<4x200x128xf32, #tpu.memory_space<vmem>> -> memref<1x200x128xf32, #tpu.memory_space<vmem>>
    %dma_wait3A_95 = tpu.memref_squeeze %dma_wait3A_94 : memref<1x200x128xf32, #tpu.memory_space<vmem>> -> memref<200x128xf32, #tpu.memory_space<vmem>>
    %dma_wait3A_96 = arith.constant 400 : i32
    %dma_wait3A_97 = tpu.memref_slice %arg5[%dma_wait3A_96] : memref<1000xi32, #tpu.memory_space<vmem>> -> memref<200xi32, #tpu.memory_space<vmem>>
    %dma_wait3A_98 = arith.constant 0 : i32
    %dma_wait3A_99 = arith.constant 0 : i32
    %dma_wait3A_100 = tpu.memref_slice %arg2[%dma_wait3A_98, %dma_wait3A_99] : memref<10000x128xf32, #tpu.memory_space<hbm>> -> memref<10000x128xf32, #tpu.memory_space<hbm>>
    tpu.wait_indirect_dma semaphore(%arg9 : memref<!tpu.dma_semaphore, #tpu.memory_space<semaphore_mem>>) src(%dma_wait3A_100 : memref<10000x128xf32, #tpu.memory_space<hbm>>) dst(%dma_wait3A_95 : memref<200x128xf32, #tpu.memory_space<vmem>>)
    %add3A_101 = arith.constant 400 : i32
    %add3A_102 = arith.addi %mul3A_2, %add3A_101 : i32
    %dma_start3A_103 = arith.constant 2 : i32
    %dma_start3A_104 = arith.constant 0 : i32
    %dma_start3A_105 = arith.constant 0 : i32
    %dma_start3A_106 = tpu.memref_slice %arg6[%dma_start3A_103, %dma_start3A_104, %dma_start3A_105] : memref<4x200x128xf32, #tpu.memory_space<vmem>> -> memref<1x200x128xf32, #tpu.memory_space<vmem>>
    %dma_start3A_107 = tpu.memref_squeeze %dma_start3A_106 : memref<1x200x128xf32, #tpu.memory_space<vmem>> -> memref<200x128xf32, #tpu.memory_space<vmem>>
    %dma_start3A_108 = arith.constant 0 : i32
    %dma_start3A_109 = tpu.memref_slice %arg4[%add3A_102, %dma_start3A_108] : memref<32000x128xf32, #tpu.memory_space<hbm>> -> memref<200x128xf32, #tpu.memory_space<hbm>>
    %dma_start3A_110 = arith.constant 0 : i32
    %dma_start3A_111 = tpu.memref_slice %arg4[%add3A_102, %dma_start3A_110] : memref<32000x128xf32, #tpu.memory_space<hbm>> -> memref<200x128xf32, #tpu.memory_space<hbm>>
    %dma_start3A_112 = arith.constant 0 : i32
    %dma_start3A_113 = arith.constant 0 : i32
    %dma_start3A_114 = tpu.memref_slice %arg6[%dma_start3A_103, %dma_start3A_112, %dma_start3A_113] : memref<4x200x128xf32, #tpu.memory_space<vmem>> -> memref<1x200x128xf32, #tpu.memory_space<vmem>>
    %dma_start3A_115 = tpu.memref_squeeze %dma_start3A_114 : memref<1x200x128xf32, #tpu.memory_space<vmem>> -> memref<200x128xf32, #tpu.memory_space<vmem>>
    tpu.enqueue_dma source(%dma_start3A_115 : memref<200x128xf32, #tpu.memory_space<vmem>>) target(%dma_start3A_111 : memref<200x128xf32, #tpu.memory_space<hbm>>) target_semaphore(%arg13 : memref<!tpu.dma_semaphore, #tpu.memory_space<semaphore_mem>>)
    %add3A_116 = arith.constant 0 : i32
    %add3A_117 = arith.addi %mul3A_2, %add3A_116 : i32
    %dma_wait3A_118 = arith.constant 0 : i32
    %dma_wait3A_119 = arith.constant 0 : i32
    %dma_wait3A_120 = arith.constant 0 : i32
    %dma_wait3A_121 = tpu.memref_slice %arg6[%dma_wait3A_118, %dma_wait3A_119, %dma_wait3A_120] : memref<4x200x128xf32, #tpu.memory_space<vmem>> -> memref<1x200x128xf32, #tpu.memory_space<vmem>>
    %dma_wait3A_122 = tpu.memref_squeeze %dma_wait3A_121 : memref<1x200x128xf32, #tpu.memory_space<vmem>> -> memref<200x128xf32, #tpu.memory_space<vmem>>
    %dma_wait3A_123 = arith.constant 0 : i32
    %dma_wait3A_124 = tpu.memref_slice %arg4[%add3A_117, %dma_wait3A_123] : memref<32000x128xf32, #tpu.memory_space<hbm>> -> memref<200x128xf32, #tpu.memory_space<hbm>>
    %dma_wait3A_125 = arith.constant 0 : i32
    %dma_wait3A_126 = tpu.memref_slice %arg4[%add3A_117, %dma_wait3A_125] : memref<32000x128xf32, #tpu.memory_space<hbm>> -> memref<200x128xf32, #tpu.memory_space<hbm>>
    %dma_wait3A_127 = arith.constant 0 : i32
    %dma_wait3A_128 = arith.constant 0 : i32
    %dma_wait3A_129 = tpu.memref_slice %arg6[%dma_wait3A_118, %dma_wait3A_127, %dma_wait3A_128] : memref<4x200x128xf32, #tpu.memory_space<vmem>> -> memref<1x200x128xf32, #tpu.memory_space<vmem>>
    %dma_wait3A_130 = tpu.memref_squeeze %dma_wait3A_129 : memref<1x200x128xf32, #tpu.memory_space<vmem>> -> memref<200x128xf32, #tpu.memory_space<vmem>>
    tpu.wait_dma2 semaphore(%arg11 : memref<!tpu.dma_semaphore, #tpu.memory_space<semaphore_mem>>) src(%dma_wait3A_130 : memref<200x128xf32, #tpu.memory_space<vmem>>) dst(%dma_wait3A_126 : memref<200x128xf32, #tpu.memory_space<hbm>>)
    %dma_start3A_131 = arith.constant 0 : i32
    %dma_start3A_132 = arith.constant 0 : i32
    %dma_start3A_133 = arith.constant 0 : i32
    %dma_start3A_134 = tpu.memref_slice %arg6[%dma_start3A_131, %dma_start3A_132, %dma_start3A_133] : memref<4x200x128xf32, #tpu.memory_space<vmem>> -> memref<1x200x128xf32, #tpu.memory_space<vmem>>
    %dma_start3A_135 = tpu.memref_squeeze %dma_start3A_134 : memref<1x200x128xf32, #tpu.memory_space<vmem>> -> memref<200x128xf32, #tpu.memory_space<vmem>>
    %dma_start3A_136 = arith.constant 800 : i32
    %dma_start3A_137 = tpu.memref_slice %arg5[%dma_start3A_136] : memref<1000xi32, #tpu.memory_space<vmem>> -> memref<200xi32, #tpu.memory_space<vmem>>
    %dma_start3A_138 = arith.constant 0 : i32
    %dma_start3A_139 = arith.constant 0 : i32
    %dma_start3A_140 = tpu.memref_slice %arg2[%dma_start3A_138, %dma_start3A_139] : memref<10000x128xf32, #tpu.memory_space<hbm>> -> memref<10000x128xf32, #tpu.memory_space<hbm>>
    tpu.enqueue_indirect_dma source(%dma_start3A_140 : memref<10000x128xf32, #tpu.memory_space<hbm>>) target(%dma_start3A_135 : memref<200x128xf32, #tpu.memory_space<vmem>>) offsets(%dma_start3A_137 : memref<200xi32, #tpu.memory_space<vmem>>) semaphore(%arg7 : memref<!tpu.dma_semaphore, #tpu.memory_space<semaphore_mem>>)
    %dma_wait3A_141 = arith.constant 3 : i32
    %dma_wait3A_142 = arith.constant 0 : i32
    %dma_wait3A_143 = arith.constant 0 : i32
    %dma_wait3A_144 = tpu.memref_slice %arg6[%dma_wait3A_141, %dma_wait3A_142, %dma_wait3A_143] : memref<4x200x128xf32, #tpu.memory_space<vmem>> -> memref<1x200x128xf32, #tpu.memory_space<vmem>>
    %dma_wait3A_145 = tpu.memref_squeeze %dma_wait3A_144 : memref<1x200x128xf32, #tpu.memory_space<vmem>> -> memref<200x128xf32, #tpu.memory_space<vmem>>
    %dma_wait3A_146 = arith.constant 600 : i32
    %dma_wait3A_147 = tpu.memref_slice %arg5[%dma_wait3A_146] : memref<1000xi32, #tpu.memory_space<vmem>> -> memref<200xi32, #tpu.memory_space<vmem>>
    %dma_wait3A_148 = arith.constant 0 : i32
    %dma_wait3A_149 = arith.constant 0 : i32
    %dma_wait3A_150 = tpu.memref_slice %arg2[%dma_wait3A_148, %dma_wait3A_149] : memref<10000x128xf32, #tpu.memory_space<hbm>> -> memref<10000x128xf32, #tpu.memory_space<hbm>>
    tpu.wait_indirect_dma semaphore(%arg10 : memref<!tpu.dma_semaphore, #tpu.memory_space<semaphore_mem>>) src(%dma_wait3A_150 : memref<10000x128xf32, #tpu.memory_space<hbm>>) dst(%dma_wait3A_145 : memref<200x128xf32, #tpu.memory_space<vmem>>)
    %add3A_151 = arith.constant 600 : i32
    %add3A_152 = arith.addi %mul3A_2, %add3A_151 : i32
    %dma_start3A_153 = arith.constant 3 : i32
    %dma_start3A_154 = arith.constant 0 : i32
    %dma_start3A_155 = arith.constant 0 : i32
    %dma_start3A_156 = tpu.memref_slice %arg6[%dma_start3A_153, %dma_start3A_154, %dma_start3A_155] : memref<4x200x128xf32, #tpu.memory_space<vmem>> -> memref<1x200x128xf32, #tpu.memory_space<vmem>>
    %dma_start3A_157 = tpu.memref_squeeze %dma_start3A_156 : memref<1x200x128xf32, #tpu.memory_space<vmem>> -> memref<200x128xf32, #tpu.memory_space<vmem>>
    %dma_start3A_158 = arith.constant 0 : i32
    %dma_start3A_159 = tpu.memref_slice %arg4[%add3A_152, %dma_start3A_158] : memref<32000x128xf32, #tpu.memory_space<hbm>> -> memref<200x128xf32, #tpu.memory_space<hbm>>
    %dma_start3A_160 = arith.constant 0 : i32
    %dma_start3A_161 = tpu.memref_slice %arg4[%add3A_152, %dma_start3A_160] : memref<32000x128xf32, #tpu.memory_space<hbm>> -> memref<200x128xf32, #tpu.memory_space<hbm>>
    %dma_start3A_162 = arith.constant 0 : i32
    %dma_start3A_163 = arith.constant 0 : i32
    %dma_start3A_164 = tpu.memref_slice %arg6[%dma_start3A_153, %dma_start3A_162, %dma_start3A_163] : memref<4x200x128xf32, #tpu.memory_space<vmem>> -> memref<1x200x128xf32, #tpu.memory_space<vmem>>
    %dma_start3A_165 = tpu.memref_squeeze %dma_start3A_164 : memref<1x200x128xf32, #tpu.memory_space<vmem>> -> memref<200x128xf32, #tpu.memory_space<vmem>>
    tpu.enqueue_dma source(%dma_start3A_165 : memref<200x128xf32, #tpu.memory_space<vmem>>) target(%dma_start3A_161 : memref<200x128xf32, #tpu.memory_space<hbm>>) target_semaphore(%arg14 : memref<!tpu.dma_semaphore, #tpu.memory_space<semaphore_mem>>)
    %dma_wait3A_166 = arith.constant 0 : i32
    %dma_wait3A_167 = arith.constant 0 : i32
    %dma_wait3A_168 = arith.constant 0 : i32
    %dma_wait3A_169 = tpu.memref_slice %arg6[%dma_wait3A_166, %dma_wait3A_167, %dma_wait3A_168] : memref<4x200x128xf32, #tpu.memory_space<vmem>> -> memref<1x200x128xf32, #tpu.memory_space<vmem>>
    %dma_wait3A_170 = tpu.memref_squeeze %dma_wait3A_169 : memref<1x200x128xf32, #tpu.memory_space<vmem>> -> memref<200x128xf32, #tpu.memory_space<vmem>>
    %dma_wait3A_171 = arith.constant 800 : i32
    %dma_wait3A_172 = tpu.memref_slice %arg5[%dma_wait3A_171] : memref<1000xi32, #tpu.memory_space<vmem>> -> memref<200xi32, #tpu.memory_space<vmem>>
    %dma_wait3A_173 = arith.constant 0 : i32
    %dma_wait3A_174 = arith.constant 0 : i32
    %dma_wait3A_175 = tpu.memref_slice %arg2[%dma_wait3A_173, %dma_wait3A_174] : memref<10000x128xf32, #tpu.memory_space<hbm>> -> memref<10000x128xf32, #tpu.memory_space<hbm>>
    tpu.wait_indirect_dma semaphore(%arg7 : memref<!tpu.dma_semaphore, #tpu.memory_space<semaphore_mem>>) src(%dma_wait3A_175 : memref<10000x128xf32, #tpu.memory_space<hbm>>) dst(%dma_wait3A_170 : memref<200x128xf32, #tpu.memory_space<vmem>>)
    %add3A_176 = arith.constant 800 : i32
    %add3A_177 = arith.addi %mul3A_2, %add3A_176 : i32
    %dma_start3A_178 = arith.constant 0 : i32
    %dma_start3A_179 = arith.constant 0 : i32
    %dma_start3A_180 = arith.constant 0 : i32
    %dma_start3A_181 = tpu.memref_slice %arg6[%dma_start3A_178, %dma_start3A_179, %dma_start3A_180] : memref<4x200x128xf32, #tpu.memory_space<vmem>> -> memref<1x200x128xf32, #tpu.memory_space<vmem>>
    %dma_start3A_182 = tpu.memref_squeeze %dma_start3A_181 : memref<1x200x128xf32, #tpu.memory_space<vmem>> -> memref<200x128xf32, #tpu.memory_space<vmem>>
    %dma_start3A_183 = arith.constant 0 : i32
    %dma_start3A_184 = tpu.memref_slice %arg4[%add3A_177, %dma_start3A_183] : memref<32000x128xf32, #tpu.memory_space<hbm>> -> memref<200x128xf32, #tpu.memory_space<hbm>>
    %dma_start3A_185 = arith.constant 0 : i32
    %dma_start3A_186 = tpu.memref_slice %arg4[%add3A_177, %dma_start3A_185] : memref<32000x128xf32, #tpu.memory_space<hbm>> -> memref<200x128xf32, #tpu.memory_space<hbm>>
    %dma_start3A_187 = arith.constant 0 : i32
    %dma_start3A_188 = arith.constant 0 : i32
    %dma_start3A_189 = tpu.memref_slice %arg6[%dma_start3A_178, %dma_start3A_187, %dma_start3A_188] : memref<4x200x128xf32, #tpu.memory_space<vmem>> -> memref<1x200x128xf32, #tpu.memory_space<vmem>>
    %dma_start3A_190 = tpu.memref_squeeze %dma_start3A_189 : memref<1x200x128xf32, #tpu.memory_space<vmem>> -> memref<200x128xf32, #tpu.memory_space<vmem>>
    tpu.enqueue_dma source(%dma_start3A_190 : memref<200x128xf32, #tpu.memory_space<vmem>>) target(%dma_start3A_186 : memref<200x128xf32, #tpu.memory_space<hbm>>) target_semaphore(%arg11 : memref<!tpu.dma_semaphore, #tpu.memory_space<semaphore_mem>>)
    %add3A_191 = arith.constant 200 : i32
    %add3A_192 = arith.addi %mul3A_2, %add3A_191 : i32
    %dma_wait3A_193 = arith.constant 1 : i32
    %dma_wait3A_194 = arith.constant 0 : i32
    %dma_wait3A_195 = arith.constant 0 : i32
    %dma_wait3A_196 = tpu.memref_slice %arg6[%dma_wait3A_193, %dma_wait3A_194, %dma_wait3A_195] : memref<4x200x128xf32, #tpu.memory_space<vmem>> -> memref<1x200x128xf32, #tpu.memory_space<vmem>>
    %dma_wait3A_197 = tpu.memref_squeeze %dma_wait3A_196 : memref<1x200x128xf32, #tpu.memory_space<vmem>> -> memref<200x128xf32, #tpu.memory_space<vmem>>
    %dma_wait3A_198 = arith.constant 0 : i32
    %dma_wait3A_199 = tpu.memref_slice %arg4[%add3A_192, %dma_wait3A_198] : memref<32000x128xf32, #tpu.memory_space<hbm>> -> memref<200x128xf32, #tpu.memory_space<hbm>>
    %dma_wait3A_200 = arith.constant 0 : i32
    %dma_wait3A_201 = tpu.memref_slice %arg4[%add3A_192, %dma_wait3A_200] : memref<32000x128xf32, #tpu.memory_space<hbm>> -> memref<200x128xf32, #tpu.memory_space<hbm>>
    %dma_wait3A_202 = arith.constant 0 : i32
    %dma_wait3A_203 = arith.constant 0 : i32
    %dma_wait3A_204 = tpu.memref_slice %arg6[%dma_wait3A_193, %dma_wait3A_202, %dma_wait3A_203] : memref<4x200x128xf32, #tpu.memory_space<vmem>> -> memref<1x200x128xf32, #tpu.memory_space<vmem>>
    %dma_wait3A_205 = tpu.memref_squeeze %dma_wait3A_204 : memref<1x200x128xf32, #tpu.memory_space<vmem>> -> memref<200x128xf32, #tpu.memory_space<vmem>>
    tpu.wait_dma2 semaphore(%arg12 : memref<!tpu.dma_semaphore, #tpu.memory_space<semaphore_mem>>) src(%dma_wait3A_205 : memref<200x128xf32, #tpu.memory_space<vmem>>) dst(%dma_wait3A_201 : memref<200x128xf32, #tpu.memory_space<hbm>>)
    %add3A_206 = arith.constant 400 : i32
    %add3A_207 = arith.addi %mul3A_2, %add3A_206 : i32
    %dma_wait3A_208 = arith.constant 2 : i32
    %dma_wait3A_209 = arith.constant 0 : i32
    %dma_wait3A_210 = arith.constant 0 : i32
    %dma_wait3A_211 = tpu.memref_slice %arg6[%dma_wait3A_208, %dma_wait3A_209, %dma_wait3A_210] : memref<4x200x128xf32, #tpu.memory_space<vmem>> -> memref<1x200x128xf32, #tpu.memory_space<vmem>>
    %dma_wait3A_212 = tpu.memref_squeeze %dma_wait3A_211 : memref<1x200x128xf32, #tpu.memory_space<vmem>> -> memref<200x128xf32, #tpu.memory_space<vmem>>
    %dma_wait3A_213 = arith.constant 0 : i32
    %dma_wait3A_214 = tpu.memref_slice %arg4[%add3A_207, %dma_wait3A_213] : memref<32000x128xf32, #tpu.memory_space<hbm>> -> memref<200x128xf32, #tpu.memory_space<hbm>>
    %dma_wait3A_215 = arith.constant 0 : i32
    %dma_wait3A_216 = tpu.memref_slice %arg4[%add3A_207, %dma_wait3A_215] : memref<32000x128xf32, #tpu.memory_space<hbm>> -> memref<200x128xf32, #tpu.memory_space<hbm>>
    %dma_wait3A_217 = arith.constant 0 : i32
    %dma_wait3A_218 = arith.constant 0 : i32
    %dma_wait3A_219 = tpu.memref_slice %arg6[%dma_wait3A_208, %dma_wait3A_217, %dma_wait3A_218] : memref<4x200x128xf32, #tpu.memory_space<vmem>> -> memref<1x200x128xf32, #tpu.memory_space<vmem>>
    %dma_wait3A_220 = tpu.memref_squeeze %dma_wait3A_219 : memref<1x200x128xf32, #tpu.memory_space<vmem>> -> memref<200x128xf32, #tpu.memory_space<vmem>>
    tpu.wait_dma2 semaphore(%arg13 : memref<!tpu.dma_semaphore, #tpu.memory_space<semaphore_mem>>) src(%dma_wait3A_220 : memref<200x128xf32, #tpu.memory_space<vmem>>) dst(%dma_wait3A_216 : memref<200x128xf32, #tpu.memory_space<hbm>>)
    %add3A_221 = arith.constant 600 : i32
    %add3A_222 = arith.addi %mul3A_2, %add3A_221 : i32
    %dma_wait3A_223 = arith.constant 3 : i32
    %dma_wait3A_224 = arith.constant 0 : i32
    %dma_wait3A_225 = arith.constant 0 : i32
    %dma_wait3A_226 = tpu.memref_slice %arg6[%dma_wait3A_223, %dma_wait3A_224, %dma_wait3A_225] : memref<4x200x128xf32, #tpu.memory_space<vmem>> -> memref<1x200x128xf32, #tpu.memory_space<vmem>>
    %dma_wait3A_227 = tpu.memref_squeeze %dma_wait3A_226 : memref<1x200x128xf32, #tpu.memory_space<vmem>> -> memref<200x128xf32, #tpu.memory_space<vmem>>
    %dma_wait3A_228 = arith.constant 0 : i32
    %dma_wait3A_229 = tpu.memref_slice %arg4[%add3A_222, %dma_wait3A_228] : memref<32000x128xf32, #tpu.memory_space<hbm>> -> memref<200x128xf32, #tpu.memory_space<hbm>>
    %dma_wait3A_230 = arith.constant 0 : i32
    %dma_wait3A_231 = tpu.memref_slice %arg4[%add3A_222, %dma_wait3A_230] : memref<32000x128xf32, #tpu.memory_space<hbm>> -> memref<200x128xf32, #tpu.memory_space<hbm>>
    %dma_wait3A_232 = arith.constant 0 : i32
    %dma_wait3A_233 = arith.constant 0 : i32
    %dma_wait3A_234 = tpu.memref_slice %arg6[%dma_wait3A_223, %dma_wait3A_232, %dma_wait3A_233] : memref<4x200x128xf32, #tpu.memory_space<vmem>> -> memref<1x200x128xf32, #tpu.memory_space<vmem>>
    %dma_wait3A_235 = tpu.memref_squeeze %dma_wait3A_234 : memref<1x200x128xf32, #tpu.memory_space<vmem>> -> memref<200x128xf32, #tpu.memory_space<vmem>>
    tpu.wait_dma2 semaphore(%arg14 : memref<!tpu.dma_semaphore, #tpu.memory_space<semaphore_mem>>) src(%dma_wait3A_235 : memref<200x128xf32, #tpu.memory_space<vmem>>) dst(%dma_wait3A_231 : memref<200x128xf32, #tpu.memory_space<hbm>>)
    %add3A_236 = arith.constant 800 : i32
    %add3A_237 = arith.addi %mul3A_2, %add3A_236 : i32
    %dma_wait3A_238 = arith.constant 0 : i32
    %dma_wait3A_239 = arith.constant 0 : i32
    %dma_wait3A_240 = arith.constant 0 : i32
    %dma_wait3A_241 = tpu.memref_slice %arg6[%dma_wait3A_238, %dma_wait3A_239, %dma_wait3A_240] : memref<4x200x128xf32, #tpu.memory_space<vmem>> -> memref<1x200x128xf32, #tpu.memory_space<vmem>>
    %dma_wait3A_242 = tpu.memref_squeeze %dma_wait3A_241 : memref<1x200x128xf32, #tpu.memory_space<vmem>> -> memref<200x128xf32, #tpu.memory_space<vmem>>
    %dma_wait3A_243 = arith.constant 0 : i32
    %dma_wait3A_244 = tpu.memref_slice %arg4[%add3A_237, %dma_wait3A_243] : memref<32000x128xf32, #tpu.memory_space<hbm>> -> memref<200x128xf32, #tpu.memory_space<hbm>>
    %dma_wait3A_245 = arith.constant 0 : i32
    %dma_wait3A_246 = tpu.memref_slice %arg4[%add3A_237, %dma_wait3A_245] : memref<32000x128xf32, #tpu.memory_space<hbm>> -> memref<200x128xf32, #tpu.memory_space<hbm>>
    %dma_wait3A_247 = arith.constant 0 : i32
    %dma_wait3A_248 = arith.constant 0 : i32
    %dma_wait3A_249 = tpu.memref_slice %arg6[%dma_wait3A_238, %dma_wait3A_247, %dma_wait3A_248] : memref<4x200x128xf32, #tpu.memory_space<vmem>> -> memref<1x200x128xf32, #tpu.memory_space<vmem>>
    %dma_wait3A_250 = tpu.memref_squeeze %dma_wait3A_249 : memref<1x200x128xf32, #tpu.memory_space<vmem>> -> memref<200x128xf32, #tpu.memory_space<vmem>>
    tpu.wait_dma2 semaphore(%arg11 : memref<!tpu.dma_semaphore, #tpu.memory_space<semaphore_mem>>) src(%dma_wait3A_250 : memref<200x128xf32, #tpu.memory_space<vmem>>) dst(%dma_wait3A_246 : memref<200x128xf32, #tpu.memory_space<hbm>>)
    return
  }
}

#map = affine_map<(d0, d1) -> (0, 0)>
#map1 = affine_map<(d0, d1) -> (0)>
module attributes {stable_mosaic.version = 14 : i64} {
  func.func @body(%arg0: i32, %arg1: i32, %arg2: memref<10000x128xf32, #tpu.memory_space<hbm>>, %arg3: memref<32000xi32, #tpu.memory_space<hbm>>, %arg4: memref<32000x128xf32, #tpu.memory_space<hbm>>, %arg5: memref<1000xi32, #tpu.memory_space<vmem>>, %arg6: memref<4x200x128xf32, #tpu.memory_space<vmem>>, %arg7: memref<!tpu.dma_semaphore, #tpu.memory_space<semaphore_mem>>, %arg8: memref<!tpu.dma_semaphore, #tpu.memory_space<semaphore_mem>>, %arg9: memref<!tpu.dma_semaphore, #tpu.memory_space<semaphore_mem>>, %arg10: memref<!tpu.dma_semaphore, #tpu.memory_space<semaphore_mem>>, %arg11: memref<!tpu.dma_semaphore, #tpu.memory_space<semaphore_mem>>, %arg12: memref<!tpu.dma_semaphore, #tpu.memory_space<semaphore_mem>>, %arg13: memref<!tpu.dma_semaphore, #tpu.memory_space<semaphore_mem>>, %arg14: memref<!tpu.dma_semaphore, #tpu.memory_space<semaphore_mem>>) attributes {dimension_semantics = [#tpu.dimension_semantics<core_parallel>, #tpu.dimension_semantics<subcore_parallel>], iteration_bounds = array<i64: 2, 16>, scalar_prefetch = 0 : i64, scratch_operands = 10 : i64, tpu.core_type = #tpu.core_type<sc_vector_subcore>, window_params = [{transform_indices = #map}, {transform_indices = #map1}, {transform_indices = #map}]} {
    %mul3A = arith.constant 2 : i32
    %mul3A_0 = arith.muli %arg1, %mul3A : i32
    %add3A = arith.addi %mul3A_0, %arg0 : i32
    %mul3A_1 = arith.constant 1000 : i32
    %mul3A_2 = arith.muli %add3A, %mul3A_1 : i32
    "tpu.region"() ({
      %run_scoped3A = tpu.sem_alloc : memref<!tpu.dma_semaphore, #tpu.memory_space<semaphore_mem>>
      %dma_start3A_251 = tpu.memref_slice %arg3[%mul3A_2] : memref<32000xi32, #tpu.memory_space<hbm>> -> memref<1000xi32, #tpu.memory_space<hbm>>
      %dma_start3A_252 = tpu.memref_slice %arg3[%mul3A_2] : memref<32000xi32, #tpu.memory_space<hbm>> -> memref<1000xi32, #tpu.memory_space<hbm>>
      tpu.enqueue_dma source(%dma_start3A_252 : memref<1000xi32, #tpu.memory_space<hbm>>) target(%arg5 : memref<1000xi32, #tpu.memory_space<vmem>>) target_semaphore(%run_scoped3A : memref<!tpu.dma_semaphore, #tpu.memory_space<semaphore_mem>>)
      %dma_wait3A_253 = tpu.memref_slice %arg3[%mul3A_2] : memref<32000xi32, #tpu.memory_space<hbm>> -> memref<1000xi32, #tpu.memory_space<hbm>>
      %dma_wait3A_254 = tpu.memref_slice %arg3[%mul3A_2] : memref<32000xi32, #tpu.memory_space<hbm>> -> memref<1000xi32, #tpu.memory_space<hbm>>
      tpu.wait_dma2 semaphore(%run_scoped3A : memref<!tpu.dma_semaphore, #tpu.memory_space<semaphore_mem>>) src(%dma_wait3A_254 : memref<1000xi32, #tpu.memory_space<hbm>>) dst(%arg5 : memref<1000xi32, #tpu.memory_space<vmem>>)
      tpu.yield
    }) : () -> ()
    %dma_start3A = arith.constant 0 : i32
    %dma_start3A_3 = arith.constant 0 : i32
    %dma_start3A_4 = arith.constant 0 : i32
    %dma_start3A_5 = tpu.memref_slice %arg6[%dma_start3A, %dma_start3A_3, %dma_start3A_4] : memref<4x200x128xf32, #tpu.memory_space<vmem>> -> memref<1x200x128xf32, #tpu.memory_space<vmem>>
    %dma_start3A_6 = tpu.memref_squeeze %dma_start3A_5 : memref<1x200x128xf32, #tpu.memory_space<vmem>> -> memref<200x128xf32, #tpu.memory_space<vmem>>
    %dma_start3A_7 = arith.constant 0 : i32
    %dma_start3A_8 = tpu.memref_slice %arg5[%dma_start3A_7] : memref<1000xi32, #tpu.memory_space<vmem>> -> memref<200xi32, #tpu.memory_space<vmem>>
    %dma_start3A_9 = arith.constant 0 : i32
    %dma_start3A_10 = arith.constant 0 : i32
    %dma_start3A_11 = tpu.memref_slice %arg2[%dma_start3A_9, %dma_start3A_10] : memref<10000x128xf32, #tpu.memory_space<hbm>> -> memref<10000x128xf32, #tpu.memory_space<hbm>>
    tpu.enqueue_indirect_dma source(%dma_start3A_11 : memref<10000x128xf32, #tpu.memory_space<hbm>>) target(%dma_start3A_6 : memref<200x128xf32, #tpu.memory_space<vmem>>) offsets(%dma_start3A_8 : memref<200xi32, #tpu.memory_space<vmem>>) semaphore(%arg7 : memref<!tpu.dma_semaphore, #tpu.memory_space<semaphore_mem>>)
    %dma_start3A_12 = arith.constant 1 : i32
    %dma_start3A_13 = arith.constant 0 : i32
    %dma_start3A_14 = arith.constant 0 : i32
    %dma_start3A_15 = tpu.memref_slice %arg6[%dma_start3A_12, %dma_start3A_13, %dma_start3A_14] : memref<4x200x128xf32, #tpu.memory_space<vmem>> -> memref<1x200x128xf32, #tpu.memory_space<vmem>>
    %dma_start3A_16 = tpu.memref_squeeze %dma_start3A_15 : memref<1x200x128xf32, #tpu.memory_space<vmem>> -> memref<200x128xf32, #tpu.memory_space<vmem>>
    %dma_start3A_17 = arith.constant 200 : i32
    %dma_start3A_18 = tpu.memref_slice %arg5[%dma_start3A_17] : memref<1000xi32, #tpu.memory_space<vmem>> -> memref<200xi32, #tpu.memory_space<vmem>>
    %dma_start3A_19 = arith.constant 0 : i32
    %dma_start3A_20 = arith.constant 0 : i32
    %dma_start3A_21 = tpu.memref_slice %arg2[%dma_start3A_19, %dma_start3A_20] : memref<10000x128xf32, #tpu.memory_space<hbm>> -> memref<10000x128xf32, #tpu.memory_space<hbm>>
    tpu.enqueue_indirect_dma source(%dma_start3A_21 : memref<10000x128xf32, #tpu.memory_space<hbm>>) target(%dma_start3A_16 : memref<200x128xf32, #tpu.memory_space<vmem>>) offsets(%dma_start3A_18 : memref<200xi32, #tpu.memory_space<vmem>>) semaphore(%arg8 : memref<!tpu.dma_semaphore, #tpu.memory_space<semaphore_mem>>)
    %dma_wait3A = arith.constant 0 : i32
    %dma_wait3A_22 = arith.constant 0 : i32
    %dma_wait3A_23 = arith.constant 0 : i32
    %dma_wait3A_24 = tpu.memref_slice %arg6[%dma_wait3A, %dma_wait3A_22, %dma_wait3A_23] : memref<4x200x128xf32, #tpu.memory_space<vmem>> -> memref<1x200x128xf32, #tpu.memory_space<vmem>>
    %dma_wait3A_25 = tpu.memref_squeeze %dma_wait3A_24 : memref<1x200x128xf32, #tpu.memory_space<vmem>> -> memref<200x128xf32, #tpu.memory_space<vmem>>
    %dma_wait3A_26 = arith.constant 0 : i32
    %dma_wait3A_27 = tpu.memref_slice %arg5[%dma_wait3A_26] : memref<1000xi32, #tpu.memory_space<vmem>> -> memref<200xi32, #tpu.memory_space<vmem>>
    %dma_wait3A_28 = arith.constant 0 : i32
    %dma_wait3A_29 = arith.constant 0 : i32
    %dma_wait3A_30 = tpu.memref_slice %arg2[%dma_wait3A_28, %dma_wait3A_29] : memref<10000x128xf32, #tpu.memory_space<hbm>> -> memref<10000x128xf32, #tpu.memory_space<hbm>>
    tpu.wait_indirect_dma semaphore(%arg7 : memref<!tpu.dma_semaphore, #tpu.memory_space<semaphore_mem>>) src(%dma_wait3A_30 : memref<10000x128xf32, #tpu.memory_space<hbm>>) dst(%dma_wait3A_25 : memref<200x128xf32, #tpu.memory_space<vmem>>)
    %add3A_31 = arith.constant 0 : i32
    %add3A_32 = arith.addi %mul3A_2, %add3A_31 : i32
    %dma_start3A_33 = arith.constant 0 : i32
    %dma_start3A_34 = arith.constant 0 : i32
    %dma_start3A_35 = arith.constant 0 : i32
    %dma_start3A_36 = tpu.memref_slice %arg6[%dma_start3A_33, %dma_start3A_34, %dma_start3A_35] : memref<4x200x128xf32, #tpu.memory_space<vmem>> -> memref<1x200x128xf32, #tpu.memory_space<vmem>>
    %dma_start3A_37 = tpu.memref_squeeze %dma_start3A_36 : memref<1x200x128xf32, #tpu.memory_space<vmem>> -> memref<200x128xf32, #tpu.memory_space<vmem>>
    %dma_start3A_38 = arith.constant 0 : i32
    %dma_start3A_39 = tpu.memref_slice %arg4[%add3A_32, %dma_start3A_38] : memref<32000x128xf32, #tpu.memory_space<hbm>> -> memref<200x128xf32, #tpu.memory_space<hbm>>
    %dma_start3A_40 = arith.constant 0 : i32
    %dma_start3A_41 = tpu.memref_slice %arg4[%add3A_32, %dma_start3A_40] : memref<32000x128xf32, #tpu.memory_space<hbm>> -> memref<200x128xf32, #tpu.memory_space<hbm>>
    %dma_start3A_42 = arith.constant 0 : i32
    %dma_start3A_43 = arith.constant 0 : i32
    %dma_start3A_44 = tpu.memref_slice %arg6[%dma_start3A_33, %dma_start3A_42, %dma_start3A_43] : memref<4x200x128xf32, #tpu.memory_space<vmem>> -> memref<1x200x128xf32, #tpu.memory_space<vmem>>
    %dma_start3A_45 = tpu.memref_squeeze %dma_start3A_44 : memref<1x200x128xf32, #tpu.memory_space<vmem>> -> memref<200x128xf32, #tpu.memory_space<vmem>>
    tpu.enqueue_dma source(%dma_start3A_45 : memref<200x128xf32, #tpu.memory_space<vmem>>) target(%dma_start3A_41 : memref<200x128xf32, #tpu.memory_space<hbm>>) target_semaphore(%arg11 : memref<!tpu.dma_semaphore, #tpu.memory_space<semaphore_mem>>)
    %dma_start3A_46 = arith.constant 2 : i32
    %dma_start3A_47 = arith.constant 0 : i32
    %dma_start3A_48 = arith.constant 0 : i32
    %dma_start3A_49 = tpu.memref_slice %arg6[%dma_start3A_46, %dma_start3A_47, %dma_start3A_48] : memref<4x200x128xf32, #tpu.memory_space<vmem>> -> memref<1x200x128xf32, #tpu.memory_space<vmem>>
    %dma_start3A_50 = tpu.memref_squeeze %dma_start3A_49 : memref<1x200x128xf32, #tpu.memory_space<vmem>> -> memref<200x128xf32, #tpu.memory_space<vmem>>
    %dma_start3A_51 = arith.constant 400 : i32
    %dma_start3A_52 = tpu.memref_slice %arg5[%dma_start3A_51] : memref<1000xi32, #tpu.memory_space<vmem>> -> memref<200xi32, #tpu.memory_space<vmem>>
    %dma_start3A_53 = arith.constant 0 : i32
    %dma_start3A_54 = arith.constant 0 : i32
    %dma_start3A_55 = tpu.memref_slice %arg2[%dma_start3A_53, %dma_start3A_54] : memref<10000x128xf32, #tpu.memory_space<hbm>> -> memref<10000x128xf32, #tpu.memory_space<hbm>>
    tpu.enqueue_indirect_dma source(%dma_start3A_55 : memref<10000x128xf32, #tpu.memory_space<hbm>>) target(%dma_start3A_50 : memref<200x128xf32, #tpu.memory_space<vmem>>) offsets(%dma_start3A_52 : memref<200xi32, #tpu.memory_space<vmem>>) semaphore(%arg9 : memref<!tpu.dma_semaphore, #tpu.memory_space<semaphore_mem>>)
    %dma_wait3A_56 = arith.constant 1 : i32
    %dma_wait3A_57 = arith.constant 0 : i32
    %dma_wait3A_58 = arith.constant 0 : i32
    %dma_wait3A_59 = tpu.memref_slice %arg6[%dma_wait3A_56, %dma_wait3A_57, %dma_wait3A_58] : memref<4x200x128xf32, #tpu.memory_space<vmem>> -> memref<1x200x128xf32, #tpu.memory_space<vmem>>
    %dma_wait3A_60 = tpu.memref_squeeze %dma_wait3A_59 : memref<1x200x128xf32, #tpu.memory_space<vmem>> -> memref<200x128xf32, #tpu.memory_space<vmem>>
    %dma_wait3A_61 = arith.constant 200 : i32
    %dma_wait3A_62 = tpu.memref_slice %arg5[%dma_wait3A_61] : memref<1000xi32, #tpu.memory_space<vmem>> -> memref<200xi32, #tpu.memory_space<vmem>>
    %dma_wait3A_63 = arith.constant 0 : i32
    %dma_wait3A_64 = arith.constant 0 : i32
    %dma_wait3A_65 = tpu.memref_slice %arg2[%dma_wait3A_63, %dma_wait3A_64] : memref<10000x128xf32, #tpu.memory_space<hbm>> -> memref<10000x128xf32, #tpu.memory_space<hbm>>
    tpu.wait_indirect_dma semaphore(%arg8 : memref<!tpu.dma_semaphore, #tpu.memory_space<semaphore_mem>>) src(%dma_wait3A_65 : memref<10000x128xf32, #tpu.memory_space<hbm>>) dst(%dma_wait3A_60 : memref<200x128xf32, #tpu.memory_space<vmem>>)
    %add3A_66 = arith.constant 200 : i32
    %add3A_67 = arith.addi %mul3A_2, %add3A_66 : i32
    %dma_start3A_68 = arith.constant 1 : i32
    %dma_start3A_69 = arith.constant 0 : i32
    %dma_start3A_70 = arith.constant 0 : i32
    %dma_start3A_71 = tpu.memref_slice %arg6[%dma_start3A_68, %dma_start3A_69, %dma_start3A_70] : memref<4x200x128xf32, #tpu.memory_space<vmem>> -> memref<1x200x128xf32, #tpu.memory_space<vmem>>
    %dma_start3A_72 = tpu.memref_squeeze %dma_start3A_71 : memref<1x200x128xf32, #tpu.memory_space<vmem>> -> memref<200x128xf32, #tpu.memory_space<vmem>>
    %dma_start3A_73 = arith.constant 0 : i32
    %dma_start3A_74 = tpu.memref_slice %arg4[%add3A_67, %dma_start3A_73] : memref<32000x128xf32, #tpu.memory_space<hbm>> -> memref<200x128xf32, #tpu.memory_space<hbm>>
    %dma_start3A_75 = arith.constant 0 : i32
    %dma_start3A_76 = tpu.memref_slice %arg4[%add3A_67, %dma_start3A_75] : memref<32000x128xf32, #tpu.memory_space<hbm>> -> memref<200x128xf32, #tpu.memory_space<hbm>>
    %dma_start3A_77 = arith.constant 0 : i32
    %dma_start3A_78 = arith.constant 0 : i32
    %dma_start3A_79 = tpu.memref_slice %arg6[%dma_start3A_68, %dma_start3A_77, %dma_start3A_78] : memref<4x200x128xf32, #tpu.memory_space<vmem>> -> memref<1x200x128xf32, #tpu.memory_space<vmem>>
    %dma_start3A_80 = tpu.memref_squeeze %dma_start3A_79 : memref<1x200x128xf32, #tpu.memory_space<vmem>> -> memref<200x128xf32, #tpu.memory_space<vmem>>
    tpu.enqueue_dma source(%dma_start3A_80 : memref<200x128xf32, #tpu.memory_space<vmem>>) target(%dma_start3A_76 : memref<200x128xf32, #tpu.memory_space<hbm>>) target_semaphore(%arg12 : memref<!tpu.dma_semaphore, #tpu.memory_space<semaphore_mem>>)
    %dma_start3A_81 = arith.constant 3 : i32
    %dma_start3A_82 = arith.constant 0 : i32
    %dma_start3A_83 = arith.constant 0 : i32
    %dma_start3A_84 = tpu.memref_slice %arg6[%dma_start3A_81, %dma_start3A_82, %dma_start3A_83] : memref<4x200x128xf32, #tpu.memory_space<vmem>> -> memref<1x200x128xf32, #tpu.memory_space<vmem>>
    %dma_start3A_85 = tpu.memref_squeeze %dma_start3A_84 : memref<1x200x128xf32, #tpu.memory_space<vmem>> -> memref<200x128xf32, #tpu.memory_space<vmem>>
    %dma_start3A_86 = arith.constant 600 : i32
    %dma_start3A_87 = tpu.memref_slice %arg5[%dma_start3A_86] : memref<1000xi32, #tpu.memory_space<vmem>> -> memref<200xi32, #tpu.memory_space<vmem>>
    %dma_start3A_88 = arith.constant 0 : i32
    %dma_start3A_89 = arith.constant 0 : i32
    %dma_start3A_90 = tpu.memref_slice %arg2[%dma_start3A_88, %dma_start3A_89] : memref<10000x128xf32, #tpu.memory_space<hbm>> -> memref<10000x128xf32, #tpu.memory_space<hbm>>
    tpu.enqueue_indirect_dma source(%dma_start3A_90 : memref<10000x128xf32, #tpu.memory_space<hbm>>) target(%dma_start3A_85 : memref<200x128xf32, #tpu.memory_space<vmem>>) offsets(%dma_start3A_87 : memref<200xi32, #tpu.memory_space<vmem>>) semaphore(%arg10 : memref<!tpu.dma_semaphore, #tpu.memory_space<semaphore_mem>>)
    %dma_wait3A_91 = arith.constant 2 : i32
    %dma_wait3A_92 = arith.constant 0 : i32
    %dma_wait3A_93 = arith.constant 0 : i32
    %dma_wait3A_94 = tpu.memref_slice %arg6[%dma_wait3A_91, %dma_wait3A_92, %dma_wait3A_93] : memref<4x200x128xf32, #tpu.memory_space<vmem>> -> memref<1x200x128xf32, #tpu.memory_space<vmem>>
    %dma_wait3A_95 = tpu.memref_squeeze %dma_wait3A_94 : memref<1x200x128xf32, #tpu.memory_space<vmem>> -> memref<200x128xf32, #tpu.memory_space<vmem>>
    %dma_wait3A_96 = arith.constant 400 : i32
    %dma_wait3A_97 = tpu.memref_slice %arg5[%dma_wait3A_96] : memref<1000xi32, #tpu.memory_space<vmem>> -> memref<200xi32, #tpu.memory_space<vmem>>
    %dma_wait3A_98 = arith.constant 0 : i32
    %dma_wait3A_99 = arith.constant 0 : i32
    %dma_wait3A_100 = tpu.memref_slice %arg2[%dma_wait3A_98, %dma_wait3A_99] : memref<10000x128xf32, #tpu.memory_space<hbm>> -> memref<10000x128xf32, #tpu.memory_space<hbm>>
    tpu.wait_indirect_dma semaphore(%arg9 : memref<!tpu.dma_semaphore, #tpu.memory_space<semaphore_mem>>) src(%dma_wait3A_100 : memref<10000x128xf32, #tpu.memory_space<hbm>>) dst(%dma_wait3A_95 : memref<200x128xf32, #tpu.memory_space<vmem>>)
    %add3A_101 = arith.constant 400 : i32
    %add3A_102 = arith.addi %mul3A_2, %add3A_101 : i32
    %dma_start3A_103 = arith.constant 2 : i32
    %dma_start3A_104 = arith.constant 0 : i32
    %dma_start3A_105 = arith.constant 0 : i32
    %dma_start3A_106 = tpu.memref_slice %arg6[%dma_start3A_103, %dma_start3A_104, %dma_start3A_105] : memref<4x200x128xf32, #tpu.memory_space<vmem>> -> memref<1x200x128xf32, #tpu.memory_space<vmem>>
    %dma_start3A_107 = tpu.memref_squeeze %dma_start3A_106 : memref<1x200x128xf32, #tpu.memory_space<vmem>> -> memref<200x128xf32, #tpu.memory_space<vmem>>
    %dma_start3A_108 = arith.constant 0 : i32
    %dma_start3A_109 = tpu.memref_slice %arg4[%add3A_102, %dma_start3A_108] : memref<32000x128xf32, #tpu.memory_space<hbm>> -> memref<200x128xf32, #tpu.memory_space<hbm>>
    %dma_start3A_110 = arith.constant 0 : i32
    %dma_start3A_111 = tpu.memref_slice %arg4[%add3A_102, %dma_start3A_110] : memref<32000x128xf32, #tpu.memory_space<hbm>> -> memref<200x128xf32, #tpu.memory_space<hbm>>
    %dma_start3A_112 = arith.constant 0 : i32
    %dma_start3A_113 = arith.constant 0 : i32
    %dma_start3A_114 = tpu.memref_slice %arg6[%dma_start3A_103, %dma_start3A_112, %dma_start3A_113] : memref<4x200x128xf32, #tpu.memory_space<vmem>> -> memref<1x200x128xf32, #tpu.memory_space<vmem>>
    %dma_start3A_115 = tpu.memref_squeeze %dma_start3A_114 : memref<1x200x128xf32, #tpu.memory_space<vmem>> -> memref<200x128xf32, #tpu.memory_space<vmem>>
    tpu.enqueue_dma source(%dma_start3A_115 : memref<200x128xf32, #tpu.memory_space<vmem>>) target(%dma_start3A_111 : memref<200x128xf32, #tpu.memory_space<hbm>>) target_semaphore(%arg13 : memref<!tpu.dma_semaphore, #tpu.memory_space<semaphore_mem>>)
    %add3A_116 = arith.constant 0 : i32
    %add3A_117 = arith.addi %mul3A_2, %add3A_116 : i32
    %dma_wait3A_118 = arith.constant 0 : i32
    %dma_wait3A_119 = arith.constant 0 : i32
    %dma_wait3A_120 = arith.constant 0 : i32
    %dma_wait3A_121 = tpu.memref_slice %arg6[%dma_wait3A_118, %dma_wait3A_119, %dma_wait3A_120] : memref<4x200x128xf32, #tpu.memory_space<vmem>> -> memref<1x200x128xf32, #tpu.memory_space<vmem>>
    %dma_wait3A_122 = tpu.memref_squeeze %dma_wait3A_121 : memref<1x200x128xf32, #tpu.memory_space<vmem>> -> memref<200x128xf32, #tpu.memory_space<vmem>>
    %dma_wait3A_123 = arith.constant 0 : i32
    %dma_wait3A_124 = tpu.memref_slice %arg4[%add3A_117, %dma_wait3A_123] : memref<32000x128xf32, #tpu.memory_space<hbm>> -> memref<200x128xf32, #tpu.memory_space<hbm>>
    %dma_wait3A_125 = arith.constant 0 : i32
    %dma_wait3A_126 = tpu.memref_slice %arg4[%add3A_117, %dma_wait3A_125] : memref<32000x128xf32, #tpu.memory_space<hbm>> -> memref<200x128xf32, #tpu.memory_space<hbm>>
    %dma_wait3A_127 = arith.constant 0 : i32
    %dma_wait3A_128 = arith.constant 0 : i32
    %dma_wait3A_129 = tpu.memref_slice %arg6[%dma_wait3A_118, %dma_wait3A_127, %dma_wait3A_128] : memref<4x200x128xf32, #tpu.memory_space<vmem>> -> memref<1x200x128xf32, #tpu.memory_space<vmem>>
    %dma_wait3A_130 = tpu.memref_squeeze %dma_wait3A_129 : memref<1x200x128xf32, #tpu.memory_space<vmem>> -> memref<200x128xf32, #tpu.memory_space<vmem>>
    tpu.wait_dma2 semaphore(%arg11 : memref<!tpu.dma_semaphore, #tpu.memory_space<semaphore_mem>>) src(%dma_wait3A_130 : memref<200x128xf32, #tpu.memory_space<vmem>>) dst(%dma_wait3A_126 : memref<200x128xf32, #tpu.memory_space<hbm>>)
    %dma_start3A_131 = arith.constant 0 : i32
    %dma_start3A_132 = arith.constant 0 : i32
    %dma_start3A_133 = arith.constant 0 : i32
    %dma_start3A_134 = tpu.memref_slice %arg6[%dma_start3A_131, %dma_start3A_132, %dma_start3A_133] : memref<4x200x128xf32, #tpu.memory_space<vmem>> -> memref<1x200x128xf32, #tpu.memory_space<vmem>>
    %dma_start3A_135 = tpu.memref_squeeze %dma_start3A_134 : memref<1x200x128xf32, #tpu.memory_space<vmem>> -> memref<200x128xf32, #tpu.memory_space<vmem>>
    %dma_start3A_136 = arith.constant 800 : i32
    %dma_start3A_137 = tpu.memref_slice %arg5[%dma_start3A_136] : memref<1000xi32, #tpu.memory_space<vmem>> -> memref<200xi32, #tpu.memory_space<vmem>>
    %dma_start3A_138 = arith.constant 0 : i32
    %dma_start3A_139 = arith.constant 0 : i32
    %dma_start3A_140 = tpu.memref_slice %arg2[%dma_start3A_138, %dma_start3A_139] : memref<10000x128xf32, #tpu.memory_space<hbm>> -> memref<10000x128xf32, #tpu.memory_space<hbm>>
    tpu.enqueue_indirect_dma source(%dma_start3A_140 : memref<10000x128xf32, #tpu.memory_space<hbm>>) target(%dma_start3A_135 : memref<200x128xf32, #tpu.memory_space<vmem>>) offsets(%dma_start3A_137 : memref<200xi32, #tpu.memory_space<vmem>>) semaphore(%arg7 : memref<!tpu.dma_semaphore, #tpu.memory_space<semaphore_mem>>)
    %dma_wait3A_141 = arith.constant 3 : i32
    %dma_wait3A_142 = arith.constant 0 : i32
    %dma_wait3A_143 = arith.constant 0 : i32
    %dma_wait3A_144 = tpu.memref_slice %arg6[%dma_wait3A_141, %dma_wait3A_142, %dma_wait3A_143] : memref<4x200x128xf32, #tpu.memory_space<vmem>> -> memref<1x200x128xf32, #tpu.memory_space<vmem>>
    %dma_wait3A_145 = tpu.memref_squeeze %dma_wait3A_144 : memref<1x200x128xf32, #tpu.memory_space<vmem>> -> memref<200x128xf32, #tpu.memory_space<vmem>>
    %dma_wait3A_146 = arith.constant 600 : i32
    %dma_wait3A_147 = tpu.memref_slice %arg5[%dma_wait3A_146] : memref<1000xi32, #tpu.memory_space<vmem>> -> memref<200xi32, #tpu.memory_space<vmem>>
    %dma_wait3A_148 = arith.constant 0 : i32
    %dma_wait3A_149 = arith.constant 0 : i32
    %dma_wait3A_150 = tpu.memref_slice %arg2[%dma_wait3A_148, %dma_wait3A_149] : memref<10000x128xf32, #tpu.memory_space<hbm>> -> memref<10000x128xf32, #tpu.memory_space<hbm>>
    tpu.wait_indirect_dma semaphore(%arg10 : memref<!tpu.dma_semaphore, #tpu.memory_space<semaphore_mem>>) src(%dma_wait3A_150 : memref<10000x128xf32, #tpu.memory_space<hbm>>) dst(%dma_wait3A_145 : memref<200x128xf32, #tpu.memory_space<vmem>>)
    %add3A_151 = arith.constant 600 : i32
    %add3A_152 = arith.addi %mul3A_2, %add3A_151 : i32
    %dma_start3A_153 = arith.constant 3 : i32
    %dma_start3A_154 = arith.constant 0 : i32
    %dma_start3A_155 = arith.constant 0 : i32
    %dma_start3A_156 = tpu.memref_slice %arg6[%dma_start3A_153, %dma_start3A_154, %dma_start3A_155] : memref<4x200x128xf32, #tpu.memory_space<vmem>> -> memref<1x200x128xf32, #tpu.memory_space<vmem>>
    %dma_start3A_157 = tpu.memref_squeeze %dma_start3A_156 : memref<1x200x128xf32, #tpu.memory_space<vmem>> -> memref<200x128xf32, #tpu.memory_space<vmem>>
    %dma_start3A_158 = arith.constant 0 : i32
    %dma_start3A_159 = tpu.memref_slice %arg4[%add3A_152, %dma_start3A_158] : memref<32000x128xf32, #tpu.memory_space<hbm>> -> memref<200x128xf32, #tpu.memory_space<hbm>>
    %dma_start3A_160 = arith.constant 0 : i32
    %dma_start3A_161 = tpu.memref_slice %arg4[%add3A_152, %dma_start3A_160] : memref<32000x128xf32, #tpu.memory_space<hbm>> -> memref<200x128xf32, #tpu.memory_space<hbm>>
    %dma_start3A_162 = arith.constant 0 : i32
    %dma_start3A_163 = arith.constant 0 : i32
    %dma_start3A_164 = tpu.memref_slice %arg6[%dma_start3A_153, %dma_start3A_162, %dma_start3A_163] : memref<4x200x128xf32, #tpu.memory_space<vmem>> -> memref<1x200x128xf32, #tpu.memory_space<vmem>>
    %dma_start3A_165 = tpu.memref_squeeze %dma_start3A_164 : memref<1x200x128xf32, #tpu.memory_space<vmem>> -> memref<200x128xf32, #tpu.memory_space<vmem>>
    tpu.enqueue_dma source(%dma_start3A_165 : memref<200x128xf32, #tpu.memory_space<vmem>>) target(%dma_start3A_161 : memref<200x128xf32, #tpu.memory_space<hbm>>) target_semaphore(%arg14 : memref<!tpu.dma_semaphore, #tpu.memory_space<semaphore_mem>>)
    %dma_wait3A_166 = arith.constant 0 : i32
    %dma_wait3A_167 = arith.constant 0 : i32
    %dma_wait3A_168 = arith.constant 0 : i32
    %dma_wait3A_169 = tpu.memref_slice %arg6[%dma_wait3A_166, %dma_wait3A_167, %dma_wait3A_168] : memref<4x200x128xf32, #tpu.memory_space<vmem>> -> memref<1x200x128xf32, #tpu.memory_space<vmem>>
    %dma_wait3A_170 = tpu.memref_squeeze %dma_wait3A_169 : memref<1x200x128xf32, #tpu.memory_space<vmem>> -> memref<200x128xf32, #tpu.memory_space<vmem>>
    %dma_wait3A_171 = arith.constant 800 : i32
    %dma_wait3A_172 = tpu.memref_slice %arg5[%dma_wait3A_171] : memref<1000xi32, #tpu.memory_space<vmem>> -> memref<200xi32, #tpu.memory_space<vmem>>
    %dma_wait3A_173 = arith.constant 0 : i32
    %dma_wait3A_174 = arith.constant 0 : i32
    %dma_wait3A_175 = tpu.memref_slice %arg2[%dma_wait3A_173, %dma_wait3A_174] : memref<10000x128xf32, #tpu.memory_space<hbm>> -> memref<10000x128xf32, #tpu.memory_space<hbm>>
    tpu.wait_indirect_dma semaphore(%arg7 : memref<!tpu.dma_semaphore, #tpu.memory_space<semaphore_mem>>) src(%dma_wait3A_175 : memref<10000x128xf32, #tpu.memory_space<hbm>>) dst(%dma_wait3A_170 : memref<200x128xf32, #tpu.memory_space<vmem>>)
    %add3A_176 = arith.constant 800 : i32
    %add3A_177 = arith.addi %mul3A_2, %add3A_176 : i32
    %dma_start3A_178 = arith.constant 0 : i32
    %dma_start3A_179 = arith.constant 0 : i32
    %dma_start3A_180 = arith.constant 0 : i32
    %dma_start3A_181 = tpu.memref_slice %arg6[%dma_start3A_178, %dma_start3A_179, %dma_start3A_180] : memref<4x200x128xf32, #tpu.memory_space<vmem>> -> memref<1x200x128xf32, #tpu.memory_space<vmem>>
    %dma_start3A_182 = tpu.memref_squeeze %dma_start3A_181 : memref<1x200x128xf32, #tpu.memory_space<vmem>> -> memref<200x128xf32, #tpu.memory_space<vmem>>
    %dma_start3A_183 = arith.constant 0 : i32
    %dma_start3A_184 = tpu.memref_slice %arg4[%add3A_177, %dma_start3A_183] : memref<32000x128xf32, #tpu.memory_space<hbm>> -> memref<200x128xf32, #tpu.memory_space<hbm>>
    %dma_start3A_185 = arith.constant 0 : i32
    %dma_start3A_186 = tpu.memref_slice %arg4[%add3A_177, %dma_start3A_185] : memref<32000x128xf32, #tpu.memory_space<hbm>> -> memref<200x128xf32, #tpu.memory_space<hbm>>
    %dma_start3A_187 = arith.constant 0 : i32
    %dma_start3A_188 = arith.constant 0 : i32
    %dma_start3A_189 = tpu.memref_slice %arg6[%dma_start3A_178, %dma_start3A_187, %dma_start3A_188] : memref<4x200x128xf32, #tpu.memory_space<vmem>> -> memref<1x200x128xf32, #tpu.memory_space<vmem>>
    %dma_start3A_190 = tpu.memref_squeeze %dma_start3A_189 : memref<1x200x128xf32, #tpu.memory_space<vmem>> -> memref<200x128xf32, #tpu.memory_space<vmem>>
    tpu.enqueue_dma source(%dma_start3A_190 : memref<200x128xf32, #tpu.memory_space<vmem>>) target(%dma_start3A_186 : memref<200x128xf32, #tpu.memory_space<hbm>>) target_semaphore(%arg11 : memref<!tpu.dma_semaphore, #tpu.memory_space<semaphore_mem>>)
    %add3A_191 = arith.constant 200 : i32
    %add3A_192 = arith.addi %mul3A_2, %add3A_191 : i32
    %dma_wait3A_193 = arith.constant 1 : i32
    %dma_wait3A_194 = arith.constant 0 : i32
    %dma_wait3A_195 = arith.constant 0 : i32
    %dma_wait3A_196 = tpu.memref_slice %arg6[%dma_wait3A_193, %dma_wait3A_194, %dma_wait3A_195] : memref<4x200x128xf32, #tpu.memory_space<vmem>> -> memref<1x200x128xf32, #tpu.memory_space<vmem>>
    %dma_wait3A_197 = tpu.memref_squeeze %dma_wait3A_196 : memref<1x200x128xf32, #tpu.memory_space<vmem>> -> memref<200x128xf32, #tpu.memory_space<vmem>>
    %dma_wait3A_198 = arith.constant 0 : i32
    %dma_wait3A_199 = tpu.memref_slice %arg4[%add3A_192, %dma_wait3A_198] : memref<32000x128xf32, #tpu.memory_space<hbm>> -> memref<200x128xf32, #tpu.memory_space<hbm>>
    %dma_wait3A_200 = arith.constant 0 : i32
    %dma_wait3A_201 = tpu.memref_slice %arg4[%add3A_192, %dma_wait3A_200] : memref<32000x128xf32, #tpu.memory_space<hbm>> -> memref<200x128xf32, #tpu.memory_space<hbm>>
    %dma_wait3A_202 = arith.constant 0 : i32
    %dma_wait3A_203 = arith.constant 0 : i32
    %dma_wait3A_204 = tpu.memref_slice %arg6[%dma_wait3A_193, %dma_wait3A_202, %dma_wait3A_203] : memref<4x200x128xf32, #tpu.memory_space<vmem>> -> memref<1x200x128xf32, #tpu.memory_space<vmem>>
    %dma_wait3A_205 = tpu.memref_squeeze %dma_wait3A_204 : memref<1x200x128xf32, #tpu.memory_space<vmem>> -> memref<200x128xf32, #tpu.memory_space<vmem>>
    tpu.wait_dma2 semaphore(%arg12 : memref<!tpu.dma_semaphore, #tpu.memory_space<semaphore_mem>>) src(%dma_wait3A_205 : memref<200x128xf32, #tpu.memory_space<vmem>>) dst(%dma_wait3A_201 : memref<200x128xf32, #tpu.memory_space<hbm>>)
    %add3A_206 = arith.constant 400 : i32
    %add3A_207 = arith.addi %mul3A_2, %add3A_206 : i32
    %dma_wait3A_208 = arith.constant 2 : i32
    %dma_wait3A_209 = arith.constant 0 : i32
    %dma_wait3A_210 = arith.constant 0 : i32
    %dma_wait3A_211 = tpu.memref_slice %arg6[%dma_wait3A_208, %dma_wait3A_209, %dma_wait3A_210] : memref<4x200x128xf32, #tpu.memory_space<vmem>> -> memref<1x200x128xf32, #tpu.memory_space<vmem>>
    %dma_wait3A_212 = tpu.memref_squeeze %dma_wait3A_211 : memref<1x200x128xf32, #tpu.memory_space<vmem>> -> memref<200x128xf32, #tpu.memory_space<vmem>>
    %dma_wait3A_213 = arith.constant 0 : i32
    %dma_wait3A_214 = tpu.memref_slice %arg4[%add3A_207, %dma_wait3A_213] : memref<32000x128xf32, #tpu.memory_space<hbm>> -> memref<200x128xf32, #tpu.memory_space<hbm>>
    %dma_wait3A_215 = arith.constant 0 : i32
    %dma_wait3A_216 = tpu.memref_slice %arg4[%add3A_207, %dma_wait3A_215] : memref<32000x128xf32, #tpu.memory_space<hbm>> -> memref<200x128xf32, #tpu.memory_space<hbm>>
    %dma_wait3A_217 = arith.constant 0 : i32
    %dma_wait3A_218 = arith.constant 0 : i32
    %dma_wait3A_219 = tpu.memref_slice %arg6[%dma_wait3A_208, %dma_wait3A_217, %dma_wait3A_218] : memref<4x200x128xf32, #tpu.memory_space<vmem>> -> memref<1x200x128xf32, #tpu.memory_space<vmem>>
    %dma_wait3A_220 = tpu.memref_squeeze %dma_wait3A_219 : memref<1x200x128xf32, #tpu.memory_space<vmem>> -> memref<200x128xf32, #tpu.memory_space<vmem>>
    tpu.wait_dma2 semaphore(%arg13 : memref<!tpu.dma_semaphore, #tpu.memory_space<semaphore_mem>>) src(%dma_wait3A_220 : memref<200x128xf32, #tpu.memory_space<vmem>>) dst(%dma_wait3A_216 : memref<200x128xf32, #tpu.memory_space<hbm>>)
    %add3A_221 = arith.constant 600 : i32
    %add3A_222 = arith.addi %mul3A_2, %add3A_221 : i32
    %dma_wait3A_223 = arith.constant 3 : i32
    %dma_wait3A_224 = arith.constant 0 : i32
    %dma_wait3A_225 = arith.constant 0 : i32
    %dma_wait3A_226 = tpu.memref_slice %arg6[%dma_wait3A_223, %dma_wait3A_224, %dma_wait3A_225] : memref<4x200x128xf32, #tpu.memory_space<vmem>> -> memref<1x200x128xf32, #tpu.memory_space<vmem>>
    %dma_wait3A_227 = tpu.memref_squeeze %dma_wait3A_226 : memref<1x200x128xf32, #tpu.memory_space<vmem>> -> memref<200x128xf32, #tpu.memory_space<vmem>>
    %dma_wait3A_228 = arith.constant 0 : i32
    %dma_wait3A_229 = tpu.memref_slice %arg4[%add3A_222, %dma_wait3A_228] : memref<32000x128xf32, #tpu.memory_space<hbm>> -> memref<200x128xf32, #tpu.memory_space<hbm>>
    %dma_wait3A_230 = arith.constant 0 : i32
    %dma_wait3A_231 = tpu.memref_slice %arg4[%add3A_222, %dma_wait3A_230] : memref<32000x128xf32, #tpu.memory_space<hbm>> -> memref<200x128xf32, #tpu.memory_space<hbm>>
    %dma_wait3A_232 = arith.constant 0 : i32
    %dma_wait3A_233 = arith.constant 0 : i32
    %dma_wait3A_234 = tpu.memref_slice %arg6[%dma_wait3A_223, %dma_wait3A_232, %dma_wait3A_233] : memref<4x200x128xf32, #tpu.memory_space<vmem>> -> memref<1x200x128xf32, #tpu.memory_space<vmem>>
    %dma_wait3A_235 = tpu.memref_squeeze %dma_wait3A_234 : memref<1x200x128xf32, #tpu.memory_space<vmem>> -> memref<200x128xf32, #tpu.memory_space<vmem>>
    tpu.wait_dma2 semaphore(%arg14 : memref<!tpu.dma_semaphore, #tpu.memory_space<semaphore_mem>>) src(%dma_wait3A_235 : memref<200x128xf32, #tpu.memory_space<vmem>>) dst(%dma_wait3A_231 : memref<200x128xf32, #tpu.memory_space<hbm>>)
    %add3A_236 = arith.constant 800 : i32
    %add3A_237 = arith.addi %mul3A_2, %add3A_236 : i32
    %dma_wait3A_238 = arith.constant 0 : i32
    %dma_wait3A_239 = arith.constant 0 : i32
    %dma_wait3A_240 = arith.constant 0 : i32
    %dma_wait3A_241 = tpu.memref_slice %arg6[%dma_wait3A_238, %dma_wait3A_239, %dma_wait3A_240] : memref<4x200x128xf32, #tpu.memory_space<vmem>> -> memref<1x200x128xf32, #tpu.memory_space<vmem>>
    %dma_wait3A_242 = tpu.memref_squeeze %dma_wait3A_241 : memref<1x200x128xf32, #tpu.memory_space<vmem>> -> memref<200x128xf32, #tpu.memory_space<vmem>>
    %dma_wait3A_243 = arith.constant 0 : i32
    %dma_wait3A_244 = tpu.memref_slice %arg4[%add3A_237, %dma_wait3A_243] : memref<32000x128xf32, #tpu.memory_space<hbm>> -> memref<200x128xf32, #tpu.memory_space<hbm>>
    %dma_wait3A_245 = arith.constant 0 : i32
    %dma_wait3A_246 = tpu.memref_slice %arg4[%add3A_237, %dma_wait3A_245] : memref<32000x128xf32, #tpu.memory_space<hbm>> -> memref<200x128xf32, #tpu.memory_space<hbm>>
    %dma_wait3A_247 = arith.constant 0 : i32
    %dma_wait3A_248 = arith.constant 0 : i32
    %dma_wait3A_249 = tpu.memref_slice %arg6[%dma_wait3A_238, %dma_wait3A_247, %dma_wait3A_248] : memref<4x200x128xf32, #tpu.memory_space<vmem>> -> memref<1x200x128xf32, #tpu.memory_space<vmem>>
    %dma_wait3A_250 = tpu.memref_squeeze %dma_wait3A_249 : memref<1x200x128xf32, #tpu.memory_space<vmem>> -> memref<200x128xf32, #tpu.memory_space<vmem>>
    tpu.wait_dma2 semaphore(%arg11 : memref<!tpu.dma_semaphore, #tpu.memory_space<semaphore_mem>>) src(%dma_wait3A_250 : memref<200x128xf32, #tpu.memory_space<vmem>>) dst(%dma_wait3A_246 : memref<200x128xf32, #tpu.memory_space<hbm>>)
    return
  }
}

module attributes {stable_mosaic.version = 14 : i64} {
  func.func @_stage1_body(%arg0: memref<10000x128xf32, #tpu.memory_space<vmem>>, %arg1: memref<256x384xf32, #tpu.memory_space<vmem>>, %arg2: memref<10000x128xf32, #tpu.memory_space<vmem>>) attributes {dimension_semantics = [], scalar_prefetch = 0 : i64, scratch_operands = 0 : i64, tpu.core_type = #tpu.core_type<tc>} {
    %get3A = arith.constant 0 : index
    %get3A_0 = arith.constant 0 : index
    %get3A_1 = vector.load %arg1[%get3A, %get3A_0] : memref<256x384xf32, #tpu.memory_space<vmem>>, vector<256x384xf32>
    %slice3A = vector.extract_strided_slice %get3A_1 {offsets = [0, 128], sizes = [256, 128], strides = [1, 1]} : vector<256x384xf32> to vector<256x128xf32>
    %slice3A_2 = vector.extract_strided_slice %get3A_1 {offsets = [0, 256], sizes = [256, 128], strides = [1, 1]} : vector<256x384xf32> to vector<256x128xf32>
    %add3A = arith.addf %slice3A, %slice3A_2 : vector<256x128xf32>
    %convert_element_type3A = arith.truncf %add3A : vector<256x128xf32> to vector<256x128xbf16>
    %get3A_3 = arith.constant 0 : index
    %get3A_4 = arith.constant 0 : index
    %get3A_5 = vector.load %arg0[%get3A_3, %get3A_4] : memref<10000x128xf32, #tpu.memory_space<vmem>>, vector<10000x128xf32>
    %convert_element_type3A_6 = arith.truncf %get3A_5 : vector<10000x128xf32> to vector<10000x128xbf16>
    %dot_general3A = arith.constant dense<0.000000e+00> : vector<10000x256xf32>
    %dot_general3A_7 = tpu.matmul %convert_element_type3A_6, %convert_element_type3A, %dot_general3A {dimension_numbers = #tpu.dot_dimension_numbers<[1], [1], [0], [0], [0, 0, 1, 0], [], []>, transpose_lhs_hint = false} : vector<10000x128xbf16>, vector<256x128xbf16>, vector<10000x256xf32> -> vector<10000x256xf32>
    %slice3A_8 = vector.extract_strided_slice %dot_general3A_7 {offsets = [0, 0], sizes = [10000, 128], strides = [1, 1]} : vector<10000x256xf32> to vector<10000x128xf32>
    %convert_element_type3A_9 = arith.truncf %slice3A_8 : vector<10000x128xf32> to vector<10000x128xbf16>
    %convert_element_type3A_10 = arith.extf %convert_element_type3A_9 : vector<10000x128xbf16> to vector<10000x128xf32>
    %bitcast_convert_type3A = tpu.bitcast %convert_element_type3A_10 : vector<10000x128xf32> -> vector<10000x128xi32>
    %slice3A_11 = vector.extract_strided_slice %dot_general3A_7 {offsets = [0, 128], sizes = [10000, 128], strides = [1, 1]} : vector<10000x256xf32> to vector<10000x128xf32>
    %convert_element_type3A_12 = arith.truncf %slice3A_11 : vector<10000x128xf32> to vector<10000x128xbf16>
    %convert_element_type3A_13 = arith.extf %convert_element_type3A_12 : vector<10000x128xbf16> to vector<10000x128xf32>
    %bitcast_convert_type3A_14 = tpu.bitcast %convert_element_type3A_13 : vector<10000x128xf32> -> vector<10000x128xi32>
    %shift_right_logical3A = arith.constant 16 : i32
    %shift_right_logical3A_15 = vector.broadcast %shift_right_logical3A : i32 to vector<10000x128xi32>
    %shift_right_logical3A_16 = arith.shrui %bitcast_convert_type3A, %shift_right_logical3A_15 : vector<10000x128xi32>
    %or3A = arith.ori %bitcast_convert_type3A_14, %shift_right_logical3A_16 : vector<10000x128xi32>
    %bitcast_convert_type3A_17 = tpu.bitcast %or3A : vector<10000x128xi32> -> vector<10000x128xf32>
    %swap3A = arith.constant 0 : index
    %swap3A_18 = arith.constant 0 : index
    %swap3A_19 = vector.load %arg2[%swap3A, %swap3A_18] : memref<10000x128xf32, #tpu.memory_space<vmem>>, vector<10000x128xf32>
    tpu.vector_store %arg2[%swap3A, %swap3A_18], %bitcast_convert_type3A_17 {strides = array<i32>} : memref<10000x128xf32, #tpu.memory_space<vmem>>, vector<10000x128xf32>,
    return
  }
}

module attributes {stable_mosaic.version = 14 : i64} {
  func.func @_stage3_body(%arg0: i32, %arg1: memref<1000x128xf32, #tpu.memory_space<vmem>>, %arg2: memref<16x1000x128xf32, #tpu.memory_space<vmem>>, %arg3: memref<256x384xf32, #tpu.memory_space<vmem>>, %arg4: memref<1x256xf32, #tpu.memory_space<vmem>>, %arg5: memref<256x256xbf16, #tpu.memory_space<vmem>>, %arg6: memref<1x256xf32, #tpu.memory_space<vmem>>, %arg7: memref<256x256xf32, #tpu.memory_space<vmem>>, %arg8: memref<1x256xf32, #tpu.memory_space<vmem>>, %arg9: memref<1000x256xf32, #tpu.memory_space<vmem>>) attributes {dimension_semantics = [#tpu.dimension_semantics<arbitrary>], iteration_bounds = array<i64: 2>, scalar_prefetch = 0 : i64, scratch_operands = 0 : i64, tpu.core_type = #tpu.core_type<tc>, window_params = [{transform_indices = @transform_0, window_bounds = array<i64: 1000, 128>}, {transform_indices = @transform_1, window_bounds = array<i64: 16, 1000, 128>}, {pipeline_mode = #tpu.pipeline_mode<synchronous>, transform_indices = @transform_2, window_bounds = array<i64: 256, 384>}, {pipeline_mode = #tpu.pipeline_mode<synchronous>, transform_indices = @transform_3, window_bounds = array<i64: 1, 256>}, {pipeline_mode = #tpu.pipeline_mode<synchronous>, transform_indices = @transform_4, window_bounds = array<i64: 256, 256>}, {pipeline_mode = #tpu.pipeline_mode<synchronous>, transform_indices = @transform_5, window_bounds = array<i64: 1, 256>}, {pipeline_mode = #tpu.pipeline_mode<synchronous>, transform_indices = @transform_6, window_bounds = array<i64: 256, 256>}, {pipeline_mode = #tpu.pipeline_mode<synchronous>, transform_indices = @transform_7, window_bounds = array<i64: 1, 256>}, {transform_indices = @transform_8, window_bounds = array<i64: 1000, 256>}]} {
    %get3A = arith.constant 0 : index
    %get3A_0 = arith.constant 0 : index
    %get3A_1 = vector.load %arg3[%get3A, %get3A_0] : memref<256x384xf32, #tpu.memory_space<vmem>>, vector<256x384xf32>
    %slice3A = vector.extract_strided_slice %get3A_1 {offsets = [0, 0], sizes = [256, 128], strides = [1, 1]} : vector<256x384xf32> to vector<256x128xf32>
    %slice3A_2 = vector.extract_strided_slice %get3A_1 {offsets = [0, 256], sizes = [256, 128], strides = [1, 1]} : vector<256x384xf32> to vector<256x128xf32>
    %sub3A = arith.subf %slice3A, %slice3A_2 : vector<256x128xf32>
    %convert_element_type3A = arith.truncf %sub3A : vector<256x128xf32> to vector<256x128xbf16>
    %get3A_3 = arith.constant 0 : index
    %get3A_4 = arith.constant 0 : index
    %get3A_5 = vector.load %arg1[%get3A_3, %get3A_4] : memref<1000x128xf32, #tpu.memory_space<vmem>>, vector<1000x128xf32>
    %convert_element_type3A_6 = arith.truncf %get3A_5 : vector<1000x128xf32> to vector<1000x128xbf16>
    %dot_general3A = arith.constant dense<0.000000e+00> : vector<1000x256xf32>
    %dot_general3A_7 = tpu.matmul %convert_element_type3A_6, %convert_element_type3A, %dot_general3A {dimension_numbers = #tpu.dot_dimension_numbers<[1], [1], [0], [0], [0, 0, 1, 0], [], []>, transpose_lhs_hint = false} : vector<1000x128xbf16>, vector<256x128xbf16>, vector<1000x256xf32> -> vector<1000x256xf32>
    %get3A_8 = arith.constant 0 : index
    %get3A_9 = arith.constant 0 : index
    %get3A_10 = vector.load %arg4[%get3A_8, %get3A_9] : memref<1x256xf32, #tpu.memory_space<vmem>>, vector<1x256xf32>
    %add3A = vector.broadcast %get3A_10 : vector<1x256xf32> to vector<1000x256xf32>
    %add3A_11 = arith.addf %dot_general3A_7, %add3A : vector<1000x256xf32>
    %get3A_12 = arith.constant 0 : index
    %get3A_13 = arith.constant 0 : index
    %get3A_14 = arith.constant 0 : index
    %get3A_15 = vector.load %arg2[%get3A_12, %get3A_13, %get3A_14] : memref<16x1000x128xf32, #tpu.memory_space<vmem>>, vector<16x1000x128xf32>
    %bitcast_convert_type3A = tpu.bitcast %get3A_15 : vector<16x1000x128xf32> -> vector<16x1000x128xi32>
    %shift_left3A = arith.constant 16 : i32
    %shift_left3A_16 = vector.broadcast %shift_left3A : i32 to vector<16x1000x128xi32>
    %shift_left3A_17 = arith.shli %bitcast_convert_type3A, %shift_left3A_16 : vector<16x1000x128xi32>
    %bitcast_convert_type3A_18 = tpu.bitcast %shift_left3A_17 : vector<16x1000x128xi32> -> vector<16x1000x128xf32>
    %and3A = arith.constant -65536 : i32
    %and3A_19 = vector.broadcast %and3A : i32 to vector<16x1000x128xi32>
    %and3A_20 = arith.andi %bitcast_convert_type3A, %and3A_19 : vector<16x1000x128xi32>
    %bitcast_convert_type3A_21 = tpu.bitcast %and3A_20 : vector<16x1000x128xi32> -> vector<16x1000x128xf32>
    %slice3A_22 = vector.extract_strided_slice %add3A_11 {offsets = [0, 0], sizes = [1000, 128], strides = [1, 1]} : vector<1000x256xf32> to vector<1000x128xf32>
    %broadcast_in_dim3A = vector.shape_cast %slice3A_22 : vector<1000x128xf32> to vector<1x1000x128xf32>
    %add3A_23 = vector.broadcast %broadcast_in_dim3A : vector<1x1000x128xf32> to vector<16x1000x128xf32>
    %add3A_24 = arith.addf %bitcast_convert_type3A_18, %add3A_23 : vector<16x1000x128xf32>
    %max3A = arith.constant 0.000000e+00 : f32
    %max3A_25 = vector.broadcast %max3A : f32 to vector<16x1000x128xf32>
    %max3A_26 = arith.maximumf %add3A_24, %max3A_25 : vector<16x1000x128xf32>
    %reshape3A = vector.shape_cast %max3A_26 : vector<16x1000x128xf32> to vector<16000x128xf32>
    %convert_element_type3A_27 = arith.truncf %reshape3A : vector<16000x128xf32> to vector<16000x128xbf16>
    %slice3A_28 = vector.extract_strided_slice %add3A_11 {offsets = [0, 128], sizes = [1000, 128], strides = [1, 1]} : vector<1000x256xf32> to vector<1000x128xf32>
    %broadcast_in_dim3A_29 = vector.shape_cast %slice3A_28 : vector<1000x128xf32> to vector<1x1000x128xf32>
    %add3A_30 = vector.broadcast %broadcast_in_dim3A_29 : vector<1x1000x128xf32> to vector<16x1000x128xf32>
    %add3A_31 = arith.addf %bitcast_convert_type3A_21, %add3A_30 : vector<16x1000x128xf32>
    %max3A_32 = arith.constant 0.000000e+00 : f32
    %max3A_33 = vector.broadcast %max3A_32 : f32 to vector<16x1000x128xf32>
    %max3A_34 = arith.maximumf %add3A_31, %max3A_33 : vector<16x1000x128xf32>
    %reshape3A_35 = vector.shape_cast %max3A_34 : vector<16x1000x128xf32> to vector<16000x128xf32>
    %convert_element_type3A_36 = arith.truncf %reshape3A_35 : vector<16000x128xf32> to vector<16000x128xbf16>
    %get3A_37 = arith.constant 0 : index
    %get3A_38 = arith.constant 0 : index
    %get3A_39 = vector.load %arg5[%get3A_37, %get3A_38] : memref<256x256xbf16, #tpu.memory_space<vmem>>, vector<256x256xbf16>
    %slice3A_40 = vector.extract_strided_slice %get3A_39 {offsets = [0, 0], sizes = [256, 128], strides = [1, 1]} : vector<256x256xbf16> to vector<256x128xbf16>
    %dot_general3A_41 = arith.constant dense<0.000000e+00> : vector<16000x256xf32>
    %dot_general3A_42 = tpu.matmul %convert_element_type3A_27, %slice3A_40, %dot_general3A_41 {dimension_numbers = #tpu.dot_dimension_numbers<[1], [1], [0], [0], [0, 0, 1, 0], [], []>, transpose_lhs_hint = false} : vector<16000x128xbf16>, vector<256x128xbf16>, vector<16000x256xf32> -> vector<16000x256xf32>
    %slice3A_43 = vector.extract_strided_slice %get3A_39 {offsets = [0, 128], sizes = [256, 128], strides = [1, 1]} : vector<256x256xbf16> to vector<256x128xbf16>
    %dot_general3A_44 = arith.constant dense<0.000000e+00> : vector<16000x256xf32>
    %dot_general3A_45 = tpu.matmul %convert_element_type3A_36, %slice3A_43, %dot_general3A_44 {dimension_numbers = #tpu.dot_dimension_numbers<[1], [1], [0], [0], [0, 0, 1, 0], [], []>, transpose_lhs_hint = false} : vector<16000x128xbf16>, vector<256x128xbf16>, vector<16000x256xf32> -> vector<16000x256xf32>
    %add3A_46 = arith.addf %dot_general3A_42, %dot_general3A_45 : vector<16000x256xf32>
    %reshape3A_47 = vector.shape_cast %add3A_46 : vector<16000x256xf32> to vector<16x1000x256xf32>
    %reduce_max3A = arith.constant dense<0xFF800000> : vector<1000x256xf32>
    %reduce_max3A_48 = vector.multi_reduction <maximumf>, %reshape3A_47, %reduce_max3A [0] : vector<16x1000x256xf32> to vector<1000x256xf32>
    %get3A_49 = arith.constant 0 : index
    %get3A_50 = arith.constant 0 : index
    %get3A_51 = vector.load %arg6[%get3A_49, %get3A_50] : memref<1x256xf32, #tpu.memory_space<vmem>>, vector<1x256xf32>
    %add3A_52 = vector.broadcast %get3A_51 : vector<1x256xf32> to vector<1000x256xf32>
    %add3A_53 = arith.addf %reduce_max3A_48, %add3A_52 : vector<1000x256xf32>
    %max3A_54 = arith.constant 0.000000e+00 : f32
    %max3A_55 = vector.broadcast %max3A_54 : f32 to vector<1000x256xf32>
    %max3A_56 = arith.maximumf %add3A_53, %max3A_55 : vector<1000x256xf32>
    %get3A_57 = arith.constant 0 : index
    %get3A_58 = arith.constant 0 : index
    %get3A_59 = vector.load %arg7[%get3A_57, %get3A_58] : memref<256x256xf32, #tpu.memory_space<vmem>>, vector<256x256xf32>
    %dot_general3A_60 = arith.constant dense<0.000000e+00> : vector<1000x256xf32>
    %dot_general3A_61 = tpu.matmul %max3A_56, %get3A_59, %dot_general3A_60 {dimension_numbers = #tpu.dot_dimension_numbers<[1], [1], [0], [0], [0, 0, 1, 0], [], []>, transpose_lhs_hint = false} : vector<1000x256xf32>, vector<256x256xf32>, vector<1000x256xf32> -> vector<1000x256xf32>
    %get3A_62 = arith.constant 0 : index
    %get3A_63 = arith.constant 0 : index
    %get3A_64 = vector.load %arg8[%get3A_62, %get3A_63] : memref<1x256xf32, #tpu.memory_space<vmem>>, vector<1x256xf32>
    %add3A_65 = vector.broadcast %get3A_64 : vector<1x256xf32> to vector<1000x256xf32>
    %add3A_66 = arith.addf %dot_general3A_61, %add3A_65 : vector<1000x256xf32>
    %swap3A = arith.constant 0 : index
    %swap3A_67 = arith.constant 0 : index
    %swap3A_68 = vector.load %arg9[%swap3A, %swap3A_67] : memref<1000x256xf32, #tpu.memory_space<vmem>>, vector<1000x256xf32>
    tpu.vector_store %arg9[%swap3A, %swap3A_67], %add3A_66 {strides = array<i32>} : memref<1000x256xf32, #tpu.memory_space<vmem>>, vector<1000x256xf32>,
    return
  }
  func.func @transform_0(%arg0: i32) -> (i32, i32) {
    %c0_i32 = arith.constant 0 : i32
    %c0_i32_0 = arith.constant 0 : i32
    return %arg0, %c0_i32 : i32, i32
  }
  func.func @transform_1(%arg0: i32) -> (i32, i32, i32) {
    %c0_i32 = arith.constant 0 : i32
    %c0_i32_0 = arith.constant 0 : i32
    %c0_i32_1 = arith.constant 0 : i32
    return %c0_i32, %arg0, %c0_i32_0 : i32, i32, i32
  }
  func.func @transform_2(%arg0: i32) -> (i32, i32) {
    %c0_i32 = arith.constant 0 : i32
    %c0_i32_0 = arith.constant 0 : i32
    %c0_i32_1 = arith.constant 0 : i32
    return %c0_i32, %c0_i32_0 : i32, i32
  }
  func.func @transform_3(%arg0: i32) -> (i32, i32) {
    %c0_i32 = arith.constant 0 : i32
    %c0_i32_0 = arith.constant 0 : i32
    %c0_i32_1 = arith.constant 0 : i32
    return %c0_i32, %c0_i32_0 : i32, i32
  }
  func.func @transform_4(%arg0: i32) -> (i32, i32) {
    %c0_i32 = arith.constant 0 : i32
    %c0_i32_0 = arith.constant 0 : i32
    %c0_i32_1 = arith.constant 0 : i32
    return %c0_i32, %c0_i32_0 : i32, i32
  }
  func.func @transform_5(%arg0: i32) -> (i32, i32) {
    %c0_i32 = arith.constant 0 : i32
    %c0_i32_0 = arith.constant 0 : i32
    %c0_i32_1 = arith.constant 0 : i32
    return %c0_i32, %c0_i32_0 : i32, i32
  }
  func.func @transform_6(%arg0: i32) -> (i32, i32) {
    %c0_i32 = arith.constant 0 : i32
    %c0_i32_0 = arith.constant 0 : i32
    %c0_i32_1 = arith.constant 0 : i32
    return %c0_i32, %c0_i32_0 : i32, i32
  }
  func.func @transform_7(%arg0: i32) -> (i32, i32) {
    %c0_i32 = arith.constant 0 : i32
    %c0_i32_0 = arith.constant 0 : i32
    %c0_i32_1 = arith.constant 0 : i32
    return %c0_i32, %c0_i32_0 : i32, i32
  }
  func.func @transform_8(%arg0: i32) -> (i32, i32) {
    %c0_i32 = arith.constant 0 : i32
    %c0_i32_0 = arith.constant 0 : i32
    return %arg0, %c0_i32 : i32, i32
  }
}

</mosaic_0001>

<sc_bundles>
// kernel: kernel.13.cloned.1.call-start
scs
__scs_entry_jumppad:
0x0: {  	(pc) =	sbr.rel $0x88, $3  }
0x1: {  	(tag) =	ssettag $0x0;
	lr =	simm.s32 $0x1  }
0x2: {  	[smem:$0x3F99] =	sst lr;
	_ =	strace $0xD0000000  }
0x3: {  	_ = 	snop  }
0x4: {  	_ = 	snop  }
0x5: {  	_ = 	snop  }
0x6: {  	_ = 	snop  }
0x7: {  	_ = 	snop  }
__scs_overlays_trampoline_lowered:
0x8: {  	[smem:$0x3FA8] =	sst s0  }
0x9: {  	[smem:$0x3FA9] =	sst s1  }
0xa: {  	[smem:$0x3FAA] =	sst s2  }
0xb: {  	[smem:$0x3FAB] =	sst s3  }
0xc: {  	[smem:$0x3FAC] =	sst s4  }
0xd: {  	[smem:$0x3FAD] =	sst s5  }
0xe: {  	[smem:$0x3FAE] =	sst s6  }
0xf: {  	[smem:$0x3FAF] =	sst s7  }
0x10: {  	[smem:$0x3FB0] =	sst s8  }
0x11: {  	[smem:$0x3FB1] =	sst s9;
	s0 =	simm.s32 @!p0 $0x0  }
0x12: {  	s1 =	sld [smem:$0x3F97];
	s0 =	simm.s32 @p0 $0x1  }
0x13: {  	[smem:$0x3FB2] =	sst s0;
	s0 =	simm.s32 @!p1 $0x0  }
0x14: {  	s2 =	sld [smem:$0x3F96];
	s0 =	simm.s32 @p1 $0x1  }
0x15: {  	[smem:$0x3FB3] =	sst s0;
	s0 =	simm.s32 @!p2 $0x0  }
0x16: {  	s3 =	sld [smem:$0x3FDB];
	s0 =	simm.s32 @p2 $0x1  }
0x17: {  	s4 =	simm.s32 $0x1BF5;
	[smem:$0x3FB5] =	sst s0  }
0x18: {  	s0 =	sld [smem:$0x3F98];
	_ =	swait.ge [sflag:s4], $0x0  }
0x19: {  	s7 =	sld [smem:$0x3F99]  }
0x1a: {  	s8 =	sadd.s32 $0xFFFFE003, lr  }
0x1b: {  	s9 =	sadd.s32 $0xFFFFFEF7, lr;
	s5 =	simm.s32 $0xFFFFFFFF;
	p2 =	slt.u32 s8, $0xFFFFF086  }
0x1c: {  	p1 =	slt.u32 s9, $0xF7A;
	s5 =	simm.s32 @!p2 $0x0  }
0x1d: {  	s5 =	simm.s32 @p1 $0x1;
	p0 =	seq.s32 s7, s2  }
0x1e: {  	s7 =	smul.u32 @!p0 $0xF7A, s2;
	p2 =	seq.s32 @!p0 s5, $0x0  }
0x1f: {  	s9 =	smul.u32 $0xF7A, s1;
	s8 =	simm.s32 @!p0 $0x1BF5;
	p2 =	por !p2, p0  }
0x20: {  	[sflag:s8] =	ssyncset.s32 @!p0 $0xFFFFF086;
	s6 =	sadd.s32 @!p0 s3, s7;
	s7 =	simm.s32 @!p0 $0x108  }
0x21: {  	s3 =	sadd.s32 s3, s9;
	s6 =	sadd.s32 @!p0 $0x88, s6;
	s7 =	simm.s32 @p2 $0x1082  }
0x22: {  	[simem:s7], [sflag:s8] =	dma.local @!p0 [hbm:s6], $0xF7A  }
0x23: {  	s9 =	sor.u32 $0xD0000000, s2;
	s6 =	simm.s32 $0x108;
	_ =	swait.ge @!p0 [sflag:s8], $0x0  }
0x24: {  	s3 =	sadd.s32 $0x88, s3;
	s6 =	simm.s32 @!p1 $0x1082;
	[sflag:s4] =	ssyncset.s32 $0xFFFFF086  }
0x25: {  	[simem:s6], [sflag:s4] =	dma.local [hbm:s3], $0xF7A  }
0x26: {  	[smem:$0x3F99] =	sst s1;
	(tag) =	ssettag s2;
	_ =	strace s9  }
0x27: {  	s1 =	sld [smem:$0x3FA9]  }
0x28: {  	s2 =	sld [smem:$0x3FAA]  }
0x29: {  	s4 =	sld [smem:$0x3FAC]  }
0x2a: {  	p0 =	seq.s32 s5, $0x0;
	s5 =	sld [smem:$0x3FAD]  }
0x2b: {  	s6 =	sld [smem:$0x3FAE]  }
0x2c: {  	s7 =	sld [smem:$0x3FAF]  }
0x2d: {  	s3 =	simm.s32 $0x108;
	s8 =	sld [smem:$0x3FB0]  }
0x2e: {  	s3 =	simm.s32 @!p0 $0x1082;
	s9 =	sld [smem:$0x3FB1]  }
0x2f: {  	lr =	sadd.s32 s0, s3;
	s0 =	sld [smem:$0x3FA8]  }
0x30: {  	s3 =	sld [smem:$0x3FAB]  }
0x31: {  	[smem:$0x3FB4] =	sst s10  }
0x32: {  	s10 =	sld [smem:$0x3FB2];
	_ =	sdelay $0x3  }
0x33: {  	p0 =	seq.s32 s10, $0x1;
	s10 =	sld [smem:$0x3FB4];
	_ =	sdelay $0x3  }
0x34: {  	[smem:$0x3FB4] =	sst s10  }
0x35: {  	s10 =	sld [smem:$0x3FB3];
	_ =	sdelay $0x3  }
0x36: {  	p1 =	seq.s32 s10, $0x1;
	s10 =	sld [smem:$0x3FB4];
	_ =	sdelay $0x3  }
0x37: {  	[smem:$0x3FB4] =	sst s10  }
0x38: {  	s10 =	sld [smem:$0x3FB5]  }
0x39: {  	_ = 	snop;
	(pc) =	sbr.ind lr, $3  }
0x3a: {  	_ = 	snop  }
0x3b: {  	_ = 	snop  }
0x3c: {  	p2 =	seq.s32 s10, $0x1;
	s10 =	sld [smem:$0x3FB4]  }
0x3d: {  	_ =	shalt  }
0x3e: {  	_ =	shalt  }
0x3f: {  	_ =	shalt  }
0x40: {  	_ =	shalt  }
0x41: {  	_ =	shalt  }
0x42: {  	_ =	shalt  }
0x43: {  	_ =	shalt  }
0x44: {  	_ =	shalt  }
0x45: {  	_ =	shalt  }
0x46: {  	_ =	shalt  }
0x47: {  	_ =	shalt  }
0x48: {  	_ =	shalt  }
0x49: {  	_ =	shalt  }
0x4a: {  	_ =	shalt  }
0x4b: {  	_ =	shalt  }
0x4c: {  	_ =	shalt  }
0x4d: {  	_ =	shalt  }
0x4e: {  	_ =	shalt  }
0x4f: {  	_ =	shalt  }
0x50: {  	_ =	shalt  }
0x51: {  	_ =	shalt  }
0x52: {  	_ =	shalt  }
0x53: {  	_ =	shalt  }
0x54: {  	_ =	shalt  }
0x55: {  	_ =	shalt  }
0x56: {  	_ =	shalt  }
0x57: {  	_ =	shalt  }
0x58: {  	_ =	shalt  }
0x59: {  	_ =	shalt  }
0x5a: {  	_ =	shalt  }
0x5b: {  	_ =	shalt  }
0x5c: {  	_ =	shalt  }
0x5d: {  	_ =	shalt  }
0x5e: {  	_ =	shalt  }
0x5f: {  	_ =	shalt  }
0x60: {  	_ =	shalt  }
0x61: {  	_ =	shalt  }
0x62: {  	_ =	shalt  }
0x63: {  	_ =	shalt  }
0x64: {  	_ =	shalt  }
0x65: {  	_ =	shalt  }
0x66: {  	_ =	shalt  }
0x67: {  	_ =	shalt  }
0x68: {  	_ =	shalt  }
0x69: {  	_ =	shalt  }
0x6a: {  	_ =	shalt  }
0x6b: {  	_ =	shalt  }
0x6c: {  	_ =	shalt  }
0x6d: {  	_ =	shalt  }
0x6e: {  	_ =	shalt  }
0x6f: {  	_ =	shalt  }
0x70: {  	_ =	shalt  }
0x71: {  	_ =	shalt  }
0x72: {  	_ =	shalt  }
0x73: {  	_ =	shalt  }
0x74: {  	_ =	shalt  }
0x75: {  	_ =	shalt  }
0x76: {  	_ =	shalt  }
0x77: {  	_ =	shalt  }
0x78: {  	_ =	shalt  }
0x79: {  	_ =	shalt  }
0x7a: {  	_ =	shalt  }
0x7b: {  	_ =	shalt  }
0x7c: {  	_ =	shalt  }
0x7d: {  	_ =	shalt  }
0x7e: {  	_ =	shalt  }
0x7f: {  	_ =	shalt  }
0x80: {  	_ =	shalt  }
0x81: {  	_ =	shalt  }
0x82: {  	_ =	shalt  }
0x83: {  	_ =	shalt  }
0x84: {  	_ =	shalt  }
0x85: {  	_ =	shalt  }
0x86: {  	_ =	shalt  }
0x87: {  	_ =	shalt  }
.Lfunc_end0:
.L_simem_size_0:
called_computation_lowered:
.L_overlay_start_0:
0x88: {  	s2 =	sld [smem:$0x3FD9]  }
0x89: {  	s3 =	sld [smem:$0x3FFE];
	_ =	sdelay $0x1  }
0x8a: {  	s1 =	srdreg.scid  }
0x8b: {  	s0 =	sand.u32 $0x1, s1  }
0x8c: {  	s17 =	sshll.u32 s0, $0xA;
	s2 =	sadd.s32 s3, s2  }
0x8d: {  	s2 =	sadd.s32 s2, s17  }
0x8e: {  	[smem:$0x3FC0] =	sst s2  }
0x8f: {  	_ = 	snop  }
0x90: {  	s18 =	sld [smem:$0x3FD0];
	(tm) =	ssettm $0x1  }
0x91: {  	s19 =	sld [smem:$0x3FFB];
	_ =	sdelay $0x3  }
0x92: {  	_ =	strace s19  }
0x93: {  	s2 =	sld [smem:$0x3FFC];
	_ =	sdelay $0x3  }
0x94: {  	_ =	strace s2  }
0x95: {  	s2 =	sld [smem:$0x3FFD];
	_ =	sdelay $0x3  }
0x96: {  	_ =	strace s2  }
0x97: {  	_ =	strace $0x8FFFFFFF  }
0x98: {  	s20 =	sld [smem:$0x3FDB];
	_ =	sdelay $0x1  }
0x99: {  	s4 =	simm.s32 $_scs_section_size  }
0x9a: {  	s5 =	simm.s32 $_size__tile_overlayer_lowered;
	s6 =	simm.s32 $_tile_overlayer_lowered  }
0x9b: {  	s7 =	simm.s32 $0x1BFF;
	s21 =	sshll.u32 s6, $0x1;
	s4 =	sadd.s32 s4, s20  }
0x9c: {  	s22 =	simm.s32 $0x0;
	s5 =	sshll.u32 s5, $0x1;
	s6 =	sadd.s32 s21, s4  }
0x9d: {  	[timem:s22], [sflag:s7] =	dma.local [hbm:s6], s5  }
0x9e: {  	_ =	swait.ge [sflag:s7], s5  }
0x9f: {  	s5 =	ssub.s32 $0x0, s5;
	[sflag:s7] =	ssyncset.done $0x0  }
0xa0: {  	[sflag:s7] =	ssyncadd.s32 s5;
	_ =	sdelay $0x1  }
0xa1: {  	s23 =	simm.s32 $0x1B8B  }
0xa2: {  	_ =	swait.ge [sflag:s23], $0x1  }
0xa3: {  	[sflag:s23] =	ssyncset.done $0x0  }
0xa4: {  	[sflag:s23] =	ssyncadd.s32 $0xFFFFFFFF  }
0xa5: {  	s5 =	sld [smem:$0x0]  }
0xa6: {  	s6 =	sand.u32 $0xFFFFFFFE, s1  }
0xa7: {  	p0 =	sne.s32 s1, s6  }
0xa8: {  	s6 =	sshll.u32 @p0 s6, $0xE  }
0xa9: {  	s6 =	sadd.s32 @p0 $0x11B8D, s6;
	s7 =	sshll.u32 @p0 s5, $0x11  }
0xaa: {  	s6 =	sor.u32 @p0 s7, s6  }
0xab: {  	[sflag:s6] =	ssyncadd.remote.s32 @p0 $0x1;
	_ =	sdelay $0x1  }
0xac: {  	s6 =	simm.s32 @p0 $0x1B8D  }
0xad: {  	_ =	swait.eq @p0 [sflag:s6], $0x1  }
0xae: {  	[sflag:s6] =	ssyncadd.s32 @p0 $0xFFFFFFFF  }
0xaf: {  	s7 =	sshll.u32 @!p0 s1, $0xE  }
0xb0: {  	s7 =	sor.u32 @!p0 $0x4000, s7;
	s6 =	simm.s32 @!p0 $0x1B8D  }
0xb1: {  	s5 =	sshll.u32 @!p0 s5, $0x11;
	s7 =	sadd.s32 @!p0 $0x11B8D, s7;
	_ =	swait.eq @!p0 [sflag:s6], $0x1  }
0xb2: {  	s5 =	sor.u32 @!p0 s5, s7;
	[sflag:s6] =	ssyncadd.s32 @!p0 $0xFFFFFFFF  }
0xb3: {  	s25 =	simm.s32 $0x1B8E;
	s24 =	sld [smem:$0x3FFE];
	[sflag:s5] =	ssyncadd.remote.s32 @!p0 $0x1  }
0xb4: {  	s26 =	simm.s32 $execute0_lowered;
	[smem:$0x3FD2] =	sst s25  }
0xb5: {  	s6 =	sshll.u32 s26, $0x1;
	_ =	strace $0x8000004F;
	[dreg:$0x1] =	wrdreg $0xFFFFFFFF  }
0xb6: {  	s28 =	simm.s32 $_size_execute0_lowered;
	s4 =	sadd.s32 s4, s6;
	[dreg:$0x0] =	wrdreg $0x0  }
0xb7: {  	s6 =	sshll.u32 s28, $0x1;
	[dreg:$0x2] =	wrdreg s4  }
0xb8: {  	[dreg:$0x3] =	wrdreg s6  }
0xb9: {  	[dreg:$0x4] =	wrdreg $0xC0  }
0xba: {  	_ =	task [dreg:s22], $0x5FFFF  }
0xbb: {  	[dreg:$0x1] =	wrdreg $0xFFFFFFFF  }
0xbc: {  	[dreg:$0x0] =	wrdreg $0x60  }
0xbd: {  	[dreg:$0x2] =	wrdreg s24  }
0xbe: {  	[dreg:$0x3] =	wrdreg s18  }
0xbf: {  	[dreg:$0x4] =	wrdreg $0x9  }
0xc0: {  	_ =	task.clear_ibuf [dreg:s22], $0x5FFFF;
	_ =	strace $0x9000004F  }
0xc1: {  	s29 =	simm.s32 $0x9;
	_ =	strace $0x80000051  }
0xc2: {  	_ =	swait.ge [sflag:s29], $0x1  }
0xc3: {  	[sflag:s29] =	ssyncadd.s32 $0xFFFFFFFF  }
0xc4: {  	_ =	strace $0x90000051  }
0xc5: {  	_ =	sfence  }
0xc6: {  	s30 =	sld [smem:$0x0];
	_ =	sdelay $0x2  }
0xc7: {  	s31 =	sshll.u32 s1, $0xD;
	s1 =	sshrl.u32 s1, $0x2  }
0xc8: {  	s4 =	sand.u32 $0x4000, s31;
	s1 =	sadd.s32 s1, s30  }
0xc9: {  	s0 =	sor.u32 s4, s0;
	s1 =	sshll.u32 s1, $0x11  }
0xca: {  	s0 =	sor.u32 s1, s0  }
0xcb: {  	s0 =	sadd.s32 $0x8F2B, s0  }
0xcc: {  	[sflag:s0] =	ssyncadd.remote.s32 $0x1  }
0xcd: {  	_ =	sfence.sel $0xFFFF  }
0xce: {  	[dreg:$0x0] =	wrdreg $0xFFFFFFFF;
	(pc) =	sbr.abs _section_cstart, $3  }
0xcf: {  	[dreg:$0x1] =	wrdreg $0xFFFFFFFF  }
0xd0: {  	_ =	task.clear_ibuf [dreg:s22], $0x2FFFF;
	_ =	strace $0x9FFFFFFF  }
0xd1: {  	(tm) =	ssettm $0x7FFFFFFF  }
tec
execute0_lowered:
.L_overlay_start_1:
0x0: {  	(tag) =	ssettag $0x1  }
0x1: {  	s1 =	srdreg.scid;
	s0 =	stileid.u32  }
0x2: {  	s10 =	rddreg [dreg:$0x0];
	s26 =	sand.u32 $0x1, s1;
	s31 =	sshll.u32 s0, $0x1  }
0x3: {  	s3 =	rddreg [dreg:$0x1];
	s11 =	sor.u32 s26, s31  }
0x4: {  	s2 =	simm.s32 $0x0;
	s1 =	rddreg [dreg:$0x2];
	s4 =	smul.u32 $0x7D, s11  }
0x5: {  	[smem:$0x7FF] =	sst s2  }
0x6: {  	_ =	strace $0x80000050;
	s3 =	sadd.s32 s3, s4;
	s4 =	simm.s32 $0x9  }
0x7: {  	[tilespmem:s2], [sflag:$0x9] =	stream.linear.gather [hbm4b:s3+s2], $0x3E8, $0x38;
	[tilespmem:$0x19400] =	vst v63  }
0x8: {  	_ =	swait.ge [sflag:s4], $0x3E8  }
0x9: {  	s6 =	simm.s32 $0xC8;
	[sflag:s4] =	ssyncset.done $0x0  }
0xa: {  	s7 =	simm.s32 $0x400;
	s5 =	sadd.s32 $0x4400, s10;
	[sflag:s4] =	ssyncadd.s32 $0xFFFFFC18  }
0xb: {  	[tilespmem:s7], [sflag:$0x1] =	stream.indirect.gather [hbm4b:s5+s6], $0x80, s2, s6, $0xb8;
	[tilespmem:$0x19400] =	vst v63  }
0xc: {  	s8 =	simm.s32 $0x6800;
	s9 =	simm.s32 $0x1  }
0xd: {  	[tilespmem:s8], [sflag:$0x2] =	stream.indirect.gather [hbm4b:s5+s6], $0x80, s6, s6, $0xb8;
	[tilespmem:$0x19400] =	vst v63  }
0xe: {  	s12 =	smul.u32 $0x3E80, s11;
	_ =	swait.ge [sflag:s9], $0x6400  }
0xf: {  	s14 =	sadd.s32 $0x1A4600, s10;
	[sflag:s9] =	ssyncset.done $0x0  }
0x10: {  	s13 =	simm.s32 $0x2;
	s10 =	sadd.s32 s14, s12;
	[sflag:s9] =	ssyncadd.s32 $0xFFFF9C00  }
0x11: {  	[hbm4b:s10+s2] =	stream.linear.scatter [tilespmem:s7], [sflag:$0x5], $0x6400, $0x38;
	[tilespmem:$0x19400] =	vst v63  }
0x12: {  	s15 =	smul.u32 $0x1F400, s11;
	s11 =	simm.s32 $0x190;
	s12 =	simm.s32 $0xCC00  }
0x13: {  	[tilespmem:s12], [sflag:$0x3] =	stream.indirect.gather [hbm4b:s5+s6], $0x80, s11, s6, $0xb8;
	[tilespmem:$0x19400] =	vst v63  }
0x14: {  	s15 =	sshrl.u32 s15, $0x3;
	_ =	swait.ge [sflag:s13], $0x6400  }
0x15: {  	s23 =	sadd.s32 s14, s15;
	[sflag:s13] =	ssyncset.done $0x0  }
0x16: {  	s14 =	sadd.s32 $0xC80, s23;
	[sflag:s13] =	ssyncadd.s32 $0xFFFF9C00  }
0x17: {  	[hbm4b:s14+s2] =	stream.linear.scatter [tilespmem:s8], [sflag:$0x6], $0x6400, $0x38;
	[tilespmem:$0x19400] =	vst v63  }
0x18: {  	s16 =	simm.s32 $0x13000;
	s17 =	simm.s32 $0x3;
	s15 =	simm.s32 $0x258  }
0x19: {  	[tilespmem:s16], [sflag:$0x4] =	stream.indirect.gather [hbm4b:s5+s6], $0x80, s15, s6, $0xb8;
	[tilespmem:$0x19400] =	vst v63  }
0x1a: {  	_ =	swait.ge [sflag:s17], $0x6400  }
0x1b: {  	[sflag:s17] =	ssyncset.done $0x0  }
0x1c: {  	s18 =	simm.s32 $0x5;
	s19 =	sadd.s32 $0x1900, s23;
	[sflag:s17] =	ssyncadd.s32 $0xFFFF9C00  }
0x1d: {  	[hbm4b:s19+s2] =	stream.linear.scatter [tilespmem:s12], [sflag:$0x7], $0x6400, $0x38;
	[tilespmem:$0x19400] =	vst v63  }
0x1e: {  	_ =	swait.ge [sflag:s18], $0x6400  }
0x1f: {  	[sflag:s18] =	ssyncset.done $0x0  }
0x20: {  	s20 =	simm.s32 $0x320;
	s21 =	simm.s32 $0x4;
	[sflag:s18] =	ssyncadd.s32 $0xFFFF9C00  }
0x21: {  	[tilespmem:s7], [sflag:$0x1] =	stream.indirect.gather [hbm4b:s5+s6], $0x80, s20, s6, $0xb8;
	[tilespmem:$0x19400] =	vst v63  }
0x22: {  	_ =	swait.ge [sflag:s21], $0x6400  }
0x23: {  	[sflag:s21] =	ssyncset.done $0x0  }
0x24: {  	s22 =	sadd.s32 $0x2580, s23;
	[sflag:s21] =	ssyncadd.s32 $0xFFFF9C00  }
0x25: {  	[hbm4b:s22+s2] =	stream.linear.scatter [tilespmem:s16], [sflag:$0x8], $0x6400, $0x38;
	[tilespmem:$0x19400] =	vst v63  }
0x26: {  	_ =	swait.ge [sflag:s9], $0x6400  }
0x27: {  	[sflag:s9] =	ssyncset.done $0x0  }
0x28: {  	s24 =	simm.s32 $0x6;
	s23 =	sadd.s32 $0x3200, s23;
	[sflag:s9] =	ssyncadd.s32 $0xFFFF9C00  }
0x29: {  	[hbm4b:s23+s2] =	stream.linear.scatter [tilespmem:s7], [sflag:$0x5], $0x6400, $0x38;
	[tilespmem:$0x19400] =	vst v63  }
0x2a: {  	_ =	swait.ge [sflag:s24], $0x6400  }
0x2b: {  	s28 =	ssub.s32 $0x2, s26;
	[sflag:s24] =	ssyncset.done $0x0  }
0x2c: {  	s25 =	simm.s32 $0x7;
	s29 =	sshrl.u32 s28, $0x1;
	[sflag:s24] =	ssyncadd.s32 $0xFFFF9C00  }
0x2d: {  	s28 =	ssub.s32 s28, s29;
	_ =	swait.ge [sflag:s25], $0x6400  }
0x2e: {  	s28 =	smax.u32 s28, $0x1;
	[sflag:s25] =	ssyncset.done $0x0  }
0x2f: {  	s26 =	simm.s32 $0x8;
	p0 =	sne.s32 s28, $0x1;
	[sflag:s25] =	ssyncadd.s32 $0xFFFF9C00  }
.Ltmp0:
0x30: {  	_ =	swait.ge [sflag:s26], $0x6400;
	(pc) =	sbr.rel @!p0 .LBB2_2-.Ltmp0, $4  }
0x31: {  	[sflag:s26] =	ssyncset.done $0x0  }
0x32: {  	[sflag:s26] =	ssyncadd.s32 $0xFFFF9C00  }
0x33: {  	_ =	swait.ge [sflag:s18], $0x6400  }
0x34: {  	s28 =	sadd.s32 $0xFFFFFFFF, s28;
	[sflag:s18] =	ssyncset.done $0x0  }
.LBB2_1:
0x35: {  	p0 =	sne.s32 s28, $0x1;
	s28 =	sadd.s32 $0xFFFFFFFF, s28;
	[sflag:s18] =	ssyncadd.s32 $0xFFFF9C00  }
0x36: {  	[tilespmem:s2], [sflag:$0x9] =	stream.linear.gather [hbm4b:s3+s2], $0x3E8, $0x38;
	[tilespmem:$0x19400] =	vst v63  }
0x37: {  	_ =	swait.ge [sflag:s4], $0x3E8  }
0x38: {  	[sflag:s4] =	ssyncset.done $0x0  }
0x39: {  	[sflag:s4] =	ssyncadd.s32 $0xFFFFFC18  }
0x3a: {  	[tilespmem:s7], [sflag:$0x1] =	stream.indirect.gather [hbm4b:s5+s6], $0x80, s2, s6, $0xb8;
	[tilespmem:$0x19400] =	vst v63  }
0x3b: {  	_ = 	snop  }
0x3c: {  	[tilespmem:s8], [sflag:$0x2] =	stream.indirect.gather [hbm4b:s5+s6], $0x80, s6, s6, $0xb8;
	[tilespmem:$0x19400] =	vst v63  }
0x3d: {  	_ =	swait.ge [sflag:s9], $0x6400  }
0x3e: {  	[sflag:s9] =	ssyncset.done $0x0  }
0x3f: {  	[sflag:s9] =	ssyncadd.s32 $0xFFFF9C00  }
0x40: {  	[hbm4b:s10+s2] =	stream.linear.scatter [tilespmem:s7], [sflag:$0x5], $0x6400, $0x38;
	[tilespmem:$0x19400] =	vst v63  }
0x41: {  	_ = 	snop  }
0x42: {  	[tilespmem:s12], [sflag:$0x3] =	stream.indirect.gather [hbm4b:s5+s6], $0x80, s11, s6, $0xb8;
	[tilespmem:$0x19400] =	vst v63  }
0x43: {  	_ =	swait.ge [sflag:s13], $0x6400  }
0x44: {  	[sflag:s13] =	ssyncset.done $0x0  }
0x45: {  	[sflag:s13] =	ssyncadd.s32 $0xFFFF9C00  }
0x46: {  	[hbm4b:s14+s2] =	stream.linear.scatter [tilespmem:s8], [sflag:$0x6], $0x6400, $0x38;
	[tilespmem:$0x19400] =	vst v63  }
0x47: {  	_ = 	snop  }
0x48: {  	[tilespmem:s16], [sflag:$0x4] =	stream.indirect.gather [hbm4b:s5+s6], $0x80, s15, s6, $0xb8;
	[tilespmem:$0x19400] =	vst v63  }
0x49: {  	_ =	swait.ge [sflag:s17], $0x6400  }
0x4a: {  	[sflag:s17] =	ssyncset.done $0x0  }
0x4b: {  	[sflag:s17] =	ssyncadd.s32 $0xFFFF9C00  }
0x4c: {  	[hbm4b:s19+s2] =	stream.linear.scatter [tilespmem:s12], [sflag:$0x7], $0x6400, $0x38;
	[tilespmem:$0x19400] =	vst v63  }
0x4d: {  	_ =	swait.ge [sflag:s18], $0x6400  }
0x4e: {  	[sflag:s18] =	ssyncset.done $0x0  }
0x4f: {  	[sflag:s18] =	ssyncadd.s32 $0xFFFF9C00  }
0x50: {  	[tilespmem:s7], [sflag:$0x1] =	stream.indirect.gather [hbm4b:s5+s6], $0x80, s20, s6, $0xb8;
	[tilespmem:$0x19400] =	vst v63  }
0x51: {  	_ =	swait.ge [sflag:s21], $0x6400  }
0x52: {  	[sflag:s21] =	ssyncset.done $0x0  }
0x53: {  	[sflag:s21] =	ssyncadd.s32 $0xFFFF9C00  }
0x54: {  	[hbm4b:s22+s2] =	stream.linear.scatter [tilespmem:s16], [sflag:$0x8], $0x6400, $0x38;
	[tilespmem:$0x19400] =	vst v63  }
0x55: {  	_ =	swait.ge [sflag:s9], $0x6400  }
0x56: {  	[sflag:s9] =	ssyncset.done $0x0  }
0x57: {  	[sflag:s9] =	ssyncadd.s32 $0xFFFF9C00  }
0x58: {  	[hbm4b:s23+s2] =	stream.linear.scatter [tilespmem:s7], [sflag:$0x5], $0x6400, $0x38;
	[tilespmem:$0x19400] =	vst v63  }
0x59: {  	_ =	swait.ge [sflag:s24], $0x6400  }
0x5a: {  	[sflag:s24] =	ssyncset.done $0x0  }
0x5b: {  	[sflag:s24] =	ssyncadd.s32 $0xFFFF9C00  }
0x5c: {  	_ =	swait.ge [sflag:s25], $0x6400  }
0x5d: {  	[sflag:s25] =	ssyncset.done $0x0  }
0x5e: {  	[sflag:s25] =	ssyncadd.s32 $0xFFFF9C00  }
.Ltmp1:
0x5f: {  	_ =	swait.ge [sflag:s26], $0x6400;
	(pc) =	sbr.rel @p0 .LBB2_1-.Ltmp1, $4  }
0x60: {  	[sflag:s26] =	ssyncset.done $0x0  }
0x61: {  	[sflag:s26] =	ssyncadd.s32 $0xFFFF9C00  }
0x62: {  	_ =	swait.ge [sflag:s18], $0x6400  }
0x63: {  	[sflag:s18] =	ssyncset.done $0x0  }
.LBB2_2:
0x64: {  	[sflag:s18] =	ssyncadd.s32 $0xFFFF9C00  }
0x65: {  	_ =	sfence.sel $0x180000  }
0x66: {  	[bflag:$0x0] =	sbarrier.arrive $0xFFFF  }
0x67: {  	p0 =	sne.s32 s0, $0x0;
	_ =	strace $0x90000050  }
0x68: {  	s0 =	sadd.s32 @!p0 $0x100000, s1;
	[bflag:$0x2] =	sbarrier.arrive $0xFFFF  }
0x69: {  	[sflag:s0] =	ssyncadd.tile.s32 @!p0 $0x1;
	_ =	shalt  }
.Lfunc_end2:
_tile_overlayer_lowered:
.L_overlay_start_2:
0x6a: {  	(tag) =	ssettag $0x2  }
0x6b: {  	s0 =	rddreg [dreg:$0x0];
	s2 =	stileid.u32  }
0x6c: {  	s1 =	rddreg [dreg:$0x1];
	p0 =	sne.s32 s2, $0x0  }
0x6d: {  	s3 =	rddreg [dreg:$0x2];
	[bflag:$0x3] =	sbarrier.arrive $0xFFFF;
	s2 =	simm.s32 @!p0 $0x1C09  }
0x6e: {  	[timem:s3], [sflag:s2] =	dma.local @!p0 [hbm:s0], s1  }
0x6f: {  	s0 =	simm.s32 @!p0 $0x9  }
0x70: {  	_ =	swait.ge @!p0 [sflag:s0], s1  }
0x71: {  	s1 =	ssub.s32 @!p0 $0x0, s1;
	[sflag:s0] =	ssyncset.done @!p0 $0x0  }
0x72: {  	[sflag:s0] =	ssyncadd.s32 @!p0 s1  }
0x73: {  	[bflag:$0x3] =	sbarrier.arrive $0xFFFF  }
0x74: {  	_ =	shalt  }

// kernel: kernel.16.cloned.1.call-start
scs
__scs_entry_jumppad:
0x0: {  	(pc) =	sbr.rel $0x88, $3  }
0x1: {  	(tag) =	ssettag $0x0;
	lr =	simm.s32 $0x1  }
0x2: {  	[smem:$0x3F99] =	sst lr;
	_ =	strace $0xD0000000  }
0x3: {  	_ = 	snop  }
0x4: {  	_ = 	snop  }
0x5: {  	_ = 	snop  }
0x6: {  	_ = 	snop  }
0x7: {  	_ = 	snop  }
__scs_overlays_trampoline_lowered:
0x8: {  	[smem:$0x3FA8] =	sst s0  }
0x9: {  	[smem:$0x3FA9] =	sst s1  }
0xa: {  	[smem:$0x3FAA] =	sst s2  }
0xb: {  	[smem:$0x3FAB] =	sst s3  }
0xc: {  	[smem:$0x3FAC] =	sst s4  }
0xd: {  	[smem:$0x3FAD] =	sst s5  }
0xe: {  	[smem:$0x3FAE] =	sst s6  }
0xf: {  	[smem:$0x3FAF] =	sst s7  }
0x10: {  	[smem:$0x3FB0] =	sst s8  }
0x11: {  	[smem:$0x3FB1] =	sst s9;
	s0 =	simm.s32 @!p0 $0x0  }
0x12: {  	s1 =	sld [smem:$0x3F97];
	s0 =	simm.s32 @p0 $0x1  }
0x13: {  	[smem:$0x3FB2] =	sst s0;
	s0 =	simm.s32 @!p1 $0x0  }
0x14: {  	s2 =	sld [smem:$0x3F96];
	s0 =	simm.s32 @p1 $0x1  }
0x15: {  	[smem:$0x3FB3] =	sst s0;
	s0 =	simm.s32 @!p2 $0x0  }
0x16: {  	s3 =	sld [smem:$0x3FDB];
	s0 =	simm.s32 @p2 $0x1  }
0x17: {  	s4 =	simm.s32 $0x1BF5;
	[smem:$0x3FB5] =	sst s0  }
0x18: {  	s0 =	sld [smem:$0x3F98];
	_ =	swait.ge [sflag:s4], $0x0  }
0x19: {  	s7 =	sld [smem:$0x3F99]  }
0x1a: {  	s8 =	sadd.s32 $0xFFFFE003, lr  }
0x1b: {  	s9 =	sadd.s32 $0xFFFFFEF7, lr;
	s5 =	simm.s32 $0xFFFFFFFF;
	p2 =	slt.u32 s8, $0xFFFFF086  }
0x1c: {  	p1 =	slt.u32 s9, $0xF7A;
	s5 =	simm.s32 @!p2 $0x0  }
0x1d: {  	s5 =	simm.s32 @p1 $0x1;
	p0 =	seq.s32 s7, s2  }
0x1e: {  	s7 =	smul.u32 @!p0 $0xF7A, s2;
	p2 =	seq.s32 @!p0 s5, $0x0  }
0x1f: {  	s9 =	smul.u32 $0xF7A, s1;
	s8 =	simm.s32 @!p0 $0x1BF5;
	p2 =	por !p2, p0  }
0x20: {  	[sflag:s8] =	ssyncset.s32 @!p0 $0xFFFFF086;
	s6 =	sadd.s32 @!p0 s3, s7;
	s7 =	simm.s32 @!p0 $0x108  }
0x21: {  	s3 =	sadd.s32 s3, s9;
	s6 =	sadd.s32 @!p0 $0x88, s6;
	s7 =	simm.s32 @p2 $0x1082  }
0x22: {  	[simem:s7], [sflag:s8] =	dma.local @!p0 [hbm:s6], $0xF7A  }
0x23: {  	s9 =	sor.u32 $0xD0000000, s2;
	s6 =	simm.s32 $0x108;
	_ =	swait.ge @!p0 [sflag:s8], $0x0  }
0x24: {  	s3 =	sadd.s32 $0x88, s3;
	s6 =	simm.s32 @!p1 $0x1082;
	[sflag:s4] =	ssyncset.s32 $0xFFFFF086  }
0x25: {  	[simem:s6], [sflag:s4] =	dma.local [hbm:s3], $0xF7A  }
0x26: {  	[smem:$0x3F99] =	sst s1;
	(tag) =	ssettag s2;
	_ =	strace s9  }
0x27: {  	s1 =	sld [smem:$0x3FA9]  }
0x28: {  	s2 =	sld [smem:$0x3FAA]  }
0x29: {  	s4 =	sld [smem:$0x3FAC]  }
0x2a: {  	p0 =	seq.s32 s5, $0x0;
	s5 =	sld [smem:$0x3FAD]  }
0x2b: {  	s6 =	sld [smem:$0x3FAE]  }
0x2c: {  	s7 =	sld [smem:$0x3FAF]  }
0x2d: {  	s3 =	simm.s32 $0x108;
	s8 =	sld [smem:$0x3FB0]  }
0x2e: {  	s3 =	simm.s32 @!p0 $0x1082;
	s9 =	sld [smem:$0x3FB1]  }
0x2f: {  	lr =	sadd.s32 s0, s3;
	s0 =	sld [smem:$0x3FA8]  }
0x30: {  	s3 =	sld [smem:$0x3FAB]  }
0x31: {  	[smem:$0x3FB4] =	sst s10  }
0x32: {  	s10 =	sld [smem:$0x3FB2];
	_ =	sdelay $0x3  }
0x33: {  	p0 =	seq.s32 s10, $0x1;
	s10 =	sld [smem:$0x3FB4];
	_ =	sdelay $0x3  }
0x34: {  	[smem:$0x3FB4] =	sst s10  }
0x35: {  	s10 =	sld [smem:$0x3FB3];
	_ =	sdelay $0x3  }
0x36: {  	p1 =	seq.s32 s10, $0x1;
	s10 =	sld [smem:$0x3FB4];
	_ =	sdelay $0x3  }
0x37: {  	[smem:$0x3FB4] =	sst s10  }
0x38: {  	s10 =	sld [smem:$0x3FB5]  }
0x39: {  	_ = 	snop;
	(pc) =	sbr.ind lr, $3  }
0x3a: {  	_ = 	snop  }
0x3b: {  	_ = 	snop  }
0x3c: {  	p2 =	seq.s32 s10, $0x1;
	s10 =	sld [smem:$0x3FB4]  }
0x3d: {  	_ =	shalt  }
0x3e: {  	_ =	shalt  }
0x3f: {  	_ =	shalt  }
0x40: {  	_ =	shalt  }
0x41: {  	_ =	shalt  }
0x42: {  	_ =	shalt  }
0x43: {  	_ =	shalt  }
0x44: {  	_ =	shalt  }
0x45: {  	_ =	shalt  }
0x46: {  	_ =	shalt  }
0x47: {  	_ =	shalt  }
0x48: {  	_ =	shalt  }
0x49: {  	_ =	shalt  }
0x4a: {  	_ =	shalt  }
0x4b: {  	_ =	shalt  }
0x4c: {  	_ =	shalt  }
0x4d: {  	_ =	shalt  }
0x4e: {  	_ =	shalt  }
0x4f: {  	_ =	shalt  }
0x50: {  	_ =	shalt  }
0x51: {  	_ =	shalt  }
0x52: {  	_ =	shalt  }
0x53: {  	_ =	shalt  }
0x54: {  	_ =	shalt  }
0x55: {  	_ =	shalt  }
0x56: {  	_ =	shalt  }
0x57: {  	_ =	shalt  }
0x58: {  	_ =	shalt  }
0x59: {  	_ =	shalt  }
0x5a: {  	_ =	shalt  }
0x5b: {  	_ =	shalt  }
0x5c: {  	_ =	shalt  }
0x5d: {  	_ =	shalt  }
0x5e: {  	_ =	shalt  }
0x5f: {  	_ =	shalt  }
0x60: {  	_ =	shalt  }
0x61: {  	_ =	shalt  }
0x62: {  	_ =	shalt  }
0x63: {  	_ =	shalt  }
0x64: {  	_ =	shalt  }
0x65: {  	_ =	shalt  }
0x66: {  	_ =	shalt  }
0x67: {  	_ =	shalt  }
0x68: {  	_ =	shalt  }
0x69: {  	_ =	shalt  }
0x6a: {  	_ =	shalt  }
0x6b: {  	_ =	shalt  }
0x6c: {  	_ =	shalt  }
0x6d: {  	_ =	shalt  }
0x6e: {  	_ =	shalt  }
0x6f: {  	_ =	shalt  }
0x70: {  	_ =	shalt  }
0x71: {  	_ =	shalt  }
0x72: {  	_ =	shalt  }
0x73: {  	_ =	shalt  }
0x74: {  	_ =	shalt  }
0x75: {  	_ =	shalt  }
0x76: {  	_ =	shalt  }
0x77: {  	_ =	shalt  }
0x78: {  	_ =	shalt  }
0x79: {  	_ =	shalt  }
0x7a: {  	_ =	shalt  }
0x7b: {  	_ =	shalt  }
0x7c: {  	_ =	shalt  }
0x7d: {  	_ =	shalt  }
0x7e: {  	_ =	shalt  }
0x7f: {  	_ =	shalt  }
0x80: {  	_ =	shalt  }
0x81: {  	_ =	shalt  }
0x82: {  	_ =	shalt  }
0x83: {  	_ =	shalt  }
0x84: {  	_ =	shalt  }
0x85: {  	_ =	shalt  }
0x86: {  	_ =	shalt  }
0x87: {  	_ =	shalt  }
.Lfunc_end0:
.L_simem_size_0:
called_computation.1_lowered:
.L_overlay_start_0:
0x88: {  	s2 =	sld [smem:$0x3FD9]  }
0x89: {  	s3 =	sld [smem:$0x3FFE];
	_ =	sdelay $0x1  }
0x8a: {  	s1 =	srdreg.scid  }
0x8b: {  	s0 =	sand.u32 $0x1, s1  }
0x8c: {  	s17 =	sshll.u32 s0, $0xA;
	s2 =	sadd.s32 s3, s2  }
0x8d: {  	s2 =	sadd.s32 s2, s17  }
0x8e: {  	[smem:$0x3FC0] =	sst s2  }
0x8f: {  	_ = 	snop  }
0x90: {  	(tm) =	ssettm $0x1  }
0x91: {  	s18 =	sld [smem:$0x3FFB];
	_ =	sdelay $0x3  }
0x92: {  	_ =	strace s18  }
0x93: {  	s2 =	sld [smem:$0x3FFC];
	_ =	sdelay $0x3  }
0x94: {  	_ =	strace s2  }
0x95: {  	s2 =	sld [smem:$0x3FFD];
	_ =	sdelay $0x3  }
0x96: {  	_ =	strace s2  }
0x97: {  	_ =	strace $0x8FFFFFFF  }
0x98: {  	s19 =	sld [smem:$0x3FDB];
	_ =	sdelay $0x1  }
0x99: {  	s20 =	simm.s32 $_scs_section_size  }
0x9a: {  	s4 =	simm.s32 $_size__tile_overlayer_lowered;
	s5 =	simm.s32 $_tile_overlayer_lowered  }
0x9b: {  	s6 =	simm.s32 $0x1BFF;
	s21 =	sshll.u32 s5, $0x1;
	s3 =	sadd.s32 s20, s19  }
0x9c: {  	s22 =	simm.s32 $0x0;
	s4 =	sshll.u32 s4, $0x1;
	s5 =	sadd.s32 s21, s3  }
0x9d: {  	[timem:s22], [sflag:s6] =	dma.local [hbm:s5], s4  }
0x9e: {  	_ =	swait.ge [sflag:s6], s4  }
0x9f: {  	s4 =	ssub.s32 $0x0, s4;
	[sflag:s6] =	ssyncset.done $0x0  }
0xa0: {  	[sflag:s6] =	ssyncadd.s32 s4;
	_ =	sdelay $0x1  }
0xa1: {  	s23 =	simm.s32 $0x1B8B  }
0xa2: {  	_ =	swait.ge [sflag:s23], $0x1  }
0xa3: {  	[sflag:s23] =	ssyncset.done $0x0  }
0xa4: {  	[sflag:s23] =	ssyncadd.s32 $0xFFFFFFFF  }
0xa5: {  	s4 =	sld [smem:$0x0]  }
0xa6: {  	s5 =	sand.u32 $0xFFFFFFFE, s1  }
0xa7: {  	p0 =	sne.s32 s1, s5  }
0xa8: {  	s5 =	sshll.u32 @p0 s5, $0xE  }
0xa9: {  	s5 =	sadd.s32 @p0 $0x11B8D, s5;
	s6 =	sshll.u32 @p0 s4, $0x11  }
0xaa: {  	s5 =	sor.u32 @p0 s6, s5  }
0xab: {  	[sflag:s5] =	ssyncadd.remote.s32 @p0 $0x1;
	_ =	sdelay $0x1  }
0xac: {  	s5 =	simm.s32 @p0 $0x1B8D  }
0xad: {  	_ =	swait.eq @p0 [sflag:s5], $0x1  }
0xae: {  	[sflag:s5] =	ssyncadd.s32 @p0 $0xFFFFFFFF  }
0xaf: {  	s6 =	sshll.u32 @!p0 s1, $0xE  }
0xb0: {  	s6 =	sor.u32 @!p0 $0x4000, s6;
	s5 =	simm.s32 @!p0 $0x1B8D  }
0xb1: {  	s4 =	sshll.u32 @!p0 s4, $0x11;
	s6 =	sadd.s32 @!p0 $0x11B8D, s6;
	_ =	swait.eq @!p0 [sflag:s5], $0x1  }
0xb2: {  	s4 =	sor.u32 @!p0 s4, s6;
	[sflag:s5] =	ssyncadd.s32 @!p0 $0xFFFFFFFF  }
0xb3: {  	s25 =	simm.s32 $0x1B8E;
	s24 =	sld [smem:$0x3FFE];
	[sflag:s4] =	ssyncadd.remote.s32 @!p0 $0x1  }
0xb4: {  	s26 =	simm.s32 $execute0_lowered;
	[smem:$0x3FD2] =	sst s25  }
0xb5: {  	s5 =	sshll.u32 s26, $0x1;
	_ =	strace $0x80000052;
	[dreg:$0x1] =	wrdreg $0xFFFFFFFF  }
0xb6: {  	s28 =	simm.s32 $_size_execute0_lowered;
	s3 =	sadd.s32 s3, s5;
	[dreg:$0x0] =	wrdreg $0x0  }
0xb7: {  	s5 =	sshll.u32 s28, $0x1;
	[dreg:$0x2] =	wrdreg s3  }
0xb8: {  	[dreg:$0x3] =	wrdreg s5  }
0xb9: {  	[dreg:$0x4] =	wrdreg $0xC0  }
0xba: {  	_ =	task [dreg:s22], $0x5FFFF  }
0xbb: {  	[dreg:$0x1] =	wrdreg $0xFFFFFFFF  }
0xbc: {  	[dreg:$0x0] =	wrdreg $0x60  }
0xbd: {  	[dreg:$0x2] =	wrdreg s24  }
0xbe: {  	[dreg:$0x3] =	wrdreg $0xA  }
0xbf: {  	_ =	task.clear_ibuf [dreg:s22], $0x4FFFF;
	_ =	strace $0x90000052  }
0xc0: {  	s29 =	simm.s32 $0xA;
	_ =	strace $0x80000054  }
0xc1: {  	_ =	swait.ge [sflag:s29], $0x1  }
0xc2: {  	[sflag:s29] =	ssyncadd.s32 $0xFFFFFFFF  }
0xc3: {  	_ =	strace $0x90000054  }
0xc4: {  	_ =	sfence  }
0xc5: {  	s30 =	sld [smem:$0x0];
	_ =	sdelay $0x2  }
0xc6: {  	s31 =	sshll.u32 s1, $0xD;
	s1 =	sshrl.u32 s1, $0x2  }
0xc7: {  	s4 =	sand.u32 $0x4000, s31;
	s1 =	sadd.s32 s1, s30  }
0xc8: {  	s0 =	sor.u32 s4, s0;
	s1 =	sshll.u32 s1, $0x11  }
0xc9: {  	s0 =	sor.u32 s1, s0  }
0xca: {  	s0 =	sadd.s32 $0x8F2B, s0  }
0xcb: {  	[sflag:s0] =	ssyncadd.remote.s32 $0x1  }
0xcc: {  	_ =	sfence.sel $0xFFFF  }
0xcd: {  	[dreg:$0x0] =	wrdreg $0xFFFFFFFF;
	(pc) =	sbr.abs _section_cstart, $3  }
0xce: {  	[dreg:$0x1] =	wrdreg $0xFFFFFFFF  }
0xcf: {  	_ =	task.clear_ibuf [dreg:s22], $0x2FFFF;
	_ =	strace $0x9FFFFFFF  }
0xd0: {  	(tm) =	ssettm $0x7FFFFFFF  }
0xd1: {  	_ =	shalt  }
tec
execute0_lowered:
.L_overlay_start_1:
0x0: {  	(tag) =	ssettag $0x1  }
0x1: {  	s1 =	srdreg.scid;
	s0 =	stileid.u32  }
0x2: {  	s26 =	sand.u32 $0x1, s1;
	s31 =	sshll.u32 s0, $0x1  }
0x3: {  	s11 =	sor.u32 s26, s31  }
0x4: {  	s3 =	smul.u32 $0x7D, s11  }
0x5: {  	s10 =	rddreg [dreg:$0x0];
	s2 =	simm.s32 $0x0  }
0x6: {  	s4 =	simm.s32 $0x9;
	[smem:$0x7FF] =	sst s2;
	s3 =	sadd.s32 s3, s10  }
0x7: {  	s1 =	rddreg [dreg:$0x1];
	_ =	strace $0x80000053;
	s3 =	sadd.s32 $0x221600, s3  }
0x8: {  	[tilespmem:s2], [sflag:$0x9] =	stream.linear.gather [hbm4b:s3+s2], $0x3E8, $0x38;
	[tilespmem:$0x19400] =	vst v63  }
0x9: {  	_ =	swait.ge [sflag:s4], $0x3E8  }
0xa: {  	s6 =	simm.s32 $0xC8;
	[sflag:s4] =	ssyncset.done $0x0  }
0xb: {  	s7 =	simm.s32 $0x400;
	s5 =	sadd.s32 $0x4400, s10;
	[sflag:s4] =	ssyncadd.s32 $0xFFFFFC18  }
0xc: {  	[tilespmem:s7], [sflag:$0x1] =	stream.indirect.gather [hbm4b:s5+s6], $0x80, s2, s6, $0xb8;
	[tilespmem:$0x19400] =	vst v63  }
0xd: {  	s8 =	simm.s32 $0x6800;
	s9 =	simm.s32 $0x1  }
0xe: {  	[tilespmem:s8], [sflag:$0x2] =	stream.indirect.gather [hbm4b:s5+s6], $0x80, s6, s6, $0xb8;
	[tilespmem:$0x19400] =	vst v63  }
0xf: {  	s12 =	smul.u32 $0x3E80, s11;
	_ =	swait.ge [sflag:s9], $0x6400  }
0x10: {  	s14 =	sadd.s32 $0x222600, s10;
	[sflag:s9] =	ssyncset.done $0x0  }
0x11: {  	s13 =	simm.s32 $0x2;
	s10 =	sadd.s32 s14, s12;
	[sflag:s9] =	ssyncadd.s32 $0xFFFF9C00  }
0x12: {  	[hbm4b:s10+s2] =	stream.linear.scatter [tilespmem:s7], [sflag:$0x5], $0x6400, $0x38;
	[tilespmem:$0x19400] =	vst v63  }
0x13: {  	s15 =	smul.u32 $0x1F400, s11;
	s11 =	simm.s32 $0x190;
	s12 =	simm.s32 $0xCC00  }
0x14: {  	[tilespmem:s12], [sflag:$0x3] =	stream.indirect.gather [hbm4b:s5+s6], $0x80, s11, s6, $0xb8;
	[tilespmem:$0x19400] =	vst v63  }
0x15: {  	s15 =	sshrl.u32 s15, $0x3;
	_ =	swait.ge [sflag:s13], $0x6400  }
0x16: {  	s23 =	sadd.s32 s14, s15;
	[sflag:s13] =	ssyncset.done $0x0  }
0x17: {  	s14 =	sadd.s32 $0xC80, s23;
	[sflag:s13] =	ssyncadd.s32 $0xFFFF9C00  }
0x18: {  	[hbm4b:s14+s2] =	stream.linear.scatter [tilespmem:s8], [sflag:$0x6], $0x6400, $0x38;
	[tilespmem:$0x19400] =	vst v63  }
0x19: {  	s16 =	simm.s32 $0x13000;
	s17 =	simm.s32 $0x3;
	s15 =	simm.s32 $0x258  }
0x1a: {  	[tilespmem:s16], [sflag:$0x4] =	stream.indirect.gather [hbm4b:s5+s6], $0x80, s15, s6, $0xb8;
	[tilespmem:$0x19400] =	vst v63  }
0x1b: {  	_ =	swait.ge [sflag:s17], $0x6400  }
0x1c: {  	[sflag:s17] =	ssyncset.done $0x0  }
0x1d: {  	s18 =	simm.s32 $0x5;
	s19 =	sadd.s32 $0x1900, s23;
	[sflag:s17] =	ssyncadd.s32 $0xFFFF9C00  }
0x1e: {  	[hbm4b:s19+s2] =	stream.linear.scatter [tilespmem:s12], [sflag:$0x7], $0x6400, $0x38;
	[tilespmem:$0x19400] =	vst v63  }
0x1f: {  	_ =	swait.ge [sflag:s18], $0x6400  }
0x20: {  	[sflag:s18] =	ssyncset.done $0x0  }
0x21: {  	s20 =	simm.s32 $0x320;
	s21 =	simm.s32 $0x4;
	[sflag:s18] =	ssyncadd.s32 $0xFFFF9C00  }
0x22: {  	[tilespmem:s7], [sflag:$0x1] =	stream.indirect.gather [hbm4b:s5+s6], $0x80, s20, s6, $0xb8;
	[tilespmem:$0x19400] =	vst v63  }
0x23: {  	_ =	swait.ge [sflag:s21], $0x6400  }
0x24: {  	[sflag:s21] =	ssyncset.done $0x0  }
0x25: {  	s22 =	sadd.s32 $0x2580, s23;
	[sflag:s21] =	ssyncadd.s32 $0xFFFF9C00  }
0x26: {  	[hbm4b:s22+s2] =	stream.linear.scatter [tilespmem:s16], [sflag:$0x8], $0x6400, $0x38;
	[tilespmem:$0x19400] =	vst v63  }
0x27: {  	_ =	swait.ge [sflag:s9], $0x6400  }
0x28: {  	[sflag:s9] =	ssyncset.done $0x0  }
0x29: {  	s24 =	simm.s32 $0x6;
	s23 =	sadd.s32 $0x3200, s23;
	[sflag:s9] =	ssyncadd.s32 $0xFFFF9C00  }
0x2a: {  	[hbm4b:s23+s2] =	stream.linear.scatter [tilespmem:s7], [sflag:$0x5], $0x6400, $0x38;
	[tilespmem:$0x19400] =	vst v63  }
0x2b: {  	_ =	swait.ge [sflag:s24], $0x6400  }
0x2c: {  	s28 =	ssub.s32 $0x2, s26;
	[sflag:s24] =	ssyncset.done $0x0  }
0x2d: {  	s25 =	simm.s32 $0x7;
	s29 =	sshrl.u32 s28, $0x1;
	[sflag:s24] =	ssyncadd.s32 $0xFFFF9C00  }
0x2e: {  	s28 =	ssub.s32 s28, s29;
	_ =	swait.ge [sflag:s25], $0x6400  }
0x2f: {  	s28 =	smax.u32 s28, $0x1;
	[sflag:s25] =	ssyncset.done $0x0  }
0x30: {  	s26 =	simm.s32 $0x8;
	p0 =	sne.s32 s28, $0x1;
	[sflag:s25] =	ssyncadd.s32 $0xFFFF9C00  }
.Ltmp0:
0x31: {  	_ =	swait.ge [sflag:s26], $0x6400;
	(pc) =	sbr.rel @!p0 .LBB2_2-.Ltmp0, $4  }
0x32: {  	[sflag:s26] =	ssyncset.done $0x0  }
0x33: {  	[sflag:s26] =	ssyncadd.s32 $0xFFFF9C00  }
0x34: {  	_ =	swait.ge [sflag:s18], $0x6400  }
0x35: {  	s28 =	sadd.s32 $0xFFFFFFFF, s28;
	[sflag:s18] =	ssyncset.done $0x0  }
.LBB2_1:
0x36: {  	p0 =	sne.s32 s28, $0x1;
	s28 =	sadd.s32 $0xFFFFFFFF, s28;
	[sflag:s18] =	ssyncadd.s32 $0xFFFF9C00  }
0x37: {  	[tilespmem:s2], [sflag:$0x9] =	stream.linear.gather [hbm4b:s3+s2], $0x3E8, $0x38;
	[tilespmem:$0x19400] =	vst v63  }
0x38: {  	_ =	swait.ge [sflag:s4], $0x3E8  }
0x39: {  	[sflag:s4] =	ssyncset.done $0x0  }
0x3a: {  	[sflag:s4] =	ssyncadd.s32 $0xFFFFFC18  }
0x3b: {  	[tilespmem:s7], [sflag:$0x1] =	stream.indirect.gather [hbm4b:s5+s6], $0x80, s2, s6, $0xb8;
	[tilespmem:$0x19400] =	vst v63  }
0x3c: {  	_ = 	snop  }
0x3d: {  	[tilespmem:s8], [sflag:$0x2] =	stream.indirect.gather [hbm4b:s5+s6], $0x80, s6, s6, $0xb8;
	[tilespmem:$0x19400] =	vst v63  }
0x3e: {  	_ =	swait.ge [sflag:s9], $0x6400  }
0x3f: {  	[sflag:s9] =	ssyncset.done $0x0  }
0x40: {  	[sflag:s9] =	ssyncadd.s32 $0xFFFF9C00  }
0x41: {  	[hbm4b:s10+s2] =	stream.linear.scatter [tilespmem:s7], [sflag:$0x5], $0x6400, $0x38;
	[tilespmem:$0x19400] =	vst v63  }
0x42: {  	_ = 	snop  }
0x43: {  	[tilespmem:s12], [sflag:$0x3] =	stream.indirect.gather [hbm4b:s5+s6], $0x80, s11, s6, $0xb8;
	[tilespmem:$0x19400] =	vst v63  }
0x44: {  	_ =	swait.ge [sflag:s13], $0x6400  }
0x45: {  	[sflag:s13] =	ssyncset.done $0x0  }
0x46: {  	[sflag:s13] =	ssyncadd.s32 $0xFFFF9C00  }
0x47: {  	[hbm4b:s14+s2] =	stream.linear.scatter [tilespmem:s8], [sflag:$0x6], $0x6400, $0x38;
	[tilespmem:$0x19400] =	vst v63  }
0x48: {  	_ = 	snop  }
0x49: {  	[tilespmem:s16], [sflag:$0x4] =	stream.indirect.gather [hbm4b:s5+s6], $0x80, s15, s6, $0xb8;
	[tilespmem:$0x19400] =	vst v63  }
0x4a: {  	_ =	swait.ge [sflag:s17], $0x6400  }
0x4b: {  	[sflag:s17] =	ssyncset.done $0x0  }
0x4c: {  	[sflag:s17] =	ssyncadd.s32 $0xFFFF9C00  }
0x4d: {  	[hbm4b:s19+s2] =	stream.linear.scatter [tilespmem:s12], [sflag:$0x7], $0x6400, $0x38;
	[tilespmem:$0x19400] =	vst v63  }
0x4e: {  	_ =	swait.ge [sflag:s18], $0x6400  }
0x4f: {  	[sflag:s18] =	ssyncset.done $0x0  }
0x50: {  	[sflag:s18] =	ssyncadd.s32 $0xFFFF9C00  }
0x51: {  	[tilespmem:s7], [sflag:$0x1] =	stream.indirect.gather [hbm4b:s5+s6], $0x80, s20, s6, $0xb8;
	[tilespmem:$0x19400] =	vst v63  }
0x52: {  	_ =	swait.ge [sflag:s21], $0x6400  }
0x53: {  	[sflag:s21] =	ssyncset.done $0x0  }
0x54: {  	[sflag:s21] =	ssyncadd.s32 $0xFFFF9C00  }
0x55: {  	[hbm4b:s22+s2] =	stream.linear.scatter [tilespmem:s16], [sflag:$0x8], $0x6400, $0x38;
	[tilespmem:$0x19400] =	vst v63  }
0x56: {  	_ =	swait.ge [sflag:s9], $0x6400  }
0x57: {  	[sflag:s9] =	ssyncset.done $0x0  }
0x58: {  	[sflag:s9] =	ssyncadd.s32 $0xFFFF9C00  }
0x59: {  	[hbm4b:s23+s2] =	stream.linear.scatter [tilespmem:s7], [sflag:$0x5], $0x6400, $0x38;
	[tilespmem:$0x19400] =	vst v63  }
0x5a: {  	_ =	swait.ge [sflag:s24], $0x6400  }
0x5b: {  	[sflag:s24] =	ssyncset.done $0x0  }
0x5c: {  	[sflag:s24] =	ssyncadd.s32 $0xFFFF9C00  }
0x5d: {  	_ =	swait.ge [sflag:s25], $0x6400  }
0x5e: {  	[sflag:s25] =	ssyncset.done $0x0  }
0x5f: {  	[sflag:s25] =	ssyncadd.s32 $0xFFFF9C00  }
.Ltmp1:
0x60: {  	_ =	swait.ge [sflag:s26], $0x6400;
	(pc) =	sbr.rel @p0 .LBB2_1-.Ltmp1, $4  }
0x61: {  	[sflag:s26] =	ssyncset.done $0x0  }
0x62: {  	[sflag:s26] =	ssyncadd.s32 $0xFFFF9C00  }
0x63: {  	_ =	swait.ge [sflag:s18], $0x6400  }
0x64: {  	[sflag:s18] =	ssyncset.done $0x0  }
.LBB2_2:
0x65: {  	[sflag:s18] =	ssyncadd.s32 $0xFFFF9C00  }
0x66: {  	_ =	sfence.sel $0x180000  }
0x67: {  	[bflag:$0x0] =	sbarrier.arrive $0xFFFF  }
0x68: {  	p0 =	sne.s32 s0, $0x0;
	_ =	strace $0x90000053  }
0x69: {  	s0 =	sadd.s32 @!p0 $0x100000, s1;
	[bflag:$0x2] =	sbarrier.arrive $0xFFFF  }
0x6a: {  	[sflag:s0] =	ssyncadd.tile.s32 @!p0 $0x1;
	_ =	shalt  }
.Lfunc_end2:
_tile_overlayer_lowered:
.L_overlay_start_2:
0x6b: {  	(tag) =	ssettag $0x2  }
0x6c: {  	s0 =	rddreg [dreg:$0x0];
	s2 =	stileid.u32  }
0x6d: {  	s1 =	rddreg [dreg:$0x1];
	p0 =	sne.s32 s2, $0x0  }
0x6e: {  	s3 =	rddreg [dreg:$0x2];
	[bflag:$0x3] =	sbarrier.arrive $0xFFFF;
	s2 =	simm.s32 @!p0 $0x1C09  }
0x6f: {  	[timem:s3], [sflag:s2] =	dma.local @!p0 [hbm:s0], s1  }
0x70: {  	s0 =	simm.s32 @!p0 $0x9  }
0x71: {  	_ =	swait.ge @!p0 [sflag:s0], s1  }
0x72: {  	s1 =	ssub.s32 @!p0 $0x0, s1;
	[sflag:s0] =	ssyncset.done @!p0 $0x0  }
0x73: {  	[sflag:s0] =	ssyncadd.s32 @!p0 s1  }
0x74: {  	[bflag:$0x3] =	sbarrier.arrive $0xFFFF  }
0x75: {  	_ =	shalt  }

// kernel: kernel.19.cloned.1.call-start
scs
__scs_entry_jumppad:
0x0: {  	(pc) =	sbr.rel $0x88, $3  }
0x1: {  	(tag) =	ssettag $0x0;
	lr =	simm.s32 $0x1  }
0x2: {  	[smem:$0x3F99] =	sst lr;
	_ =	strace $0xD0000000  }
0x3: {  	_ = 	snop  }
0x4: {  	_ = 	snop  }
0x5: {  	_ = 	snop  }
0x6: {  	_ = 	snop  }
0x7: {  	_ = 	snop  }
__scs_overlays_trampoline_lowered:
0x8: {  	[smem:$0x3FA8] =	sst s0  }
0x9: {  	[smem:$0x3FA9] =	sst s1  }
0xa: {  	[smem:$0x3FAA] =	sst s2  }
0xb: {  	[smem:$0x3FAB] =	sst s3  }
0xc: {  	[smem:$0x3FAC] =	sst s4  }
0xd: {  	[smem:$0x3FAD] =	sst s5  }
0xe: {  	[smem:$0x3FAE] =	sst s6  }
0xf: {  	[smem:$0x3FAF] =	sst s7  }
0x10: {  	[smem:$0x3FB0] =	sst s8  }
0x11: {  	[smem:$0x3FB1] =	sst s9;
	s0 =	simm.s32 @!p0 $0x0  }
0x12: {  	s1 =	sld [smem:$0x3F97];
	s0 =	simm.s32 @p0 $0x1  }
0x13: {  	[smem:$0x3FB2] =	sst s0;
	s0 =	simm.s32 @!p1 $0x0  }
0x14: {  	s2 =	sld [smem:$0x3F96];
	s0 =	simm.s32 @p1 $0x1  }
0x15: {  	[smem:$0x3FB3] =	sst s0;
	s0 =	simm.s32 @!p2 $0x0  }
0x16: {  	s3 =	sld [smem:$0x3FDB];
	s0 =	simm.s32 @p2 $0x1  }
0x17: {  	s4 =	simm.s32 $0x1BF5;
	[smem:$0x3FB5] =	sst s0  }
0x18: {  	s0 =	sld [smem:$0x3F98];
	_ =	swait.ge [sflag:s4], $0x0  }
0x19: {  	s7 =	sld [smem:$0x3F99]  }
0x1a: {  	s8 =	sadd.s32 $0xFFFFE003, lr  }
0x1b: {  	s9 =	sadd.s32 $0xFFFFFEF7, lr;
	s5 =	simm.s32 $0xFFFFFFFF;
	p2 =	slt.u32 s8, $0xFFFFF086  }
0x1c: {  	p1 =	slt.u32 s9, $0xF7A;
	s5 =	simm.s32 @!p2 $0x0  }
0x1d: {  	s5 =	simm.s32 @p1 $0x1;
	p0 =	seq.s32 s7, s2  }
0x1e: {  	s7 =	smul.u32 @!p0 $0xF7A, s2;
	p2 =	seq.s32 @!p0 s5, $0x0  }
0x1f: {  	s9 =	smul.u32 $0xF7A, s1;
	s8 =	simm.s32 @!p0 $0x1BF5;
	p2 =	por !p2, p0  }
0x20: {  	[sflag:s8] =	ssyncset.s32 @!p0 $0xFFFFF086;
	s6 =	sadd.s32 @!p0 s3, s7;
	s7 =	simm.s32 @!p0 $0x108  }
0x21: {  	s3 =	sadd.s32 s3, s9;
	s6 =	sadd.s32 @!p0 $0x88, s6;
	s7 =	simm.s32 @p2 $0x1082  }
0x22: {  	[simem:s7], [sflag:s8] =	dma.local @!p0 [hbm:s6], $0xF7A  }
0x23: {  	s9 =	sor.u32 $0xD0000000, s2;
	s6 =	simm.s32 $0x108;
	_ =	swait.ge @!p0 [sflag:s8], $0x0  }
0x24: {  	s3 =	sadd.s32 $0x88, s3;
	s6 =	simm.s32 @!p1 $0x1082;
	[sflag:s4] =	ssyncset.s32 $0xFFFFF086  }
0x25: {  	[simem:s6], [sflag:s4] =	dma.local [hbm:s3], $0xF7A  }
0x26: {  	[smem:$0x3F99] =	sst s1;
	(tag) =	ssettag s2;
	_ =	strace s9  }
0x27: {  	s1 =	sld [smem:$0x3FA9]  }
0x28: {  	s2 =	sld [smem:$0x3FAA]  }
0x29: {  	s4 =	sld [smem:$0x3FAC]  }
0x2a: {  	p0 =	seq.s32 s5, $0x0;
	s5 =	sld [smem:$0x3FAD]  }
0x2b: {  	s6 =	sld [smem:$0x3FAE]  }
0x2c: {  	s7 =	sld [smem:$0x3FAF]  }
0x2d: {  	s3 =	simm.s32 $0x108;
	s8 =	sld [smem:$0x3FB0]  }
0x2e: {  	s3 =	simm.s32 @!p0 $0x1082;
	s9 =	sld [smem:$0x3FB1]  }
0x2f: {  	lr =	sadd.s32 s0, s3;
	s0 =	sld [smem:$0x3FA8]  }
0x30: {  	s3 =	sld [smem:$0x3FAB]  }
0x31: {  	[smem:$0x3FB4] =	sst s10  }
0x32: {  	s10 =	sld [smem:$0x3FB2];
	_ =	sdelay $0x3  }
0x33: {  	p0 =	seq.s32 s10, $0x1;
	s10 =	sld [smem:$0x3FB4];
	_ =	sdelay $0x3  }
0x34: {  	[smem:$0x3FB4] =	sst s10  }
0x35: {  	s10 =	sld [smem:$0x3FB3];
	_ =	sdelay $0x3  }
0x36: {  	p1 =	seq.s32 s10, $0x1;
	s10 =	sld [smem:$0x3FB4];
	_ =	sdelay $0x3  }
0x37: {  	[smem:$0x3FB4] =	sst s10  }
0x38: {  	s10 =	sld [smem:$0x3FB5]  }
0x39: {  	_ = 	snop;
	(pc) =	sbr.ind lr, $3  }
0x3a: {  	_ = 	snop  }
0x3b: {  	_ = 	snop  }
0x3c: {  	p2 =	seq.s32 s10, $0x1;
	s10 =	sld [smem:$0x3FB4]  }
0x3d: {  	_ =	shalt  }
0x3e: {  	_ =	shalt  }
0x3f: {  	_ =	shalt  }
0x40: {  	_ =	shalt  }
0x41: {  	_ =	shalt  }
0x42: {  	_ =	shalt  }
0x43: {  	_ =	shalt  }
0x44: {  	_ =	shalt  }
0x45: {  	_ =	shalt  }
0x46: {  	_ =	shalt  }
0x47: {  	_ =	shalt  }
0x48: {  	_ =	shalt  }
0x49: {  	_ =	shalt  }
0x4a: {  	_ =	shalt  }
0x4b: {  	_ =	shalt  }
0x4c: {  	_ =	shalt  }
0x4d: {  	_ =	shalt  }
0x4e: {  	_ =	shalt  }
0x4f: {  	_ =	shalt  }
0x50: {  	_ =	shalt  }
0x51: {  	_ =	shalt  }
0x52: {  	_ =	shalt  }
0x53: {  	_ =	shalt  }
0x54: {  	_ =	shalt  }
0x55: {  	_ =	shalt  }
0x56: {  	_ =	shalt  }
0x57: {  	_ =	shalt  }
0x58: {  	_ =	shalt  }
0x59: {  	_ =	shalt  }
0x5a: {  	_ =	shalt  }
0x5b: {  	_ =	shalt  }
0x5c: {  	_ =	shalt  }
0x5d: {  	_ =	shalt  }
0x5e: {  	_ =	shalt  }
0x5f: {  	_ =	shalt  }
0x60: {  	_ =	shalt  }
0x61: {  	_ =	shalt  }
0x62: {  	_ =	shalt  }
0x63: {  	_ =	shalt  }
0x64: {  	_ =	shalt  }
0x65: {  	_ =	shalt  }
0x66: {  	_ =	shalt  }
0x67: {  	_ =	shalt  }
0x68: {  	_ =	shalt  }
0x69: {  	_ =	shalt  }
0x6a: {  	_ =	shalt  }
0x6b: {  	_ =	shalt  }
0x6c: {  	_ =	shalt  }
0x6d: {  	_ =	shalt  }
0x6e: {  	_ =	shalt  }
0x6f: {  	_ =	shalt  }
0x70: {  	_ =	shalt  }
0x71: {  	_ =	shalt  }
0x72: {  	_ =	shalt  }
0x73: {  	_ =	shalt  }
0x74: {  	_ =	shalt  }
0x75: {  	_ =	shalt  }
0x76: {  	_ =	shalt  }
0x77: {  	_ =	shalt  }
0x78: {  	_ =	shalt  }
0x79: {  	_ =	shalt  }
0x7a: {  	_ =	shalt  }
0x7b: {  	_ =	shalt  }
0x7c: {  	_ =	shalt  }
0x7d: {  	_ =	shalt  }
0x7e: {  	_ =	shalt  }
0x7f: {  	_ =	shalt  }
0x80: {  	_ =	shalt  }
0x81: {  	_ =	shalt  }
0x82: {  	_ =	shalt  }
0x83: {  	_ =	shalt  }
0x84: {  	_ =	shalt  }
0x85: {  	_ =	shalt  }
0x86: {  	_ =	shalt  }
0x87: {  	_ =	shalt  }
.Lfunc_end0:
.L_simem_size_0:
called_computation.2_lowered:
.L_overlay_start_0:
0x88: {  	s2 =	sld [smem:$0x3FD9]  }
0x89: {  	s3 =	sld [smem:$0x3FFE];
	_ =	sdelay $0x1  }
0x8a: {  	s1 =	srdreg.scid  }
0x8b: {  	s0 =	sand.u32 $0x1, s1  }
0x8c: {  	s17 =	sshll.u32 s0, $0xA;
	s2 =	sadd.s32 s3, s2  }
0x8d: {  	s2 =	sadd.s32 s2, s17  }
0x8e: {  	[smem:$0x3FC0] =	sst s2  }
0x8f: {  	_ = 	snop  }
0x90: {  	(tm) =	ssettm $0x1  }
0x91: {  	s18 =	sld [smem:$0x3FFB];
	_ =	sdelay $0x3  }
0x92: {  	_ =	strace s18  }
0x93: {  	s2 =	sld [smem:$0x3FFC];
	_ =	sdelay $0x3  }
0x94: {  	_ =	strace s2  }
0x95: {  	s2 =	sld [smem:$0x3FFD];
	_ =	sdelay $0x3  }
0x96: {  	_ =	strace s2  }
0x97: {  	_ =	strace $0x8FFFFFFF  }
0x98: {  	s19 =	sld [smem:$0x3FDB];
	_ =	sdelay $0x1  }
0x99: {  	s20 =	simm.s32 $_scs_section_size  }
0x9a: {  	s4 =	simm.s32 $_size__tile_overlayer_lowered;
	s5 =	simm.s32 $_tile_overlayer_lowered  }
0x9b: {  	s6 =	simm.s32 $0x1BFF;
	s21 =	sshll.u32 s5, $0x1;
	s3 =	sadd.s32 s20, s19  }
0x9c: {  	s22 =	simm.s32 $0x0;
	s4 =	sshll.u32 s4, $0x1;
	s5 =	sadd.s32 s21, s3  }
0x9d: {  	[timem:s22], [sflag:s6] =	dma.local [hbm:s5], s4  }
0x9e: {  	_ =	swait.ge [sflag:s6], s4  }
0x9f: {  	s4 =	ssub.s32 $0x0, s4;
	[sflag:s6] =	ssyncset.done $0x0  }
0xa0: {  	[sflag:s6] =	ssyncadd.s32 s4;
	_ =	sdelay $0x1  }
0xa1: {  	s23 =	simm.s32 $0x1B8B  }
0xa2: {  	_ =	swait.ge [sflag:s23], $0x1  }
0xa3: {  	[sflag:s23] =	ssyncset.done $0x0  }
0xa4: {  	[sflag:s23] =	ssyncadd.s32 $0xFFFFFFFF  }
0xa5: {  	s4 =	sld [smem:$0x0]  }
0xa6: {  	s5 =	sand.u32 $0xFFFFFFFE, s1  }
0xa7: {  	p0 =	sne.s32 s1, s5  }
0xa8: {  	s5 =	sshll.u32 @p0 s5, $0xE  }
0xa9: {  	s5 =	sadd.s32 @p0 $0x11B8D, s5;
	s6 =	sshll.u32 @p0 s4, $0x11  }
0xaa: {  	s5 =	sor.u32 @p0 s6, s5  }
0xab: {  	[sflag:s5] =	ssyncadd.remote.s32 @p0 $0x1;
	_ =	sdelay $0x1  }
0xac: {  	s5 =	simm.s32 @p0 $0x1B8D  }
0xad: {  	_ =	swait.eq @p0 [sflag:s5], $0x1  }
0xae: {  	[sflag:s5] =	ssyncadd.s32 @p0 $0xFFFFFFFF  }
0xaf: {  	s6 =	sshll.u32 @!p0 s1, $0xE  }
0xb0: {  	s6 =	sor.u32 @!p0 $0x4000, s6;
	s5 =	simm.s32 @!p0 $0x1B8D  }
0xb1: {  	s4 =	sshll.u32 @!p0 s4, $0x11;
	s6 =	sadd.s32 @!p0 $0x11B8D, s6;
	_ =	swait.eq @!p0 [sflag:s5], $0x1  }
0xb2: {  	s4 =	sor.u32 @!p0 s4, s6;
	[sflag:s5] =	ssyncadd.s32 @!p0 $0xFFFFFFFF  }
0xb3: {  	s25 =	simm.s32 $0x1B8E;
	s24 =	sld [smem:$0x3FFE];
	[sflag:s4] =	ssyncadd.remote.s32 @!p0 $0x1  }
0xb4: {  	s26 =	simm.s32 $execute0_lowered;
	[smem:$0x3FD2] =	sst s25  }
0xb5: {  	s5 =	sshll.u32 s26, $0x1;
	_ =	strace $0x8000004C;
	[dreg:$0x1] =	wrdreg $0xFFFFFFFF  }
0xb6: {  	s28 =	simm.s32 $_size_execute0_lowered;
	s3 =	sadd.s32 s3, s5;
	[dreg:$0x0] =	wrdreg $0x0  }
0xb7: {  	s5 =	sshll.u32 s28, $0x1;
	[dreg:$0x2] =	wrdreg s3  }
0xb8: {  	[dreg:$0x3] =	wrdreg s5  }
0xb9: {  	[dreg:$0x4] =	wrdreg $0xC0  }
0xba: {  	_ =	task [dreg:s22], $0x5FFFF  }
0xbb: {  	[dreg:$0x1] =	wrdreg $0xFFFFFFFF  }
0xbc: {  	[dreg:$0x0] =	wrdreg $0x60  }
0xbd: {  	[dreg:$0x2] =	wrdreg s24  }
0xbe: {  	[dreg:$0x3] =	wrdreg $0xB  }
0xbf: {  	_ =	task.clear_ibuf [dreg:s22], $0x4FFFF;
	_ =	strace $0x9000004C  }
0xc0: {  	s29 =	simm.s32 $0xB;
	_ =	strace $0x8000004E  }
0xc1: {  	_ =	swait.ge [sflag:s29], $0x1  }
0xc2: {  	[sflag:s29] =	ssyncadd.s32 $0xFFFFFFFF  }
0xc3: {  	_ =	strace $0x9000004E  }
0xc4: {  	_ =	sfence  }
0xc5: {  	s30 =	sld [smem:$0x0];
	_ =	sdelay $0x2  }
0xc6: {  	s31 =	sshll.u32 s1, $0xD;
	s1 =	sshrl.u32 s1, $0x2  }
0xc7: {  	s4 =	sand.u32 $0x4000, s31;
	s1 =	sadd.s32 s1, s30  }
0xc8: {  	s0 =	sor.u32 s4, s0;
	s1 =	sshll.u32 s1, $0x11  }
0xc9: {  	s0 =	sor.u32 s1, s0  }
0xca: {  	s0 =	sadd.s32 $0x8F2B, s0  }
0xcb: {  	[sflag:s0] =	ssyncadd.remote.s32 $0x1  }
0xcc: {  	_ =	sfence.sel $0xFFFF  }
0xcd: {  	[dreg:$0x0] =	wrdreg $0xFFFFFFFF;
	(pc) =	sbr.abs _section_cstart, $3  }
0xce: {  	[dreg:$0x1] =	wrdreg $0xFFFFFFFF  }
0xcf: {  	_ =	task.clear_ibuf [dreg:s22], $0x2FFFF;
	_ =	strace $0x9FFFFFFF  }
0xd0: {  	(tm) =	ssettm $0x7FFFFFFF  }
0xd1: {  	_ =	shalt  }
tec
execute0_lowered:
.L_overlay_start_1:
0x0: {  	(tag) =	ssettag $0x1  }
0x1: {  	s1 =	srdreg.scid;
	s0 =	stileid.u32  }
0x2: {  	s26 =	sand.u32 $0x1, s1;
	s31 =	sshll.u32 s0, $0x1  }
0x3: {  	s11 =	sor.u32 s26, s31  }
0x4: {  	s3 =	smul.u32 $0x7D, s11  }
0x5: {  	s10 =	rddreg [dreg:$0x0];
	s2 =	simm.s32 $0x0  }
0x6: {  	s4 =	simm.s32 $0x9;
	[smem:$0x7FF] =	sst s2;
	s3 =	sadd.s32 s3, s10  }
0x7: {  	s1 =	rddreg [dreg:$0x1];
	_ =	strace $0x8000004D;
	s3 =	sadd.s32 $0x126600, s3  }
0x8: {  	[tilespmem:s2], [sflag:$0x9] =	stream.linear.gather [hbm4b:s3+s2], $0x3E8, $0x38;
	[tilespmem:$0x19400] =	vst v63  }
0x9: {  	_ =	swait.ge [sflag:s4], $0x3E8  }
0xa: {  	s6 =	simm.s32 $0xC8;
	[sflag:s4] =	ssyncset.done $0x0  }
0xb: {  	s7 =	simm.s32 $0x400;
	s5 =	sadd.s32 $0x4400, s10;
	[sflag:s4] =	ssyncadd.s32 $0xFFFFFC18  }
0xc: {  	[tilespmem:s7], [sflag:$0x1] =	stream.indirect.gather [hbm4b:s5+s6], $0x80, s2, s6, $0xb8;
	[tilespmem:$0x19400] =	vst v63  }
0xd: {  	s8 =	simm.s32 $0x6800;
	s9 =	simm.s32 $0x1  }
0xe: {  	[tilespmem:s8], [sflag:$0x2] =	stream.indirect.gather [hbm4b:s5+s6], $0x80, s6, s6, $0xb8;
	[tilespmem:$0x19400] =	vst v63  }
0xf: {  	s12 =	smul.u32 $0x3E80, s11;
	_ =	swait.ge [sflag:s9], $0x6400  }
0x10: {  	s14 =	sadd.s32 $0x127600, s10;
	[sflag:s9] =	ssyncset.done $0x0  }
0x11: {  	s13 =	simm.s32 $0x2;
	s10 =	sadd.s32 s14, s12;
	[sflag:s9] =	ssyncadd.s32 $0xFFFF9C00  }
0x12: {  	[hbm4b:s10+s2] =	stream.linear.scatter [tilespmem:s7], [sflag:$0x5], $0x6400, $0x38;
	[tilespmem:$0x19400] =	vst v63  }
0x13: {  	s15 =	smul.u32 $0x1F400, s11;
	s11 =	simm.s32 $0x190;
	s12 =	simm.s32 $0xCC00  }
0x14: {  	[tilespmem:s12], [sflag:$0x3] =	stream.indirect.gather [hbm4b:s5+s6], $0x80, s11, s6, $0xb8;
	[tilespmem:$0x19400] =	vst v63  }
0x15: {  	s15 =	sshrl.u32 s15, $0x3;
	_ =	swait.ge [sflag:s13], $0x6400  }
0x16: {  	s23 =	sadd.s32 s14, s15;
	[sflag:s13] =	ssyncset.done $0x0  }
0x17: {  	s14 =	sadd.s32 $0xC80, s23;
	[sflag:s13] =	ssyncadd.s32 $0xFFFF9C00  }
0x18: {  	[hbm4b:s14+s2] =	stream.linear.scatter [tilespmem:s8], [sflag:$0x6], $0x6400, $0x38;
	[tilespmem:$0x19400] =	vst v63  }
0x19: {  	s16 =	simm.s32 $0x13000;
	s17 =	simm.s32 $0x3;
	s15 =	simm.s32 $0x258  }
0x1a: {  	[tilespmem:s16], [sflag:$0x4] =	stream.indirect.gather [hbm4b:s5+s6], $0x80, s15, s6, $0xb8;
	[tilespmem:$0x19400] =	vst v63  }
0x1b: {  	_ =	swait.ge [sflag:s17], $0x6400  }
0x1c: {  	[sflag:s17] =	ssyncset.done $0x0  }
0x1d: {  	s18 =	simm.s32 $0x5;
	s19 =	sadd.s32 $0x1900, s23;
	[sflag:s17] =	ssyncadd.s32 $0xFFFF9C00  }
0x1e: {  	[hbm4b:s19+s2] =	stream.linear.scatter [tilespmem:s12], [sflag:$0x7], $0x6400, $0x38;
	[tilespmem:$0x19400] =	vst v63  }
0x1f: {  	_ =	swait.ge [sflag:s18], $0x6400  }
0x20: {  	[sflag:s18] =	ssyncset.done $0x0  }
0x21: {  	s20 =	simm.s32 $0x320;
	s21 =	simm.s32 $0x4;
	[sflag:s18] =	ssyncadd.s32 $0xFFFF9C00  }
0x22: {  	[tilespmem:s7], [sflag:$0x1] =	stream.indirect.gather [hbm4b:s5+s6], $0x80, s20, s6, $0xb8;
	[tilespmem:$0x19400] =	vst v63  }
0x23: {  	_ =	swait.ge [sflag:s21], $0x6400  }
0x24: {  	[sflag:s21] =	ssyncset.done $0x0  }
0x25: {  	s22 =	sadd.s32 $0x2580, s23;
	[sflag:s21] =	ssyncadd.s32 $0xFFFF9C00  }
0x26: {  	[hbm4b:s22+s2] =	stream.linear.scatter [tilespmem:s16], [sflag:$0x8], $0x6400, $0x38;
	[tilespmem:$0x19400] =	vst v63  }
0x27: {  	_ =	swait.ge [sflag:s9], $0x6400  }
0x28: {  	[sflag:s9] =	ssyncset.done $0x0  }
0x29: {  	s24 =	simm.s32 $0x6;
	s23 =	sadd.s32 $0x3200, s23;
	[sflag:s9] =	ssyncadd.s32 $0xFFFF9C00  }
0x2a: {  	[hbm4b:s23+s2] =	stream.linear.scatter [tilespmem:s7], [sflag:$0x5], $0x6400, $0x38;
	[tilespmem:$0x19400] =	vst v63  }
0x2b: {  	_ =	swait.ge [sflag:s24], $0x6400  }
0x2c: {  	s28 =	ssub.s32 $0x2, s26;
	[sflag:s24] =	ssyncset.done $0x0  }
0x2d: {  	s25 =	simm.s32 $0x7;
	s29 =	sshrl.u32 s28, $0x1;
	[sflag:s24] =	ssyncadd.s32 $0xFFFF9C00  }
0x2e: {  	s28 =	ssub.s32 s28, s29;
	_ =	swait.ge [sflag:s25], $0x6400  }
0x2f: {  	s28 =	smax.u32 s28, $0x1;
	[sflag:s25] =	ssyncset.done $0x0  }
0x30: {  	s26 =	simm.s32 $0x8;
	p0 =	sne.s32 s28, $0x1;
	[sflag:s25] =	ssyncadd.s32 $0xFFFF9C00  }
.Ltmp0:
0x31: {  	_ =	swait.ge [sflag:s26], $0x6400;
	(pc) =	sbr.rel @!p0 .LBB2_2-.Ltmp0, $4  }
0x32: {  	[sflag:s26] =	ssyncset.done $0x0  }
0x33: {  	[sflag:s26] =	ssyncadd.s32 $0xFFFF9C00  }
0x34: {  	_ =	swait.ge [sflag:s18], $0x6400  }
0x35: {  	s28 =	sadd.s32 $0xFFFFFFFF, s28;
	[sflag:s18] =	ssyncset.done $0x0  }
.LBB2_1:
0x36: {  	p0 =	sne.s32 s28, $0x1;
	s28 =	sadd.s32 $0xFFFFFFFF, s28;
	[sflag:s18] =	ssyncadd.s32 $0xFFFF9C00  }
0x37: {  	[tilespmem:s2], [sflag:$0x9] =	stream.linear.gather [hbm4b:s3+s2], $0x3E8, $0x38;
	[tilespmem:$0x19400] =	vst v63  }
0x38: {  	_ =	swait.ge [sflag:s4], $0x3E8  }
0x39: {  	[sflag:s4] =	ssyncset.done $0x0  }
0x3a: {  	[sflag:s4] =	ssyncadd.s32 $0xFFFFFC18  }
0x3b: {  	[tilespmem:s7], [sflag:$0x1] =	stream.indirect.gather [hbm4b:s5+s6], $0x80, s2, s6, $0xb8;
	[tilespmem:$0x19400] =	vst v63  }
0x3c: {  	_ = 	snop  }
0x3d: {  	[tilespmem:s8], [sflag:$0x2] =	stream.indirect.gather [hbm4b:s5+s6], $0x80, s6, s6, $0xb8;
	[tilespmem:$0x19400] =	vst v63  }
0x3e: {  	_ =	swait.ge [sflag:s9], $0x6400  }
0x3f: {  	[sflag:s9] =	ssyncset.done $0x0  }
0x40: {  	[sflag:s9] =	ssyncadd.s32 $0xFFFF9C00  }
0x41: {  	[hbm4b:s10+s2] =	stream.linear.scatter [tilespmem:s7], [sflag:$0x5], $0x6400, $0x38;
	[tilespmem:$0x19400] =	vst v63  }
0x42: {  	_ = 	snop  }
0x43: {  	[tilespmem:s12], [sflag:$0x3] =	stream.indirect.gather [hbm4b:s5+s6], $0x80, s11, s6, $0xb8;
	[tilespmem:$0x19400] =	vst v63  }
0x44: {  	_ =	swait.ge [sflag:s13], $0x6400  }
0x45: {  	[sflag:s13] =	ssyncset.done $0x0  }
0x46: {  	[sflag:s13] =	ssyncadd.s32 $0xFFFF9C00  }
0x47: {  	[hbm4b:s14+s2] =	stream.linear.scatter [tilespmem:s8], [sflag:$0x6], $0x6400, $0x38;
	[tilespmem:$0x19400] =	vst v63  }
0x48: {  	_ = 	snop  }
0x49: {  	[tilespmem:s16], [sflag:$0x4] =	stream.indirect.gather [hbm4b:s5+s6], $0x80, s15, s6, $0xb8;
	[tilespmem:$0x19400] =	vst v63  }
0x4a: {  	_ =	swait.ge [sflag:s17], $0x6400  }
0x4b: {  	[sflag:s17] =	ssyncset.done $0x0  }
0x4c: {  	[sflag:s17] =	ssyncadd.s32 $0xFFFF9C00  }
0x4d: {  	[hbm4b:s19+s2] =	stream.linear.scatter [tilespmem:s12], [sflag:$0x7], $0x6400, $0x38;
	[tilespmem:$0x19400] =	vst v63  }
0x4e: {  	_ =	swait.ge [sflag:s18], $0x6400  }
0x4f: {  	[sflag:s18] =	ssyncset.done $0x0  }
0x50: {  	[sflag:s18] =	ssyncadd.s32 $0xFFFF9C00  }
0x51: {  	[tilespmem:s7], [sflag:$0x1] =	stream.indirect.gather [hbm4b:s5+s6], $0x80, s20, s6, $0xb8;
	[tilespmem:$0x19400] =	vst v63  }
0x52: {  	_ =	swait.ge [sflag:s21], $0x6400  }
0x53: {  	[sflag:s21] =	ssyncset.done $0x0  }
0x54: {  	[sflag:s21] =	ssyncadd.s32 $0xFFFF9C00  }
0x55: {  	[hbm4b:s22+s2] =	stream.linear.scatter [tilespmem:s16], [sflag:$0x8], $0x6400, $0x38;
	[tilespmem:$0x19400] =	vst v63  }
0x56: {  	_ =	swait.ge [sflag:s9], $0x6400  }
0x57: {  	[sflag:s9] =	ssyncset.done $0x0  }
0x58: {  	[sflag:s9] =	ssyncadd.s32 $0xFFFF9C00  }
0x59: {  	[hbm4b:s23+s2] =	stream.linear.scatter [tilespmem:s7], [sflag:$0x5], $0x6400, $0x38;
	[tilespmem:$0x19400] =	vst v63  }
0x5a: {  	_ =	swait.ge [sflag:s24], $0x6400  }
0x5b: {  	[sflag:s24] =	ssyncset.done $0x0  }
0x5c: {  	[sflag:s24] =	ssyncadd.s32 $0xFFFF9C00  }
0x5d: {  	_ =	swait.ge [sflag:s25], $0x6400  }
0x5e: {  	[sflag:s25] =	ssyncset.done $0x0  }
0x5f: {  	[sflag:s25] =	ssyncadd.s32 $0xFFFF9C00  }
.Ltmp1:
0x60: {  	_ =	swait.ge [sflag:s26], $0x6400;
	(pc) =	sbr.rel @p0 .LBB2_1-.Ltmp1, $4  }
0x61: {  	[sflag:s26] =	ssyncset.done $0x0  }
0x62: {  	[sflag:s26] =	ssyncadd.s32 $0xFFFF9C00  }
0x63: {  	_ =	swait.ge [sflag:s18], $0x6400  }
0x64: {  	[sflag:s18] =	ssyncset.done $0x0  }
.LBB2_2:
0x65: {  	[sflag:s18] =	ssyncadd.s32 $0xFFFF9C00  }
0x66: {  	_ =	sfence.sel $0x180000  }
0x67: {  	[bflag:$0x0] =	sbarrier.arrive $0xFFFF  }
0x68: {  	p0 =	sne.s32 s0, $0x0;
	_ =	strace $0x9000004D  }
0x69: {  	s0 =	sadd.s32 @!p0 $0x100000, s1;
	[bflag:$0x2] =	sbarrier.arrive $0xFFFF  }
0x6a: {  	[sflag:s0] =	ssyncadd.tile.s32 @!p0 $0x1;
	_ =	shalt  }
.Lfunc_end2:
_tile_overlayer_lowered:
.L_overlay_start_2:
0x6b: {  	(tag) =	ssettag $0x2  }
0x6c: {  	s0 =	rddreg [dreg:$0x0];
	s2 =	stileid.u32  }
0x6d: {  	s1 =	rddreg [dreg:$0x1];
	p0 =	sne.s32 s2, $0x0  }
0x6e: {  	s3 =	rddreg [dreg:$0x2];
	[bflag:$0x3] =	sbarrier.arrive $0xFFFF;
	s2 =	simm.s32 @!p0 $0x1C09  }
0x6f: {  	[timem:s3], [sflag:s2] =	dma.local @!p0 [hbm:s0], s1  }
0x70: {  	s0 =	simm.s32 @!p0 $0x9  }
0x71: {  	_ =	swait.ge @!p0 [sflag:s0], s1  }
0x72: {  	s1 =	ssub.s32 @!p0 $0x0, s1;
	[sflag:s0] =	ssyncset.done @!p0 $0x0  }
0x73: {  	[sflag:s0] =	ssyncadd.s32 @!p0 s1  }
0x74: {  	[bflag:$0x3] =	sbarrier.arrive $0xFFFF  }
0x75: {  	_ =	shalt  }

// kernel: kernel.22.cloned.1.call-start
scs
__scs_entry_jumppad:
0x0: {  	(pc) =	sbr.rel $0x88, $3  }
0x1: {  	(tag) =	ssettag $0x0;
	lr =	simm.s32 $0x1  }
0x2: {  	[smem:$0x3F99] =	sst lr;
	_ =	strace $0xD0000000  }
0x3: {  	_ = 	snop  }
0x4: {  	_ = 	snop  }
0x5: {  	_ = 	snop  }
0x6: {  	_ = 	snop  }
0x7: {  	_ = 	snop  }
__scs_overlays_trampoline_lowered:
0x8: {  	[smem:$0x3FA8] =	sst s0  }
0x9: {  	[smem:$0x3FA9] =	sst s1  }
0xa: {  	[smem:$0x3FAA] =	sst s2  }
0xb: {  	[smem:$0x3FAB] =	sst s3  }
0xc: {  	[smem:$0x3FAC] =	sst s4  }
0xd: {  	[smem:$0x3FAD] =	sst s5  }
0xe: {  	[smem:$0x3FAE] =	sst s6  }
0xf: {  	[smem:$0x3FAF] =	sst s7  }
0x10: {  	[smem:$0x3FB0] =	sst s8  }
0x11: {  	[smem:$0x3FB1] =	sst s9;
	s0 =	simm.s32 @!p0 $0x0  }
0x12: {  	s1 =	sld [smem:$0x3F97];
	s0 =	simm.s32 @p0 $0x1  }
0x13: {  	[smem:$0x3FB2] =	sst s0;
	s0 =	simm.s32 @!p1 $0x0  }
0x14: {  	s2 =	sld [smem:$0x3F96];
	s0 =	simm.s32 @p1 $0x1  }
0x15: {  	[smem:$0x3FB3] =	sst s0;
	s0 =	simm.s32 @!p2 $0x0  }
0x16: {  	s3 =	sld [smem:$0x3FDB];
	s0 =	simm.s32 @p2 $0x1  }
0x17: {  	s4 =	simm.s32 $0x1BF5;
	[smem:$0x3FB5] =	sst s0  }
0x18: {  	s0 =	sld [smem:$0x3F98];
	_ =	swait.ge [sflag:s4], $0x0  }
0x19: {  	s7 =	sld [smem:$0x3F99]  }
0x1a: {  	s8 =	sadd.s32 $0xFFFFE003, lr  }
0x1b: {  	s9 =	sadd.s32 $0xFFFFFEF7, lr;
	s5 =	simm.s32 $0xFFFFFFFF;
	p2 =	slt.u32 s8, $0xFFFFF086  }
0x1c: {  	p1 =	slt.u32 s9, $0xF7A;
	s5 =	simm.s32 @!p2 $0x0  }
0x1d: {  	s5 =	simm.s32 @p1 $0x1;
	p0 =	seq.s32 s7, s2  }
0x1e: {  	s7 =	smul.u32 @!p0 $0xF7A, s2;
	p2 =	seq.s32 @!p0 s5, $0x0  }
0x1f: {  	s9 =	smul.u32 $0xF7A, s1;
	s8 =	simm.s32 @!p0 $0x1BF5;
	p2 =	por !p2, p0  }
0x20: {  	[sflag:s8] =	ssyncset.s32 @!p0 $0xFFFFF086;
	s6 =	sadd.s32 @!p0 s3, s7;
	s7 =	simm.s32 @!p0 $0x108  }
0x21: {  	s3 =	sadd.s32 s3, s9;
	s6 =	sadd.s32 @!p0 $0x88, s6;
	s7 =	simm.s32 @p2 $0x1082  }
0x22: {  	[simem:s7], [sflag:s8] =	dma.local @!p0 [hbm:s6], $0xF7A  }
0x23: {  	s9 =	sor.u32 $0xD0000000, s2;
	s6 =	simm.s32 $0x108;
	_ =	swait.ge @!p0 [sflag:s8], $0x0  }
0x24: {  	s3 =	sadd.s32 $0x88, s3;
	s6 =	simm.s32 @!p1 $0x1082;
	[sflag:s4] =	ssyncset.s32 $0xFFFFF086  }
0x25: {  	[simem:s6], [sflag:s4] =	dma.local [hbm:s3], $0xF7A  }
0x26: {  	[smem:$0x3F99] =	sst s1;
	(tag) =	ssettag s2;
	_ =	strace s9  }
0x27: {  	s1 =	sld [smem:$0x3FA9]  }
0x28: {  	s2 =	sld [smem:$0x3FAA]  }
0x29: {  	s4 =	sld [smem:$0x3FAC]  }
0x2a: {  	p0 =	seq.s32 s5, $0x0;
	s5 =	sld [smem:$0x3FAD]  }
0x2b: {  	s6 =	sld [smem:$0x3FAE]  }
0x2c: {  	s7 =	sld [smem:$0x3FAF]  }
0x2d: {  	s3 =	simm.s32 $0x108;
	s8 =	sld [smem:$0x3FB0]  }
0x2e: {  	s3 =	simm.s32 @!p0 $0x1082;
	s9 =	sld [smem:$0x3FB1]  }
0x2f: {  	lr =	sadd.s32 s0, s3;
	s0 =	sld [smem:$0x3FA8]  }
0x30: {  	s3 =	sld [smem:$0x3FAB]  }
0x31: {  	[smem:$0x3FB4] =	sst s10  }
0x32: {  	s10 =	sld [smem:$0x3FB2];
	_ =	sdelay $0x3  }
0x33: {  	p0 =	seq.s32 s10, $0x1;
	s10 =	sld [smem:$0x3FB4];
	_ =	sdelay $0x3  }
0x34: {  	[smem:$0x3FB4] =	sst s10  }
0x35: {  	s10 =	sld [smem:$0x3FB3];
	_ =	sdelay $0x3  }
0x36: {  	p1 =	seq.s32 s10, $0x1;
	s10 =	sld [smem:$0x3FB4];
	_ =	sdelay $0x3  }
0x37: {  	[smem:$0x3FB4] =	sst s10  }
0x38: {  	s10 =	sld [smem:$0x3FB5]  }
0x39: {  	_ = 	snop;
	(pc) =	sbr.ind lr, $3  }
0x3a: {  	_ = 	snop  }
0x3b: {  	_ = 	snop  }
0x3c: {  	p2 =	seq.s32 s10, $0x1;
	s10 =	sld [smem:$0x3FB4]  }
0x3d: {  	_ =	shalt  }
0x3e: {  	_ =	shalt  }
0x3f: {  	_ =	shalt  }
0x40: {  	_ =	shalt  }
0x41: {  	_ =	shalt  }
0x42: {  	_ =	shalt  }
0x43: {  	_ =	shalt  }
0x44: {  	_ =	shalt  }
0x45: {  	_ =	shalt  }
0x46: {  	_ =	shalt  }
0x47: {  	_ =	shalt  }
0x48: {  	_ =	shalt  }
0x49: {  	_ =	shalt  }
0x4a: {  	_ =	shalt  }
0x4b: {  	_ =	shalt  }
0x4c: {  	_ =	shalt  }
0x4d: {  	_ =	shalt  }
0x4e: {  	_ =	shalt  }
0x4f: {  	_ =	shalt  }
0x50: {  	_ =	shalt  }
0x51: {  	_ =	shalt  }
0x52: {  	_ =	shalt  }
0x53: {  	_ =	shalt  }
0x54: {  	_ =	shalt  }
0x55: {  	_ =	shalt  }
0x56: {  	_ =	shalt  }
0x57: {  	_ =	shalt  }
0x58: {  	_ =	shalt  }
0x59: {  	_ =	shalt  }
0x5a: {  	_ =	shalt  }
0x5b: {  	_ =	shalt  }
0x5c: {  	_ =	shalt  }
0x5d: {  	_ =	shalt  }
0x5e: {  	_ =	shalt  }
0x5f: {  	_ =	shalt  }
0x60: {  	_ =	shalt  }
0x61: {  	_ =	shalt  }
0x62: {  	_ =	shalt  }
0x63: {  	_ =	shalt  }
0x64: {  	_ =	shalt  }
0x65: {  	_ =	shalt  }
0x66: {  	_ =	shalt  }
0x67: {  	_ =	shalt  }
0x68: {  	_ =	shalt  }
0x69: {  	_ =	shalt  }
0x6a: {  	_ =	shalt  }
0x6b: {  	_ =	shalt  }
0x6c: {  	_ =	shalt  }
0x6d: {  	_ =	shalt  }
0x6e: {  	_ =	shalt  }
0x6f: {  	_ =	shalt  }
0x70: {  	_ =	shalt  }
0x71: {  	_ =	shalt  }
0x72: {  	_ =	shalt  }
0x73: {  	_ =	shalt  }
0x74: {  	_ =	shalt  }
0x75: {  	_ =	shalt  }
0x76: {  	_ =	shalt  }
0x77: {  	_ =	shalt  }
0x78: {  	_ =	shalt  }
0x79: {  	_ =	shalt  }
0x7a: {  	_ =	shalt  }
0x7b: {  	_ =	shalt  }
0x7c: {  	_ =	shalt  }
0x7d: {  	_ =	shalt  }
0x7e: {  	_ =	shalt  }
0x7f: {  	_ =	shalt  }
0x80: {  	_ =	shalt  }
0x81: {  	_ =	shalt  }
0x82: {  	_ =	shalt  }
0x83: {  	_ =	shalt  }
0x84: {  	_ =	shalt  }
0x85: {  	_ =	shalt  }
0x86: {  	_ =	shalt  }
0x87: {  	_ =	shalt  }
.Lfunc_end0:
.L_simem_size_0:
called_computation.3_lowered:
.L_overlay_start_0:
0x88: {  	s2 =	sld [smem:$0x3FD9]  }
0x89: {  	s3 =	sld [smem:$0x3FFE];
	_ =	sdelay $0x1  }
0x8a: {  	s1 =	srdreg.scid  }
0x8b: {  	s0 =	sand.u32 $0x1, s1  }
0x8c: {  	s17 =	sshll.u32 s0, $0xA;
	s2 =	sadd.s32 s3, s2  }
0x8d: {  	s2 =	sadd.s32 s2, s17  }
0x8e: {  	[smem:$0x3FC0] =	sst s2  }
0x8f: {  	_ = 	snop  }
0x90: {  	(tm) =	ssettm $0x1  }
0x91: {  	s18 =	sld [smem:$0x3FFB];
	_ =	sdelay $0x3  }
0x92: {  	_ =	strace s18  }
0x93: {  	s2 =	sld [smem:$0x3FFC];
	_ =	sdelay $0x3  }
0x94: {  	_ =	strace s2  }
0x95: {  	s2 =	sld [smem:$0x3FFD];
	_ =	sdelay $0x3  }
0x96: {  	_ =	strace s2  }
0x97: {  	_ =	strace $0x8FFFFFFF  }
0x98: {  	s19 =	sld [smem:$0x3FDB];
	_ =	sdelay $0x1  }
0x99: {  	s20 =	simm.s32 $_scs_section_size  }
0x9a: {  	s4 =	simm.s32 $_size__tile_overlayer_lowered;
	s5 =	simm.s32 $_tile_overlayer_lowered  }
0x9b: {  	s6 =	simm.s32 $0x1BFF;
	s21 =	sshll.u32 s5, $0x1;
	s3 =	sadd.s32 s20, s19  }
0x9c: {  	s22 =	simm.s32 $0x0;
	s4 =	sshll.u32 s4, $0x1;
	s5 =	sadd.s32 s21, s3  }
0x9d: {  	[timem:s22], [sflag:s6] =	dma.local [hbm:s5], s4  }
0x9e: {  	_ =	swait.ge [sflag:s6], s4  }
0x9f: {  	s4 =	ssub.s32 $0x0, s4;
	[sflag:s6] =	ssyncset.done $0x0  }
0xa0: {  	[sflag:s6] =	ssyncadd.s32 s4;
	_ =	sdelay $0x1  }
0xa1: {  	s23 =	simm.s32 $0x1B8B  }
0xa2: {  	_ =	swait.ge [sflag:s23], $0x1  }
0xa3: {  	[sflag:s23] =	ssyncset.done $0x0  }
0xa4: {  	[sflag:s23] =	ssyncadd.s32 $0xFFFFFFFF  }
0xa5: {  	s4 =	sld [smem:$0x0]  }
0xa6: {  	s5 =	sand.u32 $0xFFFFFFFE, s1  }
0xa7: {  	p0 =	sne.s32 s1, s5  }
0xa8: {  	s5 =	sshll.u32 @p0 s5, $0xE  }
0xa9: {  	s5 =	sadd.s32 @p0 $0x11B8D, s5;
	s6 =	sshll.u32 @p0 s4, $0x11  }
0xaa: {  	s5 =	sor.u32 @p0 s6, s5  }
0xab: {  	[sflag:s5] =	ssyncadd.remote.s32 @p0 $0x1;
	_ =	sdelay $0x1  }
0xac: {  	s5 =	simm.s32 @p0 $0x1B8D  }
0xad: {  	_ =	swait.eq @p0 [sflag:s5], $0x1  }
0xae: {  	[sflag:s5] =	ssyncadd.s32 @p0 $0xFFFFFFFF  }
0xaf: {  	s6 =	sshll.u32 @!p0 s1, $0xE  }
0xb0: {  	s6 =	sor.u32 @!p0 $0x4000, s6;
	s5 =	simm.s32 @!p0 $0x1B8D  }
0xb1: {  	s4 =	sshll.u32 @!p0 s4, $0x11;
	s6 =	sadd.s32 @!p0 $0x11B8D, s6;
	_ =	swait.eq @!p0 [sflag:s5], $0x1  }
0xb2: {  	s4 =	sor.u32 @!p0 s4, s6;
	[sflag:s5] =	ssyncadd.s32 @!p0 $0xFFFFFFFF  }
0xb3: {  	s25 =	simm.s32 $0x1B8E;
	s24 =	sld [smem:$0x3FFE];
	[sflag:s4] =	ssyncadd.remote.s32 @!p0 $0x1  }
0xb4: {  	s26 =	simm.s32 $execute0_lowered;
	[smem:$0x3FD2] =	sst s25  }
0xb5: {  	s5 =	sshll.u32 s26, $0x1;
	_ =	strace $0x80000049;
	[dreg:$0x1] =	wrdreg $0xFFFFFFFF  }
0xb6: {  	s28 =	simm.s32 $_size_execute0_lowered;
	s3 =	sadd.s32 s3, s5;
	[dreg:$0x0] =	wrdreg $0x0  }
0xb7: {  	s5 =	sshll.u32 s28, $0x1;
	[dreg:$0x2] =	wrdreg s3  }
0xb8: {  	[dreg:$0x3] =	wrdreg s5  }
0xb9: {  	[dreg:$0x4] =	wrdreg $0xC0  }
0xba: {  	_ =	task [dreg:s22], $0x5FFFF  }
0xbb: {  	[dreg:$0x1] =	wrdreg $0xFFFFFFFF  }
0xbc: {  	[dreg:$0x0] =	wrdreg $0x60  }
0xbd: {  	[dreg:$0x2] =	wrdreg s24  }
0xbe: {  	[dreg:$0x3] =	wrdreg $0xC  }
0xbf: {  	_ =	task.clear_ibuf [dreg:s22], $0x4FFFF;
	_ =	strace $0x90000049  }
0xc0: {  	s29 =	simm.s32 $0xC;
	_ =	strace $0x8000004B  }
0xc1: {  	_ =	swait.ge [sflag:s29], $0x1  }
0xc2: {  	[sflag:s29] =	ssyncadd.s32 $0xFFFFFFFF  }
0xc3: {  	_ =	strace $0x9000004B  }
0xc4: {  	_ =	sfence  }
0xc5: {  	s30 =	sld [smem:$0x0];
	_ =	sdelay $0x2  }
0xc6: {  	s31 =	sshll.u32 s1, $0xD;
	s1 =	sshrl.u32 s1, $0x2  }
0xc7: {  	s4 =	sand.u32 $0x4000, s31;
	s1 =	sadd.s32 s1, s30  }
0xc8: {  	s0 =	sor.u32 s4, s0;
	s1 =	sshll.u32 s1, $0x11  }
0xc9: {  	s0 =	sor.u32 s1, s0  }
0xca: {  	s0 =	sadd.s32 $0x8F2B, s0  }
0xcb: {  	[sflag:s0] =	ssyncadd.remote.s32 $0x1  }
0xcc: {  	_ =	sfence.sel $0xFFFF  }
0xcd: {  	[dreg:$0x0] =	wrdreg $0xFFFFFFFF;
	(pc) =	sbr.abs _section_cstart, $3  }
0xce: {  	[dreg:$0x1] =	wrdreg $0xFFFFFFFF  }
0xcf: {  	_ =	task.clear_ibuf [dreg:s22], $0x2FFFF;
	_ =	strace $0x9FFFFFFF  }
0xd0: {  	(tm) =	ssettm $0x7FFFFFFF  }
0xd1: {  	_ =	shalt  }
tec
execute0_lowered:
.L_overlay_start_1:
0x0: {  	(tag) =	ssettag $0x1  }
0x1: {  	s1 =	srdreg.scid;
	s0 =	stileid.u32  }
0x2: {  	s26 =	sand.u32 $0x1, s1;
	s31 =	sshll.u32 s0, $0x1  }
0x3: {  	s11 =	sor.u32 s26, s31  }
0x4: {  	s3 =	smul.u32 $0x7D, s11  }
0x5: {  	s10 =	rddreg [dreg:$0x0];
	s2 =	simm.s32 $0x0  }
0x6: {  	s4 =	simm.s32 $0x9;
	[smem:$0x7FF] =	sst s2;
	s3 =	sadd.s32 s3, s10  }
0x7: {  	s1 =	rddreg [dreg:$0x1];
	_ =	strace $0x8000004A;
	s3 =	sadd.s32 $0xA8600, s3  }
0x8: {  	[tilespmem:s2], [sflag:$0x9] =	stream.linear.gather [hbm4b:s3+s2], $0x3E8, $0x38;
	[tilespmem:$0x19400] =	vst v63  }
0x9: {  	_ =	swait.ge [sflag:s4], $0x3E8  }
0xa: {  	s6 =	simm.s32 $0xC8;
	[sflag:s4] =	ssyncset.done $0x0  }
0xb: {  	s7 =	simm.s32 $0x400;
	s5 =	sadd.s32 $0x4400, s10;
	[sflag:s4] =	ssyncadd.s32 $0xFFFFFC18  }
0xc: {  	[tilespmem:s7], [sflag:$0x1] =	stream.indirect.gather [hbm4b:s5+s6], $0x80, s2, s6, $0xb8;
	[tilespmem:$0x19400] =	vst v63  }
0xd: {  	s8 =	simm.s32 $0x6800;
	s9 =	simm.s32 $0x1  }
0xe: {  	[tilespmem:s8], [sflag:$0x2] =	stream.indirect.gather [hbm4b:s5+s6], $0x80, s6, s6, $0xb8;
	[tilespmem:$0x19400] =	vst v63  }
0xf: {  	s12 =	smul.u32 $0x3E80, s11;
	_ =	swait.ge [sflag:s9], $0x6400  }
0x10: {  	s14 =	sadd.s32 $0xA9600, s10;
	[sflag:s9] =	ssyncset.done $0x0  }
0x11: {  	s13 =	simm.s32 $0x2;
	s10 =	sadd.s32 s14, s12;
	[sflag:s9] =	ssyncadd.s32 $0xFFFF9C00  }
0x12: {  	[hbm4b:s10+s2] =	stream.linear.scatter [tilespmem:s7], [sflag:$0x5], $0x6400, $0x38;
	[tilespmem:$0x19400] =	vst v63  }
0x13: {  	s15 =	smul.u32 $0x1F400, s11;
	s11 =	simm.s32 $0x190;
	s12 =	simm.s32 $0xCC00  }
0x14: {  	[tilespmem:s12], [sflag:$0x3] =	stream.indirect.gather [hbm4b:s5+s6], $0x80, s11, s6, $0xb8;
	[tilespmem:$0x19400] =	vst v63  }
0x15: {  	s15 =	sshrl.u32 s15, $0x3;
	_ =	swait.ge [sflag:s13], $0x6400  }
0x16: {  	s23 =	sadd.s32 s14, s15;
	[sflag:s13] =	ssyncset.done $0x0  }
0x17: {  	s14 =	sadd.s32 $0xC80, s23;
	[sflag:s13] =	ssyncadd.s32 $0xFFFF9C00  }
0x18: {  	[hbm4b:s14+s2] =	stream.linear.scatter [tilespmem:s8], [sflag:$0x6], $0x6400, $0x38;
	[tilespmem:$0x19400] =	vst v63  }
0x19: {  	s16 =	simm.s32 $0x13000;
	s17 =	simm.s32 $0x3;
	s15 =	simm.s32 $0x258  }
0x1a: {  	[tilespmem:s16], [sflag:$0x4] =	stream.indirect.gather [hbm4b:s5+s6], $0x80, s15, s6, $0xb8;
	[tilespmem:$0x19400] =	vst v63  }
0x1b: {  	_ =	swait.ge [sflag:s17], $0x6400  }
0x1c: {  	[sflag:s17] =	ssyncset.done $0x0  }
0x1d: {  	s18 =	simm.s32 $0x5;
	s19 =	sadd.s32 $0x1900, s23;
	[sflag:s17] =	ssyncadd.s32 $0xFFFF9C00  }
0x1e: {  	[hbm4b:s19+s2] =	stream.linear.scatter [tilespmem:s12], [sflag:$0x7], $0x6400, $0x38;
	[tilespmem:$0x19400] =	vst v63  }
0x1f: {  	_ =	swait.ge [sflag:s18], $0x6400  }
0x20: {  	[sflag:s18] =	ssyncset.done $0x0  }
0x21: {  	s20 =	simm.s32 $0x320;
	s21 =	simm.s32 $0x4;
	[sflag:s18] =	ssyncadd.s32 $0xFFFF9C00  }
0x22: {  	[tilespmem:s7], [sflag:$0x1] =	stream.indirect.gather [hbm4b:s5+s6], $0x80, s20, s6, $0xb8;
	[tilespmem:$0x19400] =	vst v63  }
0x23: {  	_ =	swait.ge [sflag:s21], $0x6400  }
0x24: {  	[sflag:s21] =	ssyncset.done $0x0  }
0x25: {  	s22 =	sadd.s32 $0x2580, s23;
	[sflag:s21] =	ssyncadd.s32 $0xFFFF9C00  }
0x26: {  	[hbm4b:s22+s2] =	stream.linear.scatter [tilespmem:s16], [sflag:$0x8], $0x6400, $0x38;
	[tilespmem:$0x19400] =	vst v63  }
0x27: {  	_ =	swait.ge [sflag:s9], $0x6400  }
0x28: {  	[sflag:s9] =	ssyncset.done $0x0  }
0x29: {  	s24 =	simm.s32 $0x6;
	s23 =	sadd.s32 $0x3200, s23;
	[sflag:s9] =	ssyncadd.s32 $0xFFFF9C00  }
0x2a: {  	[hbm4b:s23+s2] =	stream.linear.scatter [tilespmem:s7], [sflag:$0x5], $0x6400, $0x38;
	[tilespmem:$0x19400] =	vst v63  }
0x2b: {  	_ =	swait.ge [sflag:s24], $0x6400  }
0x2c: {  	s28 =	ssub.s32 $0x2, s26;
	[sflag:s24] =	ssyncset.done $0x0  }
0x2d: {  	s25 =	simm.s32 $0x7;
	s29 =	sshrl.u32 s28, $0x1;
	[sflag:s24] =	ssyncadd.s32 $0xFFFF9C00  }
0x2e: {  	s28 =	ssub.s32 s28, s29;
	_ =	swait.ge [sflag:s25], $0x6400  }
0x2f: {  	s28 =	smax.u32 s28, $0x1;
	[sflag:s25] =	ssyncset.done $0x0  }
0x30: {  	s26 =	simm.s32 $0x8;
	p0 =	sne.s32 s28, $0x1;
	[sflag:s25] =	ssyncadd.s32 $0xFFFF9C00  }
.Ltmp0:
0x31: {  	_ =	swait.ge [sflag:s26], $0x6400;
	(pc) =	sbr.rel @!p0 .LBB2_2-.Ltmp0, $4  }
0x32: {  	[sflag:s26] =	ssyncset.done $0x0  }
0x33: {  	[sflag:s26] =	ssyncadd.s32 $0xFFFF9C00  }
0x34: {  	_ =	swait.ge [sflag:s18], $0x6400  }
0x35: {  	s28 =	sadd.s32 $0xFFFFFFFF, s28;
	[sflag:s18] =	ssyncset.done $0x0  }
.LBB2_1:
0x36: {  	p0 =	sne.s32 s28, $0x1;
	s28 =	sadd.s32 $0xFFFFFFFF, s28;
	[sflag:s18] =	ssyncadd.s32 $0xFFFF9C00  }
0x37: {  	[tilespmem:s2], [sflag:$0x9] =	stream.linear.gather [hbm4b:s3+s2], $0x3E8, $0x38;
	[tilespmem:$0x19400] =	vst v63  }
0x38: {  	_ =	swait.ge [sflag:s4], $0x3E8  }
0x39: {  	[sflag:s4] =	ssyncset.done $0x0  }
0x3a: {  	[sflag:s4] =	ssyncadd.s32 $0xFFFFFC18  }
0x3b: {  	[tilespmem:s7], [sflag:$0x1] =	stream.indirect.gather [hbm4b:s5+s6], $0x80, s2, s6, $0xb8;
	[tilespmem:$0x19400] =	vst v63  }
0x3c: {  	_ = 	snop  }
0x3d: {  	[tilespmem:s8], [sflag:$0x2] =	stream.indirect.gather [hbm4b:s5+s6], $0x80, s6, s6, $0xb8;
	[tilespmem:$0x19400] =	vst v63  }
0x3e: {  	_ =	swait.ge [sflag:s9], $0x6400  }
0x3f: {  	[sflag:s9] =	ssyncset.done $0x0  }
0x40: {  	[sflag:s9] =	ssyncadd.s32 $0xFFFF9C00  }
0x41: {  	[hbm4b:s10+s2] =	stream.linear.scatter [tilespmem:s7], [sflag:$0x5], $0x6400, $0x38;
	[tilespmem:$0x19400] =	vst v63  }
0x42: {  	_ = 	snop  }
0x43: {  	[tilespmem:s12], [sflag:$0x3] =	stream.indirect.gather [hbm4b:s5+s6], $0x80, s11, s6, $0xb8;
	[tilespmem:$0x19400] =	vst v63  }
0x44: {  	_ =	swait.ge [sflag:s13], $0x6400  }
0x45: {  	[sflag:s13] =	ssyncset.done $0x0  }
0x46: {  	[sflag:s13] =	ssyncadd.s32 $0xFFFF9C00  }
0x47: {  	[hbm4b:s14+s2] =	stream.linear.scatter [tilespmem:s8], [sflag:$0x6], $0x6400, $0x38;
	[tilespmem:$0x19400] =	vst v63  }
0x48: {  	_ = 	snop  }
0x49: {  	[tilespmem:s16], [sflag:$0x4] =	stream.indirect.gather [hbm4b:s5+s6], $0x80, s15, s6, $0xb8;
	[tilespmem:$0x19400] =	vst v63  }
0x4a: {  	_ =	swait.ge [sflag:s17], $0x6400  }
0x4b: {  	[sflag:s17] =	ssyncset.done $0x0  }
0x4c: {  	[sflag:s17] =	ssyncadd.s32 $0xFFFF9C00  }
0x4d: {  	[hbm4b:s19+s2] =	stream.linear.scatter [tilespmem:s12], [sflag:$0x7], $0x6400, $0x38;
	[tilespmem:$0x19400] =	vst v63  }
0x4e: {  	_ =	swait.ge [sflag:s18], $0x6400  }
0x4f: {  	[sflag:s18] =	ssyncset.done $0x0  }
0x50: {  	[sflag:s18] =	ssyncadd.s32 $0xFFFF9C00  }
0x51: {  	[tilespmem:s7], [sflag:$0x1] =	stream.indirect.gather [hbm4b:s5+s6], $0x80, s20, s6, $0xb8;
	[tilespmem:$0x19400] =	vst v63  }
0x52: {  	_ =	swait.ge [sflag:s21], $0x6400  }
0x53: {  	[sflag:s21] =	ssyncset.done $0x0  }
0x54: {  	[sflag:s21] =	ssyncadd.s32 $0xFFFF9C00  }
0x55: {  	[hbm4b:s22+s2] =	stream.linear.scatter [tilespmem:s16], [sflag:$0x8], $0x6400, $0x38;
	[tilespmem:$0x19400] =	vst v63  }
0x56: {  	_ =	swait.ge [sflag:s9], $0x6400  }
0x57: {  	[sflag:s9] =	ssyncset.done $0x0  }
0x58: {  	[sflag:s9] =	ssyncadd.s32 $0xFFFF9C00  }
0x59: {  	[hbm4b:s23+s2] =	stream.linear.scatter [tilespmem:s7], [sflag:$0x5], $0x6400, $0x38;
	[tilespmem:$0x19400] =	vst v63  }
0x5a: {  	_ =	swait.ge [sflag:s24], $0x6400  }
0x5b: {  	[sflag:s24] =	ssyncset.done $0x0  }
0x5c: {  	[sflag:s24] =	ssyncadd.s32 $0xFFFF9C00  }
0x5d: {  	_ =	swait.ge [sflag:s25], $0x6400  }
0x5e: {  	[sflag:s25] =	ssyncset.done $0x0  }
0x5f: {  	[sflag:s25] =	ssyncadd.s32 $0xFFFF9C00  }
.Ltmp1:
0x60: {  	_ =	swait.ge [sflag:s26], $0x6400;
	(pc) =	sbr.rel @p0 .LBB2_1-.Ltmp1, $4  }
0x61: {  	[sflag:s26] =	ssyncset.done $0x0  }
0x62: {  	[sflag:s26] =	ssyncadd.s32 $0xFFFF9C00  }
0x63: {  	_ =	swait.ge [sflag:s18], $0x6400  }
0x64: {  	[sflag:s18] =	ssyncset.done $0x0  }
.LBB2_2:
0x65: {  	[sflag:s18] =	ssyncadd.s32 $0xFFFF9C00  }
0x66: {  	_ =	sfence.sel $0x180000  }
0x67: {  	[bflag:$0x0] =	sbarrier.arrive $0xFFFF  }
0x68: {  	p0 =	sne.s32 s0, $0x0;
	_ =	strace $0x9000004A  }
0x69: {  	s0 =	sadd.s32 @!p0 $0x100000, s1;
	[bflag:$0x2] =	sbarrier.arrive $0xFFFF  }
0x6a: {  	[sflag:s0] =	ssyncadd.tile.s32 @!p0 $0x1;
	_ =	shalt  }
.Lfunc_end2:
_tile_overlayer_lowered:
.L_overlay_start_2:
0x6b: {  	(tag) =	ssettag $0x2  }
0x6c: {  	s0 =	rddreg [dreg:$0x0];
	s2 =	stileid.u32  }
0x6d: {  	s1 =	rddreg [dreg:$0x1];
	p0 =	sne.s32 s2, $0x0  }
0x6e: {  	s3 =	rddreg [dreg:$0x2];
	[bflag:$0x3] =	sbarrier.arrive $0xFFFF;
	s2 =	simm.s32 @!p0 $0x1C09  }
0x6f: {  	[timem:s3], [sflag:s2] =	dma.local @!p0 [hbm:s0], s1  }
0x70: {  	s0 =	simm.s32 @!p0 $0x9  }
0x71: {  	_ =	swait.ge @!p0 [sflag:s0], s1  }
0x72: {  	s1 =	ssub.s32 @!p0 $0x0, s1;
	[sflag:s0] =	ssyncset.done @!p0 $0x0  }
0x73: {  	[sflag:s0] =	ssyncadd.s32 @!p0 s1  }
0x74: {  	[bflag:$0x3] =	sbarrier.arrive $0xFFFF  }
0x75: {  	_ =	shalt  }

// kernel: kernel.25.cloned.1.call-start
scs
__scs_entry_jumppad:
0x0: {  	(pc) =	sbr.rel $0x88, $3  }
0x1: {  	(tag) =	ssettag $0x0;
	lr =	simm.s32 $0x1  }
0x2: {  	[smem:$0x3F99] =	sst lr;
	_ =	strace $0xD0000000  }
0x3: {  	_ = 	snop  }
0x4: {  	_ = 	snop  }
0x5: {  	_ = 	snop  }
0x6: {  	_ = 	snop  }
0x7: {  	_ = 	snop  }
__scs_overlays_trampoline_lowered:
0x8: {  	[smem:$0x3FA8] =	sst s0  }
0x9: {  	[smem:$0x3FA9] =	sst s1  }
0xa: {  	[smem:$0x3FAA] =	sst s2  }
0xb: {  	[smem:$0x3FAB] =	sst s3  }
0xc: {  	[smem:$0x3FAC] =	sst s4  }
0xd: {  	[smem:$0x3FAD] =	sst s5  }
0xe: {  	[smem:$0x3FAE] =	sst s6  }
0xf: {  	[smem:$0x3FAF] =	sst s7  }
0x10: {  	[smem:$0x3FB0] =	sst s8  }
0x11: {  	[smem:$0x3FB1] =	sst s9;
	s0 =	simm.s32 @!p0 $0x0  }
0x12: {  	s1 =	sld [smem:$0x3F97];
	s0 =	simm.s32 @p0 $0x1  }
0x13: {  	[smem:$0x3FB2] =	sst s0;
	s0 =	simm.s32 @!p1 $0x0  }
0x14: {  	s2 =	sld [smem:$0x3F96];
	s0 =	simm.s32 @p1 $0x1  }
0x15: {  	[smem:$0x3FB3] =	sst s0;
	s0 =	simm.s32 @!p2 $0x0  }
0x16: {  	s3 =	sld [smem:$0x3FDB];
	s0 =	simm.s32 @p2 $0x1  }
0x17: {  	s4 =	simm.s32 $0x1BF5;
	[smem:$0x3FB5] =	sst s0  }
0x18: {  	s0 =	sld [smem:$0x3F98];
	_ =	swait.ge [sflag:s4], $0x0  }
0x19: {  	s7 =	sld [smem:$0x3F99]  }
0x1a: {  	s8 =	sadd.s32 $0xFFFFE003, lr  }
0x1b: {  	s9 =	sadd.s32 $0xFFFFFEF7, lr;
	s5 =	simm.s32 $0xFFFFFFFF;
	p2 =	slt.u32 s8, $0xFFFFF086  }
0x1c: {  	p1 =	slt.u32 s9, $0xF7A;
	s5 =	simm.s32 @!p2 $0x0  }
0x1d: {  	s5 =	simm.s32 @p1 $0x1;
	p0 =	seq.s32 s7, s2  }
0x1e: {  	s7 =	smul.u32 @!p0 $0xF7A, s2;
	p2 =	seq.s32 @!p0 s5, $0x0  }
0x1f: {  	s9 =	smul.u32 $0xF7A, s1;
	s8 =	simm.s32 @!p0 $0x1BF5;
	p2 =	por !p2, p0  }
0x20: {  	[sflag:s8] =	ssyncset.s32 @!p0 $0xFFFFF086;
	s6 =	sadd.s32 @!p0 s3, s7;
	s7 =	simm.s32 @!p0 $0x108  }
0x21: {  	s3 =	sadd.s32 s3, s9;
	s6 =	sadd.s32 @!p0 $0x88, s6;
	s7 =	simm.s32 @p2 $0x1082  }
0x22: {  	[simem:s7], [sflag:s8] =	dma.local @!p0 [hbm:s6], $0xF7A  }
0x23: {  	s9 =	sor.u32 $0xD0000000, s2;
	s6 =	simm.s32 $0x108;
	_ =	swait.ge @!p0 [sflag:s8], $0x0  }
0x24: {  	s3 =	sadd.s32 $0x88, s3;
	s6 =	simm.s32 @!p1 $0x1082;
	[sflag:s4] =	ssyncset.s32 $0xFFFFF086  }
0x25: {  	[simem:s6], [sflag:s4] =	dma.local [hbm:s3], $0xF7A  }
0x26: {  	[smem:$0x3F99] =	sst s1;
	(tag) =	ssettag s2;
	_ =	strace s9  }
0x27: {  	s1 =	sld [smem:$0x3FA9]  }
0x28: {  	s2 =	sld [smem:$0x3FAA]  }
0x29: {  	s4 =	sld [smem:$0x3FAC]  }
0x2a: {  	p0 =	seq.s32 s5, $0x0;
	s5 =	sld [smem:$0x3FAD]  }
0x2b: {  	s6 =	sld [smem:$0x3FAE]  }
0x2c: {  	s7 =	sld [smem:$0x3FAF]  }
0x2d: {  	s3 =	simm.s32 $0x108;
	s8 =	sld [smem:$0x3FB0]  }
0x2e: {  	s3 =	simm.s32 @!p0 $0x1082;
	s9 =	sld [smem:$0x3FB1]  }
0x2f: {  	lr =	sadd.s32 s0, s3;
	s0 =	sld [smem:$0x3FA8]  }
0x30: {  	s3 =	sld [smem:$0x3FAB]  }
0x31: {  	[smem:$0x3FB4] =	sst s10  }
0x32: {  	s10 =	sld [smem:$0x3FB2];
	_ =	sdelay $0x3  }
0x33: {  	p0 =	seq.s32 s10, $0x1;
	s10 =	sld [smem:$0x3FB4];
	_ =	sdelay $0x3  }
0x34: {  	[smem:$0x3FB4] =	sst s10  }
0x35: {  	s10 =	sld [smem:$0x3FB3];
	_ =	sdelay $0x3  }
0x36: {  	p1 =	seq.s32 s10, $0x1;
	s10 =	sld [smem:$0x3FB4];
	_ =	sdelay $0x3  }
0x37: {  	[smem:$0x3FB4] =	sst s10  }
0x38: {  	s10 =	sld [smem:$0x3FB5]  }
0x39: {  	_ = 	snop;
	(pc) =	sbr.ind lr, $3  }
0x3a: {  	_ = 	snop  }
0x3b: {  	_ = 	snop  }
0x3c: {  	p2 =	seq.s32 s10, $0x1;
	s10 =	sld [smem:$0x3FB4]  }
0x3d: {  	_ =	shalt  }
0x3e: {  	_ =	shalt  }
0x3f: {  	_ =	shalt  }
0x40: {  	_ =	shalt  }
0x41: {  	_ =	shalt  }
0x42: {  	_ =	shalt  }
0x43: {  	_ =	shalt  }
0x44: {  	_ =	shalt  }
0x45: {  	_ =	shalt  }
0x46: {  	_ =	shalt  }
0x47: {  	_ =	shalt  }
0x48: {  	_ =	shalt  }
0x49: {  	_ =	shalt  }
0x4a: {  	_ =	shalt  }
0x4b: {  	_ =	shalt  }
0x4c: {  	_ =	shalt  }
0x4d: {  	_ =	shalt  }
0x4e: {  	_ =	shalt  }
0x4f: {  	_ =	shalt  }
0x50: {  	_ =	shalt  }
0x51: {  	_ =	shalt  }
0x52: {  	_ =	shalt  }
0x53: {  	_ =	shalt  }
0x54: {  	_ =	shalt  }
0x55: {  	_ =	shalt  }
0x56: {  	_ =	shalt  }
0x57: {  	_ =	shalt  }
0x58: {  	_ =	shalt  }
0x59: {  	_ =	shalt  }
0x5a: {  	_ =	shalt  }
0x5b: {  	_ =	shalt  }
0x5c: {  	_ =	shalt  }
0x5d: {  	_ =	shalt  }
0x5e: {  	_ =	shalt  }
0x5f: {  	_ =	shalt  }
0x60: {  	_ =	shalt  }
0x61: {  	_ =	shalt  }
0x62: {  	_ =	shalt  }
0x63: {  	_ =	shalt  }
0x64: {  	_ =	shalt  }
0x65: {  	_ =	shalt  }
0x66: {  	_ =	shalt  }
0x67: {  	_ =	shalt  }
0x68: {  	_ =	shalt  }
0x69: {  	_ =	shalt  }
0x6a: {  	_ =	shalt  }
0x6b: {  	_ =	shalt  }
0x6c: {  	_ =	shalt  }
0x6d: {  	_ =	shalt  }
0x6e: {  	_ =	shalt  }
0x6f: {  	_ =	shalt  }
0x70: {  	_ =	shalt  }
0x71: {  	_ =	shalt  }
0x72: {  	_ =	shalt  }
0x73: {  	_ =	shalt  }
0x74: {  	_ =	shalt  }
0x75: {  	_ =	shalt  }
0x76: {  	_ =	shalt  }
0x77: {  	_ =	shalt  }
0x78: {  	_ =	shalt  }
0x79: {  	_ =	shalt  }
0x7a: {  	_ =	shalt  }
0x7b: {  	_ =	shalt  }
0x7c: {  	_ =	shalt  }
0x7d: {  	_ =	shalt  }
0x7e: {  	_ =	shalt  }
0x7f: {  	_ =	shalt  }
0x80: {  	_ =	shalt  }
0x81: {  	_ =	shalt  }
0x82: {  	_ =	shalt  }
0x83: {  	_ =	shalt  }
0x84: {  	_ =	shalt  }
0x85: {  	_ =	shalt  }
0x86: {  	_ =	shalt  }
0x87: {  	_ =	shalt  }
.Lfunc_end0:
.L_simem_size_0:
called_computation.4_lowered:
.L_overlay_start_0:
0x88: {  	s2 =	sld [smem:$0x3FD9]  }
0x89: {  	s3 =	sld [smem:$0x3FFE];
	_ =	sdelay $0x1  }
0x8a: {  	s1 =	srdreg.scid  }
0x8b: {  	s0 =	sand.u32 $0x1, s1  }
0x8c: {  	s16 =	sshll.u32 s0, $0xA;
	s2 =	sadd.s32 s3, s2  }
0x8d: {  	s2 =	sadd.s32 s2, s16  }
0x8e: {  	[smem:$0x3FC0] =	sst s2  }
0x8f: {  	_ = 	snop  }
0x90: {  	(tm) =	ssettm $0x1  }
0x91: {  	s17 =	sld [smem:$0x3FFB];
	_ =	sdelay $0x3  }
0x92: {  	_ =	strace s17  }
0x93: {  	s2 =	sld [smem:$0x3FFC];
	_ =	sdelay $0x3  }
0x94: {  	_ =	strace s2  }
0x95: {  	s2 =	sld [smem:$0x3FFD];
	_ =	sdelay $0x3  }
0x96: {  	_ =	strace s2  }
0x97: {  	_ =	strace $0x8FFFFFFF  }
0x98: {  	s18 =	sld [smem:$0x3FDB];
	_ =	sdelay $0x1  }
0x99: {  	s19 =	simm.s32 $_scs_section_size  }
0x9a: {  	s4 =	simm.s32 $_size__tile_overlayer_lowered;
	s5 =	simm.s32 $_tile_overlayer_lowered  }
0x9b: {  	s22 =	simm.s32 $0x1BFF;
	s21 =	sshll.u32 s5, $0x1;
	s2 =	sadd.s32 s19, s18  }
0x9c: {  	s6 =	simm.s32 $0x0;
	s20 =	sshll.u32 s4, $0x1;
	s4 =	sadd.s32 s21, s2  }
0x9d: {  	[timem:s6], [sflag:s22] =	dma.local [hbm:s4], s20  }
0x9e: {  	_ =	swait.ge [sflag:s22], s20  }
0x9f: {  	s3 =	ssub.s32 $0x0, s20;
	[sflag:s22] =	ssyncset.done $0x0  }
0xa0: {  	[sflag:s22] =	ssyncadd.s32 s3;
	_ =	sdelay $0x1  }
0xa1: {  	s23 =	simm.s32 $0x1B8B  }
0xa2: {  	_ =	swait.ge [sflag:s23], $0x1  }
0xa3: {  	[sflag:s23] =	ssyncset.done $0x0  }
0xa4: {  	s25 =	simm.s32 $0x1B8E;
	s24 =	sld [smem:$0x3FFE];
	[sflag:s23] =	ssyncadd.s32 $0xFFFFFFFF  }
0xa5: {  	s26 =	simm.s32 $execute0_lowered;
	[smem:$0x3FD2] =	sst s25  }
0xa6: {  	s4 =	sshll.u32 s26, $0x1;
	_ =	strace $0x80000046;
	[dreg:$0x1] =	wrdreg $0xFFFFFFFF  }
0xa7: {  	s28 =	simm.s32 $_size_execute0_lowered;
	s2 =	sadd.s32 s2, s4;
	[dreg:$0x0] =	wrdreg $0x0  }
0xa8: {  	s4 =	sshll.u32 s28, $0x1;
	[dreg:$0x2] =	wrdreg s2  }
0xa9: {  	[dreg:$0x3] =	wrdreg s4  }
0xaa: {  	[dreg:$0x4] =	wrdreg $0xC0  }
0xab: {  	_ =	task [dreg:s6], $0x5FFFF  }
0xac: {  	[dreg:$0x1] =	wrdreg $0xFFFFFFFF  }
0xad: {  	[dreg:$0x0] =	wrdreg $0x60  }
0xae: {  	[dreg:$0x2] =	wrdreg s24  }
0xaf: {  	[dreg:$0x3] =	wrdreg $0xD  }
0xb0: {  	_ =	task.clear_ibuf [dreg:s6], $0x4FFFF;
	_ =	strace $0x90000046  }
0xb1: {  	s29 =	simm.s32 $0xD;
	_ =	strace $0x80000048  }
0xb2: {  	_ =	swait.ge [sflag:s29], $0x1  }
0xb3: {  	[sflag:s29] =	ssyncadd.s32 $0xFFFFFFFF  }
0xb4: {  	_ =	strace $0x90000048  }
0xb5: {  	_ =	sfence  }
0xb6: {  	s30 =	sld [smem:$0x0];
	_ =	sdelay $0x2  }
0xb7: {  	s31 =	sshll.u32 s1, $0xD;
	s1 =	sshrl.u32 s1, $0x2  }
0xb8: {  	s3 =	sand.u32 $0x4000, s31;
	s1 =	sadd.s32 s1, s30  }
0xb9: {  	s0 =	sor.u32 s3, s0;
	s1 =	sshll.u32 s1, $0x11  }
0xba: {  	s0 =	sor.u32 s1, s0  }
0xbb: {  	s0 =	sadd.s32 $0x8F2B, s0  }
0xbc: {  	[sflag:s0] =	ssyncadd.remote.s32 $0x1  }
0xbd: {  	_ =	sfence.sel $0xFFFF  }
0xbe: {  	[dreg:$0x0] =	wrdreg $0xFFFFFFFF;
	(pc) =	sbr.abs _section_cstart, $3  }
0xbf: {  	[dreg:$0x1] =	wrdreg $0xFFFFFFFF  }
0xc0: {  	_ =	task.clear_ibuf [dreg:s6], $0x2FFFF;
	_ =	strace $0x9FFFFFFF  }
0xc1: {  	(tm) =	ssettm $0x7FFFFFFF  }
tec
execute0_lowered:
.L_overlay_start_1:
0x0: {  	(tag) =	ssettag $0x1  }
0x1: {  	s1 =	srdreg.scid;
	s0 =	stileid.u32  }
0x2: {  	s26 =	sand.u32 $0x1, s1;
	s31 =	sshll.u32 s0, $0x1  }
0x3: {  	s11 =	sor.u32 s26, s31  }
0x4: {  	s3 =	smul.u32 $0x7D, s11  }
0x5: {  	s10 =	rddreg [dreg:$0x0];
	s2 =	simm.s32 $0x0  }
0x6: {  	s4 =	simm.s32 $0x9;
	[smem:$0x7FF] =	sst s2;
	s3 =	sadd.s32 s3, s10  }
0x7: {  	s1 =	rddreg [dreg:$0x1];
	_ =	strace $0x80000047;
	s3 =	sadd.s32 $0x3400, s3  }
0x8: {  	[tilespmem:s2], [sflag:$0x9] =	stream.linear.gather [hbm4b:s3+s2], $0x3E8, $0x38;
	[tilespmem:$0x19400] =	vst v63  }
0x9: {  	_ =	swait.ge [sflag:s4], $0x3E8  }
0xa: {  	s6 =	simm.s32 $0xC8;
	[sflag:s4] =	ssyncset.done $0x0  }
0xb: {  	s7 =	simm.s32 $0x400;
	s5 =	sadd.s32 $0x4400, s10;
	[sflag:s4] =	ssyncadd.s32 $0xFFFFFC18  }
0xc: {  	[tilespmem:s7], [sflag:$0x1] =	stream.indirect.gather [hbm4b:s5+s6], $0x80, s2, s6, $0xb8;
	[tilespmem:$0x19400] =	vst v63  }
0xd: {  	s8 =	simm.s32 $0x6800;
	s9 =	simm.s32 $0x1  }
0xe: {  	[tilespmem:s8], [sflag:$0x2] =	stream.indirect.gather [hbm4b:s5+s6], $0x80, s6, s6, $0xb8;
	[tilespmem:$0x19400] =	vst v63  }
0xf: {  	s12 =	smul.u32 $0x3E80, s11;
	_ =	swait.ge [sflag:s9], $0x6400  }
0x10: {  	s14 =	sadd.s32 $0x2B600, s10;
	[sflag:s9] =	ssyncset.done $0x0  }
0x11: {  	s13 =	simm.s32 $0x2;
	s10 =	sadd.s32 s14, s12;
	[sflag:s9] =	ssyncadd.s32 $0xFFFF9C00  }
0x12: {  	[hbm4b:s10+s2] =	stream.linear.scatter [tilespmem:s7], [sflag:$0x5], $0x6400, $0x38;
	[tilespmem:$0x19400] =	vst v63  }
0x13: {  	s15 =	smul.u32 $0x1F400, s11;
	s11 =	simm.s32 $0x190;
	s12 =	simm.s32 $0xCC00  }
0x14: {  	[tilespmem:s12], [sflag:$0x3] =	stream.indirect.gather [hbm4b:s5+s6], $0x80, s11, s6, $0xb8;
	[tilespmem:$0x19400] =	vst v63  }
0x15: {  	s15 =	sshrl.u32 s15, $0x3;
	_ =	swait.ge [sflag:s13], $0x6400  }
0x16: {  	s23 =	sadd.s32 s14, s15;
	[sflag:s13] =	ssyncset.done $0x0  }
0x17: {  	s14 =	sadd.s32 $0xC80, s23;
	[sflag:s13] =	ssyncadd.s32 $0xFFFF9C00  }
0x18: {  	[hbm4b:s14+s2] =	stream.linear.scatter [tilespmem:s8], [sflag:$0x6], $0x6400, $0x38;
	[tilespmem:$0x19400] =	vst v63  }
0x19: {  	s16 =	simm.s32 $0x13000;
	s17 =	simm.s32 $0x3;
	s15 =	simm.s32 $0x258  }
0x1a: {  	[tilespmem:s16], [sflag:$0x4] =	stream.indirect.gather [hbm4b:s5+s6], $0x80, s15, s6, $0xb8;
	[tilespmem:$0x19400] =	vst v63  }
0x1b: {  	_ =	swait.ge [sflag:s17], $0x6400  }
0x1c: {  	[sflag:s17] =	ssyncset.done $0x0  }
0x1d: {  	s18 =	simm.s32 $0x5;
	s19 =	sadd.s32 $0x1900, s23;
	[sflag:s17] =	ssyncadd.s32 $0xFFFF9C00  }
0x1e: {  	[hbm4b:s19+s2] =	stream.linear.scatter [tilespmem:s12], [sflag:$0x7], $0x6400, $0x38;
	[tilespmem:$0x19400] =	vst v63  }
0x1f: {  	_ =	swait.ge [sflag:s18], $0x6400  }
0x20: {  	[sflag:s18] =	ssyncset.done $0x0  }
0x21: {  	s20 =	simm.s32 $0x320;
	s21 =	simm.s32 $0x4;
	[sflag:s18] =	ssyncadd.s32 $0xFFFF9C00  }
0x22: {  	[tilespmem:s7], [sflag:$0x1] =	stream.indirect.gather [hbm4b:s5+s6], $0x80, s20, s6, $0xb8;
	[tilespmem:$0x19400] =	vst v63  }
0x23: {  	_ =	swait.ge [sflag:s21], $0x6400  }
0x24: {  	[sflag:s21] =	ssyncset.done $0x0  }
0x25: {  	s22 =	sadd.s32 $0x2580, s23;
	[sflag:s21] =	ssyncadd.s32 $0xFFFF9C00  }
0x26: {  	[hbm4b:s22+s2] =	stream.linear.scatter [tilespmem:s16], [sflag:$0x8], $0x6400, $0x38;
	[tilespmem:$0x19400] =	vst v63  }
0x27: {  	_ =	swait.ge [sflag:s9], $0x6400  }
0x28: {  	[sflag:s9] =	ssyncset.done $0x0  }
0x29: {  	s24 =	simm.s32 $0x6;
	s23 =	sadd.s32 $0x3200, s23;
	[sflag:s9] =	ssyncadd.s32 $0xFFFF9C00  }
0x2a: {  	[hbm4b:s23+s2] =	stream.linear.scatter [tilespmem:s7], [sflag:$0x5], $0x6400, $0x38;
	[tilespmem:$0x19400] =	vst v63  }
0x2b: {  	_ =	swait.ge [sflag:s24], $0x6400  }
0x2c: {  	s28 =	ssub.s32 $0x2, s26;
	[sflag:s24] =	ssyncset.done $0x0  }
0x2d: {  	s25 =	simm.s32 $0x7;
	s29 =	sshrl.u32 s28, $0x1;
	[sflag:s24] =	ssyncadd.s32 $0xFFFF9C00  }
0x2e: {  	s28 =	ssub.s32 s28, s29;
	_ =	swait.ge [sflag:s25], $0x6400  }
0x2f: {  	s28 =	smax.u32 s28, $0x1;
	[sflag:s25] =	ssyncset.done $0x0  }
0x30: {  	s26 =	simm.s32 $0x8;
	p0 =	sne.s32 s28, $0x1;
	[sflag:s25] =	ssyncadd.s32 $0xFFFF9C00  }
.Ltmp0:
0x31: {  	_ =	swait.ge [sflag:s26], $0x6400;
	(pc) =	sbr.rel @!p0 .LBB2_2-.Ltmp0, $4  }
0x32: {  	[sflag:s26] =	ssyncset.done $0x0  }
0x33: {  	[sflag:s26] =	ssyncadd.s32 $0xFFFF9C00  }
0x34: {  	_ =	swait.ge [sflag:s18], $0x6400  }
0x35: {  	s28 =	sadd.s32 $0xFFFFFFFF, s28;
	[sflag:s18] =	ssyncset.done $0x0  }
.LBB2_1:
0x36: {  	p0 =	sne.s32 s28, $0x1;
	s28 =	sadd.s32 $0xFFFFFFFF, s28;
	[sflag:s18] =	ssyncadd.s32 $0xFFFF9C00  }
0x37: {  	[tilespmem:s2], [sflag:$0x9] =	stream.linear.gather [hbm4b:s3+s2], $0x3E8, $0x38;
	[tilespmem:$0x19400] =	vst v63  }
0x38: {  	_ =	swait.ge [sflag:s4], $0x3E8  }
0x39: {  	[sflag:s4] =	ssyncset.done $0x0  }
0x3a: {  	[sflag:s4] =	ssyncadd.s32 $0xFFFFFC18  }
0x3b: {  	[tilespmem:s7], [sflag:$0x1] =	stream.indirect.gather [hbm4b:s5+s6], $0x80, s2, s6, $0xb8;
	[tilespmem:$0x19400] =	vst v63  }
0x3c: {  	_ = 	snop  }
0x3d: {  	[tilespmem:s8], [sflag:$0x2] =	stream.indirect.gather [hbm4b:s5+s6], $0x80, s6, s6, $0xb8;
	[tilespmem:$0x19400] =	vst v63  }
0x3e: {  	_ =	swait.ge [sflag:s9], $0x6400  }
0x3f: {  	[sflag:s9] =	ssyncset.done $0x0  }
0x40: {  	[sflag:s9] =	ssyncadd.s32 $0xFFFF9C00  }
0x41: {  	[hbm4b:s10+s2] =	stream.linear.scatter [tilespmem:s7], [sflag:$0x5], $0x6400, $0x38;
	[tilespmem:$0x19400] =	vst v63  }
0x42: {  	_ = 	snop  }
0x43: {  	[tilespmem:s12], [sflag:$0x3] =	stream.indirect.gather [hbm4b:s5+s6], $0x80, s11, s6, $0xb8;
	[tilespmem:$0x19400] =	vst v63  }
0x44: {  	_ =	swait.ge [sflag:s13], $0x6400  }
0x45: {  	[sflag:s13] =	ssyncset.done $0x0  }
0x46: {  	[sflag:s13] =	ssyncadd.s32 $0xFFFF9C00  }
0x47: {  	[hbm4b:s14+s2] =	stream.linear.scatter [tilespmem:s8], [sflag:$0x6], $0x6400, $0x38;
	[tilespmem:$0x19400] =	vst v63  }
0x48: {  	_ = 	snop  }
0x49: {  	[tilespmem:s16], [sflag:$0x4] =	stream.indirect.gather [hbm4b:s5+s6], $0x80, s15, s6, $0xb8;
	[tilespmem:$0x19400] =	vst v63  }
0x4a: {  	_ =	swait.ge [sflag:s17], $0x6400  }
0x4b: {  	[sflag:s17] =	ssyncset.done $0x0  }
0x4c: {  	[sflag:s17] =	ssyncadd.s32 $0xFFFF9C00  }
0x4d: {  	[hbm4b:s19+s2] =	stream.linear.scatter [tilespmem:s12], [sflag:$0x7], $0x6400, $0x38;
	[tilespmem:$0x19400] =	vst v63  }
0x4e: {  	_ =	swait.ge [sflag:s18], $0x6400  }
0x4f: {  	[sflag:s18] =	ssyncset.done $0x0  }
0x50: {  	[sflag:s18] =	ssyncadd.s32 $0xFFFF9C00  }
0x51: {  	[tilespmem:s7], [sflag:$0x1] =	stream.indirect.gather [hbm4b:s5+s6], $0x80, s20, s6, $0xb8;
	[tilespmem:$0x19400] =	vst v63  }
0x52: {  	_ =	swait.ge [sflag:s21], $0x6400  }
0x53: {  	[sflag:s21] =	ssyncset.done $0x0  }
0x54: {  	[sflag:s21] =	ssyncadd.s32 $0xFFFF9C00  }
0x55: {  	[hbm4b:s22+s2] =	stream.linear.scatter [tilespmem:s16], [sflag:$0x8], $0x6400, $0x38;
	[tilespmem:$0x19400] =	vst v63  }
0x56: {  	_ =	swait.ge [sflag:s9], $0x6400  }
0x57: {  	[sflag:s9] =	ssyncset.done $0x0  }
0x58: {  	[sflag:s9] =	ssyncadd.s32 $0xFFFF9C00  }
0x59: {  	[hbm4b:s23+s2] =	stream.linear.scatter [tilespmem:s7], [sflag:$0x5], $0x6400, $0x38;
	[tilespmem:$0x19400] =	vst v63  }
0x5a: {  	_ =	swait.ge [sflag:s24], $0x6400  }
0x5b: {  	[sflag:s24] =	ssyncset.done $0x0  }
0x5c: {  	[sflag:s24] =	ssyncadd.s32 $0xFFFF9C00  }
0x5d: {  	_ =	swait.ge [sflag:s25], $0x6400  }
0x5e: {  	[sflag:s25] =	ssyncset.done $0x0  }
0x5f: {  	[sflag:s25] =	ssyncadd.s32 $0xFFFF9C00  }
.Ltmp1:
0x60: {  	_ =	swait.ge [sflag:s26], $0x6400;
	(pc) =	sbr.rel @p0 .LBB2_1-.Ltmp1, $4  }
0x61: {  	[sflag:s26] =	ssyncset.done $0x0  }
0x62: {  	[sflag:s26] =	ssyncadd.s32 $0xFFFF9C00  }
0x63: {  	_ =	swait.ge [sflag:s18], $0x6400  }
0x64: {  	[sflag:s18] =	ssyncset.done $0x0  }
.LBB2_2:
0x65: {  	[sflag:s18] =	ssyncadd.s32 $0xFFFF9C00  }
0x66: {  	_ =	sfence.sel $0x180000  }
0x67: {  	[bflag:$0x0] =	sbarrier.arrive $0xFFFF  }
0x68: {  	p0 =	sne.s32 s0, $0x0;
	_ =	strace $0x90000047  }
0x69: {  	s0 =	sadd.s32 @!p0 $0x100000, s1;
	[bflag:$0x2] =	sbarrier.arrive $0xFFFF  }
0x6a: {  	[sflag:s0] =	ssyncadd.tile.s32 @!p0 $0x1;
	_ =	shalt  }
.Lfunc_end2:
_tile_overlayer_lowered:
.L_overlay_start_2:
0x6b: {  	(tag) =	ssettag $0x2  }
0x6c: {  	s0 =	rddreg [dreg:$0x0];
	s2 =	stileid.u32  }
0x6d: {  	s1 =	rddreg [dreg:$0x1];
	p0 =	sne.s32 s2, $0x0  }
0x6e: {  	s3 =	rddreg [dreg:$0x2];
	[bflag:$0x3] =	sbarrier.arrive $0xFFFF;
	s2 =	simm.s32 @!p0 $0x1C09  }
0x6f: {  	[timem:s3], [sflag:s2] =	dma.local @!p0 [hbm:s0], s1  }
0x70: {  	s0 =	simm.s32 @!p0 $0x9  }
0x71: {  	_ =	swait.ge @!p0 [sflag:s0], s1  }
0x72: {  	s1 =	ssub.s32 @!p0 $0x0, s1;
	[sflag:s0] =	ssyncset.done @!p0 $0x0  }
0x73: {  	[sflag:s0] =	ssyncadd.s32 @!p0 s1  }
0x74: {  	[bflag:$0x3] =	sbarrier.arrive $0xFFFF  }
0x75: {  	_ =	shalt  }

</sc_bundles>
